<compile_context>
chip_gen: v7x
topology: tpu7x:2x2x1
jax: 0.10.2.dev20260603
libtpu: 0.0.44.dev20260713+nightly
codegen_flags: <defaults>
</compile_context>

<pallas_src>
import functools

import jax
import jax.numpy as jnp
from jax import lax
from jax.experimental import pallas as pl
from jax.experimental.pallas import tpu as pltpu
from jax.experimental.pallas import tpu_sc as plsc

N_NODES = 10000
D_FEAT = 128
HIDDEN = 64
NEG_SLOPE = 0.01
N_EDGES = 320000

NC = 2
NS = 16
L = 16
NW = NC * NS

CHUNK = 128
CH_PER_W = 80
E_PAD = NW * CH_PER_W * CHUNK
N_PAD = 10240
NP2 = N_PAD // 2
PK = 2 * HIDDEN
ROWS_PER_TILE = N_PAD // NS
NV = CH_PER_W * CHUNK // L

_MESH = plsc.VectorSubcoreMesh(core_axis_name="c", subcore_axis_name="s")
_SC_PARAMS = pltpu.CompilerParams(use_tc_tiling_on_sc=False,
                                  needs_layout_passes=False)


def _worker_ids():
    cid = lax.axis_index("c")
    sid = lax.axis_index("s")
    return cid, sid, sid * NC + cid


def _deg_body(dst_hbm, out_hbm, dst_v, red_v):
    cid, sid, wid = _worker_ids()
    pltpu.sync_copy(dst_hbm.at[wid], dst_v)
    ones16 = jnp.full((L,), 1.0, jnp.float32)
    zeros16 = jnp.zeros((L,), jnp.float32)

    def zb(i, c):
        red_v[pl.ds(i * L, L)] = zeros16
        return c

    lax.fori_loop(0, N_PAD // L, zb, 0)

    def cb(i, c):
        idx = dst_v[i // 8, pl.ds((i % 8) * L, L)]
        addr = (idx & 1) * NP2 + (idx >> 1)
        plsc.addupdate_scatter(red_v, [addr], ones16)
        return c

    lax.fori_loop(0, NV, cb, 0)
    pltpu.sync_copy(red_v, out_hbm.at[wid])


_deg = functools.partial(
    pl.kernel,
    out_type=jax.ShapeDtypeStruct((NW, N_PAD), jnp.float32),
    mesh=_MESH,
    compiler_params=_SC_PARAMS,
    scratch_types=[
        pltpu.VMEM((CH_PER_W, CHUNK), jnp.int32),
        pltpu.VMEM((N_PAD,), jnp.float32),
    ],
)(_deg_body)


NBUF = 4


def _agg_body(u_hbm, src_hbm, dst_hbm, zeros_hbm, out_hbm,
              src_v, dst_v, rows_v, agg_sh,
              zsem, g0, g1, g2, g3, s0, s1, s2, s3):
    cid, sid, wid = _worker_ids()
    base = sid * ROWS_PER_TILE
    pltpu.sync_copy(src_hbm.at[wid], src_v)
    pltpu.sync_copy(dst_hbm.at[wid], dst_v)
    pltpu.async_copy(zeros_hbm.at[pl.ds(base, ROWS_PER_TILE)],
                     agg_sh.at[pl.ds(base, ROWS_PER_TILE)], zsem)
    gs = (g0, g1, g2, g3)
    ss = (s0, s1, s2, s3)
    for b in range(NBUF - 1):
        pltpu.async_copy(u_hbm.at[src_v.at[b]], rows_v.at[b], gs[b])
    pltpu.make_async_copy(zeros_hbm.at[pl.ds(base, ROWS_PER_TILE)],
                          agg_sh.at[pl.ds(base, ROWS_PER_TILE)], zsem).wait()
    plsc.subcore_barrier()

    def body(g, carry):
        for b in range(NBUF):
            j = g * NBUF + b
            bb = (b + NBUF - 1) % NBUF

            @pl.when((j >= 1) & (j + NBUF - 1 < CH_PER_W))
            def _():
                pltpu.make_async_copy(rows_v.at[bb],
                                      agg_sh.at[dst_v.at[j - 1]],
                                      ss[bb]).wait()
                pltpu.async_copy(u_hbm.at[src_v.at[j + NBUF - 1]],
                                 rows_v.at[bb], gs[bb])

            @pl.when(j == 0)
            def _():
                pltpu.async_copy(u_hbm.at[src_v.at[NBUF - 1]],
                                 rows_v.at[NBUF - 1], gs[NBUF - 1])

            pltpu.make_async_copy(u_hbm.at[src_v.at[j]], rows_v.at[b],
                                  gs[b]).wait()
            pltpu.async_copy(rows_v.at[b], agg_sh.at[dst_v.at[j]], ss[b],
                             add=True)
        return carry

    lax.fori_loop(0, CH_PER_W // NBUF, body, 0)
    for b in range(NBUF):
        pltpu.make_async_copy(rows_v.at[b],
                              agg_sh.at[dst_v.at[CH_PER_W - NBUF + b]],
                              ss[b]).wait()
    plsc.subcore_barrier()
    pltpu.sync_copy(agg_sh.at[pl.ds(base, ROWS_PER_TILE)],
                    out_hbm.at[cid, pl.ds(base, ROWS_PER_TILE)])


_agg = functools.partial(
    pl.kernel,
    out_type=jax.ShapeDtypeStruct((NC, N_PAD, HIDDEN), jnp.float32),
    mesh=_MESH,
    compiler_params=_SC_PARAMS,
    scratch_types=[
        pltpu.VMEM((CH_PER_W, CHUNK), jnp.int32),
        pltpu.VMEM((CH_PER_W, CHUNK), jnp.int32),
        pltpu.VMEM((NBUF, CHUNK, HIDDEN), jnp.float32),
        pltpu.VMEM_SHARED((N_PAD, HIDDEN), jnp.float32),
        pltpu.SemaphoreType.DMA,
        pltpu.SemaphoreType.DMA,
        pltpu.SemaphoreType.DMA,
        pltpu.SemaphoreType.DMA,
        pltpu.SemaphoreType.DMA,
        pltpu.SemaphoreType.DMA,
        pltpu.SemaphoreType.DMA,
        pltpu.SemaphoreType.DMA,
        pltpu.SemaphoreType.DMA,
    ],
)(_agg_body)


def _tc_xw_body(x2_ref, w2_ref, h2_ref):
    h2_ref[...] = jnp.dot(x2_ref[...], w2_ref[...],
                          preferred_element_type=jnp.float32)


_tc_xw = pl.pallas_call(
    _tc_xw_body,
    out_shape=jax.ShapeDtypeStruct((NP2, PK), jnp.float32),
)


def _tc_scale_body(degp_ref, bsel_ref, h2_ref, u2_ref, dinv2_ref):
    deg2 = lax.dot_general(degp_ref[...], bsel_ref[...],
                           (((0,), (0,)), ((), ())),
                           preferred_element_type=jnp.float32)
    dinv2 = lax.rsqrt(deg2 + 1.0)
    u2_ref[...] = h2_ref[...] * dinv2
    dinv2_ref[...] = dinv2


_tc_scale = pl.pallas_call(
    _tc_scale_body,
    out_shape=[
        jax.ShapeDtypeStruct((NP2, PK), jnp.float32),
        jax.ShapeDtypeStruct((NP2, PK), jnp.float32),
    ],
)


def _tc_mid_body(agg_ref, u2_ref, dinv2_ref, b2_ref, w2_ref, unext_ref):
    a = agg_ref[...]
    dinv2 = dinv2_ref[...]
    z = (a[0] + a[1] + u2_ref[...]) * dinv2 + b2_ref[...]
    h = jnp.where(z >= 0, z, NEG_SLOPE * z)
    unext_ref[...] = jnp.dot(h, w2_ref[...],
                             preferred_element_type=jnp.float32) * dinv2


_tc_mid = pl.pallas_call(
    _tc_mid_body,
    out_shape=jax.ShapeDtypeStruct((NP2, PK), jnp.float32),
)


def _tc_last_body(agg_ref, u2_ref, dinv2_ref, b2_ref, out_ref):
    a = agg_ref[...]
    z = (a[0] + a[1] + u2_ref[...]) * dinv2_ref[...] + b2_ref[...]
    out_ref[...] = jnp.where(z >= 0, z, NEG_SLOPE * z)


_tc_last = pl.pallas_call(
    _tc_last_body,
    out_shape=jax.ShapeDtypeStruct((NP2, PK), jnp.float32),
)


def _blkdiag(w):
    z = jnp.zeros_like(w)
    return jnp.concatenate(
        [jnp.concatenate([w, z], axis=1), jnp.concatenate([z, w], axis=1)],
        axis=0)


def kernel(x, edge_index, W0, b0, W1, b1, W2, b2):
    src = edge_index[0]
    dst = edge_index[1]
    pad_per_w = (E_PAD - N_EDGES) // NW
    real_per_w = N_EDGES // NW
    pad_ids = (jnp.arange(E_PAD - N_EDGES, dtype=jnp.int32)
               % (N_PAD - N_NODES)) + N_NODES
    pad_block = pad_ids.reshape(NW, pad_per_w)
    src_p = jnp.concatenate([src.reshape(NW, real_per_w), pad_block],
                            axis=1).reshape(NW, CH_PER_W, CHUNK)
    dst_p = jnp.concatenate([dst.reshape(NW, real_per_w), pad_block],
                            axis=1).reshape(NW, CH_PER_W, CHUNK)
    x2 = jnp.pad(x, ((0, N_PAD - N_NODES), (0, 0))).reshape(NP2, 2 * D_FEAT)

    half = jnp.concatenate([jnp.ones((HIDDEN,), jnp.float32),
                            jnp.zeros((HIDDEN,), jnp.float32)])
    bsel = jnp.stack([half, 1.0 - half])
    bsel = jnp.tile(bsel, (NW, 1))

    zeros_h = jnp.zeros((N_PAD, HIDDEN), jnp.float32)
    b0r = jnp.concatenate([b0, b0]).reshape(1, PK)
    b1r = jnp.concatenate([b1, b1]).reshape(1, PK)
    b2r = jnp.concatenate([b2, b2]).reshape(1, PK)
    W0b = _blkdiag(W0)
    W1b = _blkdiag(W1)
    W2b = _blkdiag(W2)

    deg_parts = _deg(dst_p)
    h0 = _tc_xw(x2, W0b)
    u0p, dinv2 = _tc_scale(deg_parts.reshape(NW * 2, NP2), bsel, h0)
    agg0 = _agg(u0p.reshape(N_PAD, HIDDEN), src_p, dst_p, zeros_h)
    u1p = _tc_mid(agg0.reshape(NC, NP2, PK), u0p, dinv2, b0r, W1b)
    agg1 = _agg(u1p.reshape(N_PAD, HIDDEN), src_p, dst_p, zeros_h)
    u2p = _tc_mid(agg1.reshape(NC, NP2, PK), u1p, dinv2, b1r, W2b)
    agg2 = _agg(u2p.reshape(N_PAD, HIDDEN), src_p, dst_p, zeros_h)
    out2 = _tc_last(agg2.reshape(NC, NP2, PK), u2p, dinv2, b2r)
    return out2.reshape(N_PAD, HIDDEN)[:N_NODES]

# --- scband reference (transcript-rebuilt; emitter-appended) ---
"""Pipeline reference for scband-forward-tree-model-11776800326355 (READ-ONLY COPY).

The authoritative reference and input builder live on the scoring server;
editing this copy changes nothing except your own understanding.
"""

import jax, jax.numpy as jnp
import numpy as np

N_NODES = 10000
N_EDGES = 320000
D_FEAT = 128
HIDDEN = 64
NEG_SLOPE = 0.01


def _glorot(key, fan_in, fan_out):
    limit = float(np.sqrt(6.0 / (fan_in + fan_out)))
    return jax.random.uniform(key, (fan_in, fan_out), dtype=jnp.float32, minval=-limit, maxval=limit)


def setup_inputs(seed: int = 0) -> dict:
    key = jax.random.key(seed)
    ks = jax.random.split(key, 8)
    x = jax.random.normal(ks[0], (N_NODES, D_FEAT), dtype=jnp.float32)
    edge_index = jax.random.randint(ks[1], (2, N_EDGES), 0, N_NODES, dtype=jnp.int32)
    W0 = _glorot(ks[2], D_FEAT, HIDDEN)
    b0 = jnp.zeros((HIDDEN,), dtype=jnp.float32)
    W1 = _glorot(ks[3], HIDDEN, HIDDEN)
    b1 = jnp.zeros((HIDDEN,), dtype=jnp.float32)
    W2 = _glorot(ks[4], HIDDEN, HIDDEN)
    b2 = jnp.zeros((HIDDEN,), dtype=jnp.float32)
    return {"x": x, "edge_index": edge_index, "W0": W0, "b0": b0, "W1": W1, "b1": b1, "W2": W2, "b2": b2}


def _leaky_relu(v):
    return jnp.where(v >= 0, v, NEG_SLOPE * v)


def _gcn_conv(x, src, dst, W, b, n_nodes):
    # GCNConv with self-loops and symmetric normalization (PyG default)
    loop = jnp.arange(n_nodes, dtype=src.dtype)
    src_sl = jnp.concatenate([src, loop])
    dst_sl = jnp.concatenate([dst, loop])
    deg = jnp.zeros((n_nodes,), dtype=x.dtype).at[dst_sl].add(1.0)
    dinv = jax.lax.rsqrt(jnp.maximum(deg, 1.0))
    h = x @ W
    norm = dinv[src_sl] * dinv[dst_sl]
    msg = h[src_sl] * norm[:, None]
    out = jnp.zeros((n_nodes, W.shape[1]), dtype=x.dtype).at[dst_sl].add(msg)
    return out + b


def reference(x, edge_index, W0, b0, W1, b1, W2, b2):
    src = edge_index[0]
    dst = edge_index[1]
    n = x.shape[0]
    h = _leaky_relu(_gcn_conv(x, src, dst, W0, b0, n))
    h = _leaky_relu(_gcn_conv(h, src, dst, W1, b1, n))
    h = _leaky_relu(_gcn_conv(h, src, dst, W2, b2, n))
    return h

if __name__ == "__main__":
    import jax
    _d = setup_inputs()
    print(jax.jit(kernel)(*tuple(_d.values())))

</pallas_src>

<mosaic_0001>
#map = affine_map<(d0, d1) -> (0, 0, 0)>
#map1 = affine_map<(d0, d1) -> (0, 0)>
module attributes {stable_mosaic.version = 14 : i64} {
  func.func @_deg_body(%arg0: i32, %arg1: i32, %arg2: memref<32x80x128xi32, #tpu.memory_space<hbm>>, %arg3: memref<32x10240xf32, #tpu.memory_space<hbm>>, %arg4: memref<80x128xi32, #tpu.memory_space<vmem>>, %arg5: memref<10240xf32, #tpu.memory_space<vmem>>) attributes {dimension_semantics = [#tpu.dimension_semantics<core_parallel>, #tpu.dimension_semantics<subcore_parallel>], iteration_bounds = array<i64: 2, 16>, scalar_prefetch = 0 : i64, scratch_operands = 2 : i64, tpu.core_type = #tpu.core_type<sc_vector_subcore>, window_params = [{transform_indices = #map}, {transform_indices = #map1}]} {
    %mul3A = arith.constant 2 : i32
    %mul3A_0 = arith.muli %arg1, %mul3A : i32
    %add3A = arith.addi %mul3A_0, %arg0 : i32
    "tpu.region"() ({
      %run_scoped3A = tpu.sem_alloc : memref<!tpu.dma_semaphore, #tpu.memory_space<semaphore_mem>>
      %dma_start3A = arith.constant 0 : i32
      %dma_start3A_15 = arith.constant 0 : i32
      %dma_start3A_16 = tpu.memref_slice %arg2[%add3A, %dma_start3A, %dma_start3A_15] : memref<32x80x128xi32, #tpu.memory_space<hbm>> -> memref<1x80x128xi32, #tpu.memory_space<hbm>>
      %dma_start3A_17 = tpu.memref_squeeze %dma_start3A_16 : memref<1x80x128xi32, #tpu.memory_space<hbm>> -> memref<80x128xi32, #tpu.memory_space<hbm>>
      %dma_start3A_18 = arith.constant 0 : i32
      %dma_start3A_19 = arith.constant 0 : i32
      %dma_start3A_20 = tpu.memref_slice %arg2[%add3A, %dma_start3A_18, %dma_start3A_19] : memref<32x80x128xi32, #tpu.memory_space<hbm>> -> memref<1x80x128xi32, #tpu.memory_space<hbm>>
      %dma_start3A_21 = tpu.memref_squeeze %dma_start3A_20 : memref<1x80x128xi32, #tpu.memory_space<hbm>> -> memref<80x128xi32, #tpu.memory_space<hbm>>
      tpu.enqueue_dma source(%dma_start3A_21 : memref<80x128xi32, #tpu.memory_space<hbm>>) target(%arg4 : memref<80x128xi32, #tpu.memory_space<vmem>>) target_semaphore(%run_scoped3A : memref<!tpu.dma_semaphore, #tpu.memory_space<semaphore_mem>>)
      %dma_wait3A = arith.constant 0 : i32
      %dma_wait3A_22 = arith.constant 0 : i32
      %dma_wait3A_23 = tpu.memref_slice %arg2[%add3A, %dma_wait3A, %dma_wait3A_22] : memref<32x80x128xi32, #tpu.memory_space<hbm>> -> memref<1x80x128xi32, #tpu.memory_space<hbm>>
      %dma_wait3A_24 = tpu.memref_squeeze %dma_wait3A_23 : memref<1x80x128xi32, #tpu.memory_space<hbm>> -> memref<80x128xi32, #tpu.memory_space<hbm>>
      %dma_wait3A_25 = arith.constant 0 : i32
      %dma_wait3A_26 = arith.constant 0 : i32
      %dma_wait3A_27 = tpu.memref_slice %arg2[%add3A, %dma_wait3A_25, %dma_wait3A_26] : memref<32x80x128xi32, #tpu.memory_space<hbm>> -> memref<1x80x128xi32, #tpu.memory_space<hbm>>
      %dma_wait3A_28 = tpu.memref_squeeze %dma_wait3A_27 : memref<1x80x128xi32, #tpu.memory_space<hbm>> -> memref<80x128xi32, #tpu.memory_space<hbm>>
      tpu.wait_dma2 semaphore(%run_scoped3A : memref<!tpu.dma_semaphore, #tpu.memory_space<semaphore_mem>>) src(%dma_wait3A_28 : memref<80x128xi32, #tpu.memory_space<hbm>>) dst(%arg4 : memref<80x128xi32, #tpu.memory_space<vmem>>)
      tpu.yield
    }) : () -> ()
    %broadcast_in_dim3A = arith.constant 1.000000e+00 : f32
    %broadcast_in_dim3A_1 = vector.broadcast %broadcast_in_dim3A : f32 to vector<16xf32>
    %broadcast_in_dim3A_2 = arith.constant 0.000000e+00 : f32
    %broadcast_in_dim3A_3 = vector.broadcast %broadcast_in_dim3A_2 : f32 to vector<16xf32>
    %scan3A = arith.constant 0 : i32
    %scan3A_4 = arith.constant 0 : i32
    %scan3A_5 = arith.constant 640 : i32
    %scan3A_6 = arith.addi %scan3A_4, %scan3A_5 : i32
    %scan3A_7 = arith.constant 1 : i32
    scf.for %scan3A_15 = %scan3A_4 to %scan3A_6 step %scan3A_7  : i32 {
      %mul3A_16 = arith.constant 16 : i32
      %mul3A_17 = arith.muli %scan3A_15, %mul3A_16 : i32
      %swap3A = arith.index_cast %mul3A_17 : i32 to index
      %swap3A_18 = tpu.vector_load %arg5[%swap3A] {strides = array<i32>} : memref<10240xf32, #tpu.memory_space<vmem>>, vector<16xf32>,
      tpu.vector_store %arg5[%swap3A], %broadcast_in_dim3A_3 {strides = array<i32>} : memref<10240xf32, #tpu.memory_space<vmem>>, vector<16xf32>,
    }
    %scan3A_8 = arith.constant 640 : i32
    %scan3A_9 = arith.constant 0 : i32
    %scan3A_10 = arith.constant 0 : i32
    %scan3A_11 = arith.constant 640 : i32
    %scan3A_12 = arith.addi %scan3A_10, %scan3A_11 : i32
    %scan3A_13 = arith.constant 1 : i32
    scf.for %scan3A_15 = %scan3A_10 to %scan3A_12 step %scan3A_13  : i32 {
      %jit3A = arith.constant 8 : i32
      %div3A = arith.divsi %scan3A_15, %jit3A : i32
      %sign3A = arith.constant 0 : i32
      %sign3A_16 = arith.cmpi sgt, %scan3A_15, %sign3A : i32
      %sign3A_17 = arith.extui %sign3A_16 : i1 to i32
      %sign3A_18 = arith.constant 0 : i32
      %sign3A_19 = arith.cmpi slt, %scan3A_15, %sign3A_18 : i32
      %sign3A_20 = arith.extui %sign3A_19 : i1 to i32
      %sign3A_21 = arith.subi %sign3A_17, %sign3A_20 : i32
      %sign3A_22 = arith.constant 0 : i32
      %sign3A_23 = arith.cmpi sgt, %jit3A, %sign3A_22 : i32
      %sign3A_24 = arith.extui %sign3A_23 : i1 to i32
      %sign3A_25 = arith.constant 0 : i32
      %sign3A_26 = arith.cmpi slt, %jit3A, %sign3A_25 : i32
      %sign3A_27 = arith.extui %sign3A_26 : i1 to i32
      %sign3A_28 = arith.subi %sign3A_24, %sign3A_27 : i32
      %ne3A = arith.cmpi ne, %sign3A_21, %sign3A_28 : i32
      %rem3A = arith.remsi %scan3A_15, %jit3A : i32
      %ne3A_29 = arith.constant 0 : i32
      %ne3A_30 = arith.cmpi ne, %rem3A, %ne3A_29 : i32
      %and3A = arith.andi %ne3A, %ne3A_30 : i1
      %sub3A = arith.constant 1 : i32
      %sub3A_31 = arith.subi %div3A, %sub3A : i32
      %select_n3A = arith.select %and3A, %sub3A_31, %div3A : i32
      %jit3A_32 = arith.constant 8 : i32
      %eq3A = arith.constant 0 : i32
      %eq3A_33 = arith.cmpi eq, %jit3A_32, %eq3A : i32
      %jit3A_34 = arith.constant 1 : i32
      %select_n3A_35 = arith.select %eq3A_33, %jit3A_34, %jit3A_32 : i32
      %rem3A_36 = arith.remsi %scan3A_15, %select_n3A_35 : i32
      %ne3A_37 = arith.constant 0 : i32
      %ne3A_38 = arith.cmpi ne, %rem3A_36, %ne3A_37 : i32
      %lt3A = arith.constant 0 : i32
      %lt3A_39 = arith.cmpi slt, %rem3A_36, %lt3A : i32
      %lt3A_40 = arith.constant 0 : i32
      %lt3A_41 = arith.cmpi slt, %select_n3A_35, %lt3A_40 : i32
      %ne3A_42 = arith.xori %lt3A_39, %lt3A_41 : i1
      %and3A_43 = arith.andi %ne3A_42, %ne3A_38 : i1
      %add3A_44 = arith.addi %rem3A_36, %select_n3A_35 : i32
      %select_n3A_45 = arith.select %and3A_43, %add3A_44, %rem3A_36 : i32
      %mul3A_46 = arith.constant 16 : i32
      %mul3A_47 = arith.muli %select_n3A_45, %mul3A_46 : i32
      %get3A = arith.index_cast %select_n3A : i32 to index
      %get3A_48 = arith.index_cast %mul3A_47 : i32 to index
      %get3A_49 = tpu.vector_load %arg4[%get3A, %get3A_48] {strides = array<i32>} : memref<80x128xi32, #tpu.memory_space<vmem>>, vector<16xi32>,
      %and3A_50 = arith.constant 1 : i32
      %and3A_51 = vector.broadcast %and3A_50 : i32 to vector<16xi32>
      %and3A_52 = arith.andi %get3A_49, %and3A_51 : vector<16xi32>
      %mul3A_53 = arith.constant 5120 : i32
      %mul3A_54 = vector.broadcast %mul3A_53 : i32 to vector<16xi32>
      %mul3A_55 = arith.muli %and3A_52, %mul3A_54 : vector<16xi32>
      %shift_right_arithmetic3A = arith.constant 1 : i32
      %shift_right_arithmetic3A_56 = vector.broadcast %shift_right_arithmetic3A : i32 to vector<16xi32>
      %shift_right_arithmetic3A_57 = arith.shrsi %get3A_49, %shift_right_arithmetic3A_56 : vector<16xi32>
      %add3A_58 = arith.addi %mul3A_55, %shift_right_arithmetic3A_57 : vector<16xi32>
      tpu.vector_store_idx %arg5[%add3A_58], %broadcast_in_dim3A_1 {add = true} : memref<10240xf32, #tpu.memory_space<vmem>>[vector<16xi32>], vector<16xf32>,
    }
    %scan3A_14 = arith.constant 640 : i32
    "tpu.region"() ({
      %run_scoped3A = tpu.sem_alloc : memref<!tpu.dma_semaphore, #tpu.memory_space<semaphore_mem>>
      %dma_start3A = arith.constant 0 : i32
      %dma_start3A_15 = tpu.memref_slice %arg3[%add3A, %dma_start3A] : memref<32x10240xf32, #tpu.memory_space<hbm>> -> memref<1x10240xf32, #tpu.memory_space<hbm>>
      %dma_start3A_16 = tpu.memref_squeeze %dma_start3A_15 : memref<1x10240xf32, #tpu.memory_space<hbm>> -> memref<10240xf32, #tpu.memory_space<hbm>>
      %dma_start3A_17 = arith.constant 0 : i32
      %dma_start3A_18 = tpu.memref_slice %arg3[%add3A, %dma_start3A_17] : memref<32x10240xf32, #tpu.memory_space<hbm>> -> memref<1x10240xf32, #tpu.memory_space<hbm>>
      %dma_start3A_19 = tpu.memref_squeeze %dma_start3A_18 : memref<1x10240xf32, #tpu.memory_space<hbm>> -> memref<10240xf32, #tpu.memory_space<hbm>>
      tpu.enqueue_dma source(%arg5 : memref<10240xf32, #tpu.memory_space<vmem>>) target(%dma_start3A_19 : memref<10240xf32, #tpu.memory_space<hbm>>) target_semaphore(%run_scoped3A : memref<!tpu.dma_semaphore, #tpu.memory_space<semaphore_mem>>)
      %dma_wait3A = arith.constant 0 : i32
      %dma_wait3A_20 = tpu.memref_slice %arg3[%add3A, %dma_wait3A] : memref<32x10240xf32, #tpu.memory_space<hbm>> -> memref<1x10240xf32, #tpu.memory_space<hbm>>
      %dma_wait3A_21 = tpu.memref_squeeze %dma_wait3A_20 : memref<1x10240xf32, #tpu.memory_space<hbm>> -> memref<10240xf32, #tpu.memory_space<hbm>>
      %dma_wait3A_22 = arith.constant 0 : i32
      %dma_wait3A_23 = tpu.memref_slice %arg3[%add3A, %dma_wait3A_22] : memref<32x10240xf32, #tpu.memory_space<hbm>> -> memref<1x10240xf32, #tpu.memory_space<hbm>>
      %dma_wait3A_24 = tpu.memref_squeeze %dma_wait3A_23 : memref<1x10240xf32, #tpu.memory_space<hbm>> -> memref<10240xf32, #tpu.memory_space<hbm>>
      tpu.wait_dma2 semaphore(%run_scoped3A : memref<!tpu.dma_semaphore, #tpu.memory_space<semaphore_mem>>) src(%arg5 : memref<10240xf32, #tpu.memory_space<vmem>>) dst(%dma_wait3A_24 : memref<10240xf32, #tpu.memory_space<hbm>>)
      tpu.yield
    }) : () -> ()
    return
  }
}

#map = affine_map<(d0, d1) -> (0, 0)>
#map1 = affine_map<(d0, d1) -> (0, 0, 0)>
module attributes {stable_mosaic.version = 14 : i64} {
  func.func @_agg_body(%arg0: i32, %arg1: i32, %arg2: memref<10240x64xf32, #tpu.memory_space<hbm>>, %arg3: memref<32x80x128xi32, #tpu.memory_space<hbm>>, %arg4: memref<32x80x128xi32, #tpu.memory_space<hbm>>, %arg5: memref<10240x64xf32, #tpu.memory_space<hbm>>, %arg6: memref<2x10240x64xf32, #tpu.memory_space<hbm>>, %arg7: memref<80x128xi32, #tpu.memory_space<vmem>>, %arg8: memref<80x128xi32, #tpu.memory_space<vmem>>, %arg9: memref<4x128x64xf32, #tpu.memory_space<vmem>>, %arg10: memref<10240x64xf32, #tpu.memory_space<vmem_shared>>, %arg11: memref<!tpu.dma_semaphore, #tpu.memory_space<semaphore_mem>>, %arg12: memref<!tpu.dma_semaphore, #tpu.memory_space<semaphore_mem>>, %arg13: memref<!tpu.dma_semaphore, #tpu.memory_space<semaphore_mem>>, %arg14: memref<!tpu.dma_semaphore, #tpu.memory_space<semaphore_mem>>, %arg15: memref<!tpu.dma_semaphore, #tpu.memory_space<semaphore_mem>>, %arg16: memref<!tpu.dma_semaphore, #tpu.memory_space<semaphore_mem>>, %arg17: memref<!tpu.dma_semaphore, #tpu.memory_space<semaphore_mem>>, %arg18: memref<!tpu.dma_semaphore, #tpu.memory_space<semaphore_mem>>, %arg19: memref<!tpu.dma_semaphore, #tpu.memory_space<semaphore_mem>>) attributes {dimension_semantics = [#tpu.dimension_semantics<core_parallel>, #tpu.dimension_semantics<subcore_parallel>], iteration_bounds = array<i64: 2, 16>, scalar_prefetch = 0 : i64, scratch_operands = 13 : i64, tpu.core_type = #tpu.core_type<sc_vector_subcore>, window_params = [{transform_indices = #map}, {transform_indices = #map1}, {transform_indices = #map1}, {transform_indices = #map}, {transform_indices = #map1}]} {
    %mul3A = arith.constant 2 : i32
    %mul3A_0 = arith.muli %arg1, %mul3A : i32
    %add3A = arith.addi %mul3A_0, %arg0 : i32
    %mul3A_1 = arith.constant 640 : i32
    %mul3A_2 = arith.muli %arg1, %mul3A_1 : i32
    "tpu.region"() ({
      %run_scoped3A = tpu.sem_alloc : memref<!tpu.dma_semaphore, #tpu.memory_space<semaphore_mem>>
      %dma_start3A_99 = arith.constant 0 : i32
      %dma_start3A_100 = arith.constant 0 : i32
      %dma_start3A_101 = tpu.memref_slice %arg3[%add3A, %dma_start3A_99, %dma_start3A_100] : memref<32x80x128xi32, #tpu.memory_space<hbm>> -> memref<1x80x128xi32, #tpu.memory_space<hbm>>
      %dma_start3A_102 = tpu.memref_squeeze %dma_start3A_101 : memref<1x80x128xi32, #tpu.memory_space<hbm>> -> memref<80x128xi32, #tpu.memory_space<hbm>>
      %dma_start3A_103 = arith.constant 0 : i32
      %dma_start3A_104 = arith.constant 0 : i32
      %dma_start3A_105 = tpu.memref_slice %arg3[%add3A, %dma_start3A_103, %dma_start3A_104] : memref<32x80x128xi32, #tpu.memory_space<hbm>> -> memref<1x80x128xi32, #tpu.memory_space<hbm>>
      %dma_start3A_106 = tpu.memref_squeeze %dma_start3A_105 : memref<1x80x128xi32, #tpu.memory_space<hbm>> -> memref<80x128xi32, #tpu.memory_space<hbm>>
      tpu.enqueue_dma source(%dma_start3A_106 : memref<80x128xi32, #tpu.memory_space<hbm>>) target(%arg7 : memref<80x128xi32, #tpu.memory_space<vmem>>) target_semaphore(%run_scoped3A : memref<!tpu.dma_semaphore, #tpu.memory_space<semaphore_mem>>)
      %dma_wait3A_107 = arith.constant 0 : i32
      %dma_wait3A_108 = arith.constant 0 : i32
      %dma_wait3A_109 = tpu.memref_slice %arg3[%add3A, %dma_wait3A_107, %dma_wait3A_108] : memref<32x80x128xi32, #tpu.memory_space<hbm>> -> memref<1x80x128xi32, #tpu.memory_space<hbm>>
      %dma_wait3A_110 = tpu.memref_squeeze %dma_wait3A_109 : memref<1x80x128xi32, #tpu.memory_space<hbm>> -> memref<80x128xi32, #tpu.memory_space<hbm>>
      %dma_wait3A_111 = arith.constant 0 : i32
      %dma_wait3A_112 = arith.constant 0 : i32
      %dma_wait3A_113 = tpu.memref_slice %arg3[%add3A, %dma_wait3A_111, %dma_wait3A_112] : memref<32x80x128xi32, #tpu.memory_space<hbm>> -> memref<1x80x128xi32, #tpu.memory_space<hbm>>
      %dma_wait3A_114 = tpu.memref_squeeze %dma_wait3A_113 : memref<1x80x128xi32, #tpu.memory_space<hbm>> -> memref<80x128xi32, #tpu.memory_space<hbm>>
      tpu.wait_dma2 semaphore(%run_scoped3A : memref<!tpu.dma_semaphore, #tpu.memory_space<semaphore_mem>>) src(%dma_wait3A_114 : memref<80x128xi32, #tpu.memory_space<hbm>>) dst(%arg7 : memref<80x128xi32, #tpu.memory_space<vmem>>)
      tpu.yield
    }) : () -> ()
    "tpu.region"() ({
      %run_scoped3A = tpu.sem_alloc : memref<!tpu.dma_semaphore, #tpu.memory_space<semaphore_mem>>
      %dma_start3A_99 = arith.constant 0 : i32
      %dma_start3A_100 = arith.constant 0 : i32
      %dma_start3A_101 = tpu.memref_slice %arg4[%add3A, %dma_start3A_99, %dma_start3A_100] : memref<32x80x128xi32, #tpu.memory_space<hbm>> -> memref<1x80x128xi32, #tpu.memory_space<hbm>>
      %dma_start3A_102 = tpu.memref_squeeze %dma_start3A_101 : memref<1x80x128xi32, #tpu.memory_space<hbm>> -> memref<80x128xi32, #tpu.memory_space<hbm>>
      %dma_start3A_103 = arith.constant 0 : i32
      %dma_start3A_104 = arith.constant 0 : i32
      %dma_start3A_105 = tpu.memref_slice %arg4[%add3A, %dma_start3A_103, %dma_start3A_104] : memref<32x80x128xi32, #tpu.memory_space<hbm>> -> memref<1x80x128xi32, #tpu.memory_space<hbm>>
      %dma_start3A_106 = tpu.memref_squeeze %dma_start3A_105 : memref<1x80x128xi32, #tpu.memory_space<hbm>> -> memref<80x128xi32, #tpu.memory_space<hbm>>
      tpu.enqueue_dma source(%dma_start3A_106 : memref<80x128xi32, #tpu.memory_space<hbm>>) target(%arg8 : memref<80x128xi32, #tpu.memory_space<vmem>>) target_semaphore(%run_scoped3A : memref<!tpu.dma_semaphore, #tpu.memory_space<semaphore_mem>>)
      %dma_wait3A_107 = arith.constant 0 : i32
      %dma_wait3A_108 = arith.constant 0 : i32
      %dma_wait3A_109 = tpu.memref_slice %arg4[%add3A, %dma_wait3A_107, %dma_wait3A_108] : memref<32x80x128xi32, #tpu.memory_space<hbm>> -> memref<1x80x128xi32, #tpu.memory_space<hbm>>
      %dma_wait3A_110 = tpu.memref_squeeze %dma_wait3A_109 : memref<1x80x128xi32, #tpu.memory_space<hbm>> -> memref<80x128xi32, #tpu.memory_space<hbm>>
      %dma_wait3A_111 = arith.constant 0 : i32
      %dma_wait3A_112 = arith.constant 0 : i32
      %dma_wait3A_113 = tpu.memref_slice %arg4[%add3A, %dma_wait3A_111, %dma_wait3A_112] : memref<32x80x128xi32, #tpu.memory_space<hbm>> -> memref<1x80x128xi32, #tpu.memory_space<hbm>>
      %dma_wait3A_114 = tpu.memref_squeeze %dma_wait3A_113 : memref<1x80x128xi32, #tpu.memory_space<hbm>> -> memref<80x128xi32, #tpu.memory_space<hbm>>
      tpu.wait_dma2 semaphore(%run_scoped3A : memref<!tpu.dma_semaphore, #tpu.memory_space<semaphore_mem>>) src(%dma_wait3A_114 : memref<80x128xi32, #tpu.memory_space<hbm>>) dst(%arg8 : memref<80x128xi32, #tpu.memory_space<vmem>>)
      tpu.yield
    }) : () -> ()
    %dma_start3A = arith.constant 0 : i32
    %dma_start3A_3 = tpu.memref_slice %arg10[%mul3A_2, %dma_start3A] : memref<10240x64xf32, #tpu.memory_space<vmem_shared>> -> memref<640x64xf32, #tpu.memory_space<vmem_shared>>
    %dma_start3A_4 = arith.constant 0 : i32
    %dma_start3A_5 = tpu.memref_slice %arg5[%mul3A_2, %dma_start3A_4] : memref<10240x64xf32, #tpu.memory_space<hbm>> -> memref<640x64xf32, #tpu.memory_space<hbm>>
    tpu.enqueue_dma source(%dma_start3A_5 : memref<640x64xf32, #tpu.memory_space<hbm>>) target(%dma_start3A_3 : memref<640x64xf32, #tpu.memory_space<vmem_shared>>) target_semaphore(%arg11 : memref<!tpu.dma_semaphore, #tpu.memory_space<semaphore_mem>>)
    %dma_start3A_6 = arith.constant 0 : i32
    %dma_start3A_7 = arith.constant 0 : i32
    %dma_start3A_8 = arith.constant 0 : i32
    %dma_start3A_9 = arith.constant 0 : i32
    %dma_start3A_10 = tpu.memref_slice %arg9[%dma_start3A_7, %dma_start3A_8, %dma_start3A_9] : memref<4x128x64xf32, #tpu.memory_space<vmem>> -> memref<1x128x64xf32, #tpu.memory_space<vmem>>
    %dma_start3A_11 = tpu.memref_squeeze %dma_start3A_10 : memref<1x128x64xf32, #tpu.memory_space<vmem>> -> memref<128x64xf32, #tpu.memory_space<vmem>>
    %dma_start3A_12 = arith.constant 0 : i32
    %dma_start3A_13 = tpu.memref_slice %arg7[%dma_start3A_6, %dma_start3A_12] : memref<80x128xi32, #tpu.memory_space<vmem>> -> memref<1x128xi32, #tpu.memory_space<vmem>>
    %dma_start3A_14 = tpu.memref_squeeze %dma_start3A_13 : memref<1x128xi32, #tpu.memory_space<vmem>> -> memref<128xi32, #tpu.memory_space<vmem>>
    %dma_start3A_15 = arith.constant 0 : i32
    %dma_start3A_16 = arith.constant 0 : i32
    %dma_start3A_17 = tpu.memref_slice %arg2[%dma_start3A_15, %dma_start3A_16] : memref<10240x64xf32, #tpu.memory_space<hbm>> -> memref<10240x64xf32, #tpu.memory_space<hbm>>
    tpu.enqueue_indirect_dma source(%dma_start3A_17 : memref<10240x64xf32, #tpu.memory_space<hbm>>) target(%dma_start3A_11 : memref<128x64xf32, #tpu.memory_space<vmem>>) offsets(%dma_start3A_14 : memref<128xi32, #tpu.memory_space<vmem>>) semaphore(%arg12 : memref<!tpu.dma_semaphore, #tpu.memory_space<semaphore_mem>>)
    %dma_start3A_18 = arith.constant 1 : i32
    %dma_start3A_19 = arith.constant 1 : i32
    %dma_start3A_20 = arith.constant 0 : i32
    %dma_start3A_21 = arith.constant 0 : i32
    %dma_start3A_22 = tpu.memref_slice %arg9[%dma_start3A_19, %dma_start3A_20, %dma_start3A_21] : memref<4x128x64xf32, #tpu.memory_space<vmem>> -> memref<1x128x64xf32, #tpu.memory_space<vmem>>
    %dma_start3A_23 = tpu.memref_squeeze %dma_start3A_22 : memref<1x128x64xf32, #tpu.memory_space<vmem>> -> memref<128x64xf32, #tpu.memory_space<vmem>>
    %dma_start3A_24 = arith.constant 0 : i32
    %dma_start3A_25 = tpu.memref_slice %arg7[%dma_start3A_18, %dma_start3A_24] : memref<80x128xi32, #tpu.memory_space<vmem>> -> memref<1x128xi32, #tpu.memory_space<vmem>>
    %dma_start3A_26 = tpu.memref_squeeze %dma_start3A_25 : memref<1x128xi32, #tpu.memory_space<vmem>> -> memref<128xi32, #tpu.memory_space<vmem>>
    %dma_start3A_27 = arith.constant 0 : i32
    %dma_start3A_28 = arith.constant 0 : i32
    %dma_start3A_29 = tpu.memref_slice %arg2[%dma_start3A_27, %dma_start3A_28] : memref<10240x64xf32, #tpu.memory_space<hbm>> -> memref<10240x64xf32, #tpu.memory_space<hbm>>
    tpu.enqueue_indirect_dma source(%dma_start3A_29 : memref<10240x64xf32, #tpu.memory_space<hbm>>) target(%dma_start3A_23 : memref<128x64xf32, #tpu.memory_space<vmem>>) offsets(%dma_start3A_26 : memref<128xi32, #tpu.memory_space<vmem>>) semaphore(%arg13 : memref<!tpu.dma_semaphore, #tpu.memory_space<semaphore_mem>>)
    %dma_start3A_30 = arith.constant 2 : i32
    %dma_start3A_31 = arith.constant 2 : i32
    %dma_start3A_32 = arith.constant 0 : i32
    %dma_start3A_33 = arith.constant 0 : i32
    %dma_start3A_34 = tpu.memref_slice %arg9[%dma_start3A_31, %dma_start3A_32, %dma_start3A_33] : memref<4x128x64xf32, #tpu.memory_space<vmem>> -> memref<1x128x64xf32, #tpu.memory_space<vmem>>
    %dma_start3A_35 = tpu.memref_squeeze %dma_start3A_34 : memref<1x128x64xf32, #tpu.memory_space<vmem>> -> memref<128x64xf32, #tpu.memory_space<vmem>>
    %dma_start3A_36 = arith.constant 0 : i32
    %dma_start3A_37 = tpu.memref_slice %arg7[%dma_start3A_30, %dma_start3A_36] : memref<80x128xi32, #tpu.memory_space<vmem>> -> memref<1x128xi32, #tpu.memory_space<vmem>>
    %dma_start3A_38 = tpu.memref_squeeze %dma_start3A_37 : memref<1x128xi32, #tpu.memory_space<vmem>> -> memref<128xi32, #tpu.memory_space<vmem>>
    %dma_start3A_39 = arith.constant 0 : i32
    %dma_start3A_40 = arith.constant 0 : i32
    %dma_start3A_41 = tpu.memref_slice %arg2[%dma_start3A_39, %dma_start3A_40] : memref<10240x64xf32, #tpu.memory_space<hbm>> -> memref<10240x64xf32, #tpu.memory_space<hbm>>
    tpu.enqueue_indirect_dma source(%dma_start3A_41 : memref<10240x64xf32, #tpu.memory_space<hbm>>) target(%dma_start3A_35 : memref<128x64xf32, #tpu.memory_space<vmem>>) offsets(%dma_start3A_38 : memref<128xi32, #tpu.memory_space<vmem>>) semaphore(%arg14 : memref<!tpu.dma_semaphore, #tpu.memory_space<semaphore_mem>>)
    %dma_wait3A = arith.constant 0 : i32
    %dma_wait3A_42 = tpu.memref_slice %arg10[%mul3A_2, %dma_wait3A] : memref<10240x64xf32, #tpu.memory_space<vmem_shared>> -> memref<640x64xf32, #tpu.memory_space<vmem_shared>>
    %dma_wait3A_43 = arith.constant 0 : i32
    %dma_wait3A_44 = tpu.memref_slice %arg5[%mul3A_2, %dma_wait3A_43] : memref<10240x64xf32, #tpu.memory_space<hbm>> -> memref<640x64xf32, #tpu.memory_space<hbm>>
    tpu.wait_dma2 semaphore(%arg11 : memref<!tpu.dma_semaphore, #tpu.memory_space<semaphore_mem>>) src(%dma_wait3A_44 : memref<640x64xf32, #tpu.memory_space<hbm>>) dst(%dma_wait3A_42 : memref<640x64xf32, #tpu.memory_space<vmem_shared>>)
    %barrier3A = arith.constant 0 : index
    tpu.barrier barrier_id(%barrier3A)
    %scan3A = arith.constant 0 : i32
    %scan3A_45 = arith.constant 0 : i32
    %scan3A_46 = arith.constant 20 : i32
    %scan3A_47 = arith.addi %scan3A_45, %scan3A_46 : i32
    %scan3A_48 = arith.constant 1 : i32
    scf.for %scan3A_99 = %scan3A_45 to %scan3A_47 step %scan3A_48  : i32 {
      %mul3A_100 = arith.constant 4 : i32
      %mul3A_101 = arith.muli %scan3A_99, %mul3A_100 : i32
      %add3A_102 = arith.constant 0 : i32
      %add3A_103 = arith.addi %mul3A_101, %add3A_102 : i32
      %ge3A = arith.constant 1 : i32
      %ge3A_104 = arith.cmpi sge, %add3A_103, %ge3A : i32
      %add3A_105 = arith.constant 4 : i32
      %add3A_106 = arith.addi %add3A_103, %add3A_105 : i32
      %sub3A = arith.constant 1 : i32
      %sub3A_107 = arith.subi %add3A_106, %sub3A : i32
      %lt3A = arith.constant 80 : i32
      %lt3A_108 = arith.cmpi slt, %sub3A_107, %lt3A : i32
      %and3A = arith.andi %ge3A_104, %lt3A_108 : i1
      %convert_element_type3A = arith.extui %and3A : i1 to i32
      %cond3A = arith.constant 0 : i32
      %cond3A_109 = arith.cmpi ne, %convert_element_type3A, %cond3A : i32
      scf.if %cond3A_109 {
        %sub3A_265 = arith.constant 1 : i32
        %sub3A_266 = arith.subi %add3A_103, %sub3A_265 : i32
        %dma_wait3A_267 = arith.constant 3 : i32
        %dma_wait3A_268 = arith.constant 0 : i32
        %dma_wait3A_269 = arith.constant 0 : i32
        %dma_wait3A_270 = tpu.memref_slice %arg9[%dma_wait3A_267, %dma_wait3A_268, %dma_wait3A_269] : memref<4x128x64xf32, #tpu.memory_space<vmem>> -> memref<1x128x64xf32, #tpu.memory_space<vmem>>
        %dma_wait3A_271 = tpu.memref_squeeze %dma_wait3A_270 : memref<1x128x64xf32, #tpu.memory_space<vmem>> -> memref<128x64xf32, #tpu.memory_space<vmem>>
        %dma_wait3A_272 = arith.constant 0 : i32
        %dma_wait3A_273 = tpu.memref_slice %arg8[%sub3A_266, %dma_wait3A_272] : memref<80x128xi32, #tpu.memory_space<vmem>> -> memref<1x128xi32, #tpu.memory_space<vmem>>
        %dma_wait3A_274 = tpu.memref_squeeze %dma_wait3A_273 : memref<1x128xi32, #tpu.memory_space<vmem>> -> memref<128xi32, #tpu.memory_space<vmem>>
        %dma_wait3A_275 = arith.constant 0 : i32
        %dma_wait3A_276 = arith.constant 0 : i32
        %dma_wait3A_277 = tpu.memref_slice %arg10[%dma_wait3A_275, %dma_wait3A_276] : memref<10240x64xf32, #tpu.memory_space<vmem_shared>> -> memref<10240x64xf32, #tpu.memory_space<vmem_shared>>
        tpu.wait_indirect_dma semaphore(%arg19 : memref<!tpu.dma_semaphore, #tpu.memory_space<semaphore_mem>>) src(%dma_wait3A_271 : memref<128x64xf32, #tpu.memory_space<vmem>>) dst(%dma_wait3A_277 : memref<10240x64xf32, #tpu.memory_space<vmem_shared>>)
        %add3A_278 = arith.constant 4 : i32
        %add3A_279 = arith.addi %add3A_103, %add3A_278 : i32
        %sub3A_280 = arith.constant 1 : i32
        %sub3A_281 = arith.subi %add3A_279, %sub3A_280 : i32
        %dma_start3A_282 = arith.constant 3 : i32
        %dma_start3A_283 = arith.constant 0 : i32
        %dma_start3A_284 = arith.constant 0 : i32
        %dma_start3A_285 = tpu.memref_slice %arg9[%dma_start3A_282, %dma_start3A_283, %dma_start3A_284] : memref<4x128x64xf32, #tpu.memory_space<vmem>> -> memref<1x128x64xf32, #tpu.memory_space<vmem>>
        %dma_start3A_286 = tpu.memref_squeeze %dma_start3A_285 : memref<1x128x64xf32, #tpu.memory_space<vmem>> -> memref<128x64xf32, #tpu.memory_space<vmem>>
        %dma_start3A_287 = arith.constant 0 : i32
        %dma_start3A_288 = tpu.memref_slice %arg7[%sub3A_281, %dma_start3A_287] : memref<80x128xi32, #tpu.memory_space<vmem>> -> memref<1x128xi32, #tpu.memory_space<vmem>>
        %dma_start3A_289 = tpu.memref_squeeze %dma_start3A_288 : memref<1x128xi32, #tpu.memory_space<vmem>> -> memref<128xi32, #tpu.memory_space<vmem>>
        %dma_start3A_290 = arith.constant 0 : i32
        %dma_start3A_291 = arith.constant 0 : i32
        %dma_start3A_292 = tpu.memref_slice %arg2[%dma_start3A_290, %dma_start3A_291] : memref<10240x64xf32, #tpu.memory_space<hbm>> -> memref<10240x64xf32, #tpu.memory_space<hbm>>
        tpu.enqueue_indirect_dma source(%dma_start3A_292 : memref<10240x64xf32, #tpu.memory_space<hbm>>) target(%dma_start3A_286 : memref<128x64xf32, #tpu.memory_space<vmem>>) offsets(%dma_start3A_289 : memref<128xi32, #tpu.memory_space<vmem>>) semaphore(%arg15 : memref<!tpu.dma_semaphore, #tpu.memory_space<semaphore_mem>>)
      } else {
      }
      %eq3A = arith.constant 0 : i32
      %eq3A_110 = arith.cmpi eq, %add3A_103, %eq3A : i32
      %convert_element_type3A_111 = arith.extui %eq3A_110 : i1 to i32
      %cond3A_112 = arith.constant 0 : i32
      %cond3A_113 = arith.cmpi ne, %convert_element_type3A_111, %cond3A_112 : i32
      scf.if %cond3A_113 {
        %dma_start3A_265 = arith.constant 3 : i32
        %dma_start3A_266 = arith.constant 3 : i32
        %dma_start3A_267 = arith.constant 0 : i32
        %dma_start3A_268 = arith.constant 0 : i32
        %dma_start3A_269 = tpu.memref_slice %arg9[%dma_start3A_266, %dma_start3A_267, %dma_start3A_268] : memref<4x128x64xf32, #tpu.memory_space<vmem>> -> memref<1x128x64xf32, #tpu.memory_space<vmem>>
        %dma_start3A_270 = tpu.memref_squeeze %dma_start3A_269 : memref<1x128x64xf32, #tpu.memory_space<vmem>> -> memref<128x64xf32, #tpu.memory_space<vmem>>
        %dma_start3A_271 = arith.constant 0 : i32
        %dma_start3A_272 = tpu.memref_slice %arg7[%dma_start3A_265, %dma_start3A_271] : memref<80x128xi32, #tpu.memory_space<vmem>> -> memref<1x128xi32, #tpu.memory_space<vmem>>
        %dma_start3A_273 = tpu.memref_squeeze %dma_start3A_272 : memref<1x128xi32, #tpu.memory_space<vmem>> -> memref<128xi32, #tpu.memory_space<vmem>>
        %dma_start3A_274 = arith.constant 0 : i32
        %dma_start3A_275 = arith.constant 0 : i32
        %dma_start3A_276 = tpu.memref_slice %arg2[%dma_start3A_274, %dma_start3A_275] : memref<10240x64xf32, #tpu.memory_space<hbm>> -> memref<10240x64xf32, #tpu.memory_space<hbm>>
        tpu.enqueue_indirect_dma source(%dma_start3A_276 : memref<10240x64xf32, #tpu.memory_space<hbm>>) target(%dma_start3A_270 : memref<128x64xf32, #tpu.memory_space<vmem>>) offsets(%dma_start3A_273 : memref<128xi32, #tpu.memory_space<vmem>>) semaphore(%arg15 : memref<!tpu.dma_semaphore, #tpu.memory_space<semaphore_mem>>)
      } else {
      }
      %dma_wait3A_114 = arith.constant 0 : i32
      %dma_wait3A_115 = arith.constant 0 : i32
      %dma_wait3A_116 = arith.constant 0 : i32
      %dma_wait3A_117 = tpu.memref_slice %arg9[%dma_wait3A_114, %dma_wait3A_115, %dma_wait3A_116] : memref<4x128x64xf32, #tpu.memory_space<vmem>> -> memref<1x128x64xf32, #tpu.memory_space<vmem>>
      %dma_wait3A_118 = tpu.memref_squeeze %dma_wait3A_117 : memref<1x128x64xf32, #tpu.memory_space<vmem>> -> memref<128x64xf32, #tpu.memory_space<vmem>>
      %dma_wait3A_119 = arith.constant 0 : i32
      %dma_wait3A_120 = tpu.memref_slice %arg7[%add3A_103, %dma_wait3A_119] : memref<80x128xi32, #tpu.memory_space<vmem>> -> memref<1x128xi32, #tpu.memory_space<vmem>>
      %dma_wait3A_121 = tpu.memref_squeeze %dma_wait3A_120 : memref<1x128xi32, #tpu.memory_space<vmem>> -> memref<128xi32, #tpu.memory_space<vmem>>
      %dma_wait3A_122 = arith.constant 0 : i32
      %dma_wait3A_123 = arith.constant 0 : i32
      %dma_wait3A_124 = tpu.memref_slice %arg2[%dma_wait3A_122, %dma_wait3A_123] : memref<10240x64xf32, #tpu.memory_space<hbm>> -> memref<10240x64xf32, #tpu.memory_space<hbm>>
      tpu.wait_indirect_dma semaphore(%arg12 : memref<!tpu.dma_semaphore, #tpu.memory_space<semaphore_mem>>) src(%dma_wait3A_124 : memref<10240x64xf32, #tpu.memory_space<hbm>>) dst(%dma_wait3A_118 : memref<128x64xf32, #tpu.memory_space<vmem>>)
      %dma_start3A_125 = arith.constant 0 : i32
      %dma_start3A_126 = arith.constant 0 : i32
      %dma_start3A_127 = arith.constant 0 : i32
      %dma_start3A_128 = tpu.memref_slice %arg9[%dma_start3A_125, %dma_start3A_126, %dma_start3A_127] : memref<4x128x64xf32, #tpu.memory_space<vmem>> -> memref<1x128x64xf32, #tpu.memory_space<vmem>>
      %dma_start3A_129 = tpu.memref_squeeze %dma_start3A_128 : memref<1x128x64xf32, #tpu.memory_space<vmem>> -> memref<128x64xf32, #tpu.memory_space<vmem>>
      %dma_start3A_130 = arith.constant 0 : i32
      %dma_start3A_131 = tpu.memref_slice %arg8[%add3A_103, %dma_start3A_130] : memref<80x128xi32, #tpu.memory_space<vmem>> -> memref<1x128xi32, #tpu.memory_space<vmem>>
      %dma_start3A_132 = tpu.memref_squeeze %dma_start3A_131 : memref<1x128xi32, #tpu.memory_space<vmem>> -> memref<128xi32, #tpu.memory_space<vmem>>
      %dma_start3A_133 = arith.constant 0 : i32
      %dma_start3A_134 = arith.constant 0 : i32
      %dma_start3A_135 = tpu.memref_slice %arg10[%dma_start3A_133, %dma_start3A_134] : memref<10240x64xf32, #tpu.memory_space<vmem_shared>> -> memref<10240x64xf32, #tpu.memory_space<vmem_shared>>
      tpu.enqueue_indirect_dma source(%dma_start3A_129 : memref<128x64xf32, #tpu.memory_space<vmem>>) target(%dma_start3A_135 : memref<10240x64xf32, #tpu.memory_space<vmem_shared>>) offsets(%dma_start3A_132 : memref<128xi32, #tpu.memory_space<vmem>>) semaphore(%arg16 : memref<!tpu.dma_semaphore, #tpu.memory_space<semaphore_mem>>) {add = true}
      %mul3A_136 = arith.constant 4 : i32
      %mul3A_137 = arith.muli %scan3A_99, %mul3A_136 : i32
      %add3A_138 = arith.constant 1 : i32
      %add3A_139 = arith.addi %mul3A_137, %add3A_138 : i32
      %ge3A_140 = arith.constant 1 : i32
      %ge3A_141 = arith.cmpi sge, %add3A_139, %ge3A_140 : i32
      %add3A_142 = arith.constant 4 : i32
      %add3A_143 = arith.addi %add3A_139, %add3A_142 : i32
      %sub3A_144 = arith.constant 1 : i32
      %sub3A_145 = arith.subi %add3A_143, %sub3A_144 : i32
      %lt3A_146 = arith.constant 80 : i32
      %lt3A_147 = arith.cmpi slt, %sub3A_145, %lt3A_146 : i32
      %and3A_148 = arith.andi %ge3A_141, %lt3A_147 : i1
      %convert_element_type3A_149 = arith.extui %and3A_148 : i1 to i32
      %cond3A_150 = arith.constant 0 : i32
      %cond3A_151 = arith.cmpi ne, %convert_element_type3A_149, %cond3A_150 : i32
      scf.if %cond3A_151 {
        %sub3A_265 = arith.constant 1 : i32
        %sub3A_266 = arith.subi %add3A_139, %sub3A_265 : i32
        %dma_wait3A_267 = arith.constant 0 : i32
        %dma_wait3A_268 = arith.constant 0 : i32
        %dma_wait3A_269 = arith.constant 0 : i32
        %dma_wait3A_270 = tpu.memref_slice %arg9[%dma_wait3A_267, %dma_wait3A_268, %dma_wait3A_269] : memref<4x128x64xf32, #tpu.memory_space<vmem>> -> memref<1x128x64xf32, #tpu.memory_space<vmem>>
        %dma_wait3A_271 = tpu.memref_squeeze %dma_wait3A_270 : memref<1x128x64xf32, #tpu.memory_space<vmem>> -> memref<128x64xf32, #tpu.memory_space<vmem>>
        %dma_wait3A_272 = arith.constant 0 : i32
        %dma_wait3A_273 = tpu.memref_slice %arg8[%sub3A_266, %dma_wait3A_272] : memref<80x128xi32, #tpu.memory_space<vmem>> -> memref<1x128xi32, #tpu.memory_space<vmem>>
        %dma_wait3A_274 = tpu.memref_squeeze %dma_wait3A_273 : memref<1x128xi32, #tpu.memory_space<vmem>> -> memref<128xi32, #tpu.memory_space<vmem>>
        %dma_wait3A_275 = arith.constant 0 : i32
        %dma_wait3A_276 = arith.constant 0 : i32
        %dma_wait3A_277 = tpu.memref_slice %arg10[%dma_wait3A_275, %dma_wait3A_276] : memref<10240x64xf32, #tpu.memory_space<vmem_shared>> -> memref<10240x64xf32, #tpu.memory_space<vmem_shared>>
        tpu.wait_indirect_dma semaphore(%arg16 : memref<!tpu.dma_semaphore, #tpu.memory_space<semaphore_mem>>) src(%dma_wait3A_271 : memref<128x64xf32, #tpu.memory_space<vmem>>) dst(%dma_wait3A_277 : memref<10240x64xf32, #tpu.memory_space<vmem_shared>>)
        %add3A_278 = arith.constant 4 : i32
        %add3A_279 = arith.addi %add3A_139, %add3A_278 : i32
        %sub3A_280 = arith.constant 1 : i32
        %sub3A_281 = arith.subi %add3A_279, %sub3A_280 : i32
        %dma_start3A_282 = arith.constant 0 : i32
        %dma_start3A_283 = arith.constant 0 : i32
        %dma_start3A_284 = arith.constant 0 : i32
        %dma_start3A_285 = tpu.memref_slice %arg9[%dma_start3A_282, %dma_start3A_283, %dma_start3A_284] : memref<4x128x64xf32, #tpu.memory_space<vmem>> -> memref<1x128x64xf32, #tpu.memory_space<vmem>>
        %dma_start3A_286 = tpu.memref_squeeze %dma_start3A_285 : memref<1x128x64xf32, #tpu.memory_space<vmem>> -> memref<128x64xf32, #tpu.memory_space<vmem>>
        %dma_start3A_287 = arith.constant 0 : i32
        %dma_start3A_288 = tpu.memref_slice %arg7[%sub3A_281, %dma_start3A_287] : memref<80x128xi32, #tpu.memory_space<vmem>> -> memref<1x128xi32, #tpu.memory_space<vmem>>
        %dma_start3A_289 = tpu.memref_squeeze %dma_start3A_288 : memref<1x128xi32, #tpu.memory_space<vmem>> -> memref<128xi32, #tpu.memory_space<vmem>>
        %dma_start3A_290 = arith.constant 0 : i32
        %dma_start3A_291 = arith.constant 0 : i32
        %dma_start3A_292 = tpu.memref_slice %arg2[%dma_start3A_290, %dma_start3A_291] : memref<10240x64xf32, #tpu.memory_space<hbm>> -> memref<10240x64xf32, #tpu.memory_space<hbm>>
        tpu.enqueue_indirect_dma source(%dma_start3A_292 : memref<10240x64xf32, #tpu.memory_space<hbm>>) target(%dma_start3A_286 : memref<128x64xf32, #tpu.memory_space<vmem>>) offsets(%dma_start3A_289 : memref<128xi32, #tpu.memory_space<vmem>>) semaphore(%arg12 : memref<!tpu.dma_semaphore, #tpu.memory_space<semaphore_mem>>)
      } else {
      }
      %eq3A_152 = arith.constant 0 : i32
      %eq3A_153 = arith.cmpi eq, %add3A_139, %eq3A_152 : i32
      %convert_element_type3A_154 = arith.extui %eq3A_153 : i1 to i32
      %cond3A_155 = arith.constant 0 : i32
      %cond3A_156 = arith.cmpi ne, %convert_element_type3A_154, %cond3A_155 : i32
      scf.if %cond3A_156 {
        %dma_start3A_265 = arith.constant 3 : i32
        %dma_start3A_266 = arith.constant 3 : i32
        %dma_start3A_267 = arith.constant 0 : i32
        %dma_start3A_268 = arith.constant 0 : i32
        %dma_start3A_269 = tpu.memref_slice %arg9[%dma_start3A_266, %dma_start3A_267, %dma_start3A_268] : memref<4x128x64xf32, #tpu.memory_space<vmem>> -> memref<1x128x64xf32, #tpu.memory_space<vmem>>
        %dma_start3A_270 = tpu.memref_squeeze %dma_start3A_269 : memref<1x128x64xf32, #tpu.memory_space<vmem>> -> memref<128x64xf32, #tpu.memory_space<vmem>>
        %dma_start3A_271 = arith.constant 0 : i32
        %dma_start3A_272 = tpu.memref_slice %arg7[%dma_start3A_265, %dma_start3A_271] : memref<80x128xi32, #tpu.memory_space<vmem>> -> memref<1x128xi32, #tpu.memory_space<vmem>>
        %dma_start3A_273 = tpu.memref_squeeze %dma_start3A_272 : memref<1x128xi32, #tpu.memory_space<vmem>> -> memref<128xi32, #tpu.memory_space<vmem>>
        %dma_start3A_274 = arith.constant 0 : i32
        %dma_start3A_275 = arith.constant 0 : i32
        %dma_start3A_276 = tpu.memref_slice %arg2[%dma_start3A_274, %dma_start3A_275] : memref<10240x64xf32, #tpu.memory_space<hbm>> -> memref<10240x64xf32, #tpu.memory_space<hbm>>
        tpu.enqueue_indirect_dma source(%dma_start3A_276 : memref<10240x64xf32, #tpu.memory_space<hbm>>) target(%dma_start3A_270 : memref<128x64xf32, #tpu.memory_space<vmem>>) offsets(%dma_start3A_273 : memref<128xi32, #tpu.memory_space<vmem>>) semaphore(%arg15 : memref<!tpu.dma_semaphore, #tpu.memory_space<semaphore_mem>>)
      } else {
      }
      %dma_wait3A_157 = arith.constant 1 : i32
      %dma_wait3A_158 = arith.constant 0 : i32
      %dma_wait3A_159 = arith.constant 0 : i32
      %dma_wait3A_160 = tpu.memref_slice %arg9[%dma_wait3A_157, %dma_wait3A_158, %dma_wait3A_159] : memref<4x128x64xf32, #tpu.memory_space<vmem>> -> memref<1x128x64xf32, #tpu.memory_space<vmem>>
      %dma_wait3A_161 = tpu.memref_squeeze %dma_wait3A_160 : memref<1x128x64xf32, #tpu.memory_space<vmem>> -> memref<128x64xf32, #tpu.memory_space<vmem>>
      %dma_wait3A_162 = arith.constant 0 : i32
      %dma_wait3A_163 = tpu.memref_slice %arg7[%add3A_139, %dma_wait3A_162] : memref<80x128xi32, #tpu.memory_space<vmem>> -> memref<1x128xi32, #tpu.memory_space<vmem>>
      %dma_wait3A_164 = tpu.memref_squeeze %dma_wait3A_163 : memref<1x128xi32, #tpu.memory_space<vmem>> -> memref<128xi32, #tpu.memory_space<vmem>>
      %dma_wait3A_165 = arith.constant 0 : i32
      %dma_wait3A_166 = arith.constant 0 : i32
      %dma_wait3A_167 = tpu.memref_slice %arg2[%dma_wait3A_165, %dma_wait3A_166] : memref<10240x64xf32, #tpu.memory_space<hbm>> -> memref<10240x64xf32, #tpu.memory_space<hbm>>
      tpu.wait_indirect_dma semaphore(%arg13 : memref<!tpu.dma_semaphore, #tpu.memory_space<semaphore_mem>>) src(%dma_wait3A_167 : memref<10240x64xf32, #tpu.memory_space<hbm>>) dst(%dma_wait3A_161 : memref<128x64xf32, #tpu.memory_space<vmem>>)
      %dma_start3A_168 = arith.constant 1 : i32
      %dma_start3A_169 = arith.constant 0 : i32
      %dma_start3A_170 = arith.constant 0 : i32
      %dma_start3A_171 = tpu.memref_slice %arg9[%dma_start3A_168, %dma_start3A_169, %dma_start3A_170] : memref<4x128x64xf32, #tpu.memory_space<vmem>> -> memref<1x128x64xf32, #tpu.memory_space<vmem>>
      %dma_start3A_172 = tpu.memref_squeeze %dma_start3A_171 : memref<1x128x64xf32, #tpu.memory_space<vmem>> -> memref<128x64xf32, #tpu.memory_space<vmem>>
      %dma_start3A_173 = arith.constant 0 : i32
      %dma_start3A_174 = tpu.memref_slice %arg8[%add3A_139, %dma_start3A_173] : memref<80x128xi32, #tpu.memory_space<vmem>> -> memref<1x128xi32, #tpu.memory_space<vmem>>
      %dma_start3A_175 = tpu.memref_squeeze %dma_start3A_174 : memref<1x128xi32, #tpu.memory_space<vmem>> -> memref<128xi32, #tpu.memory_space<vmem>>
      %dma_start3A_176 = arith.constant 0 : i32
      %dma_start3A_177 = arith.constant 0 : i32
      %dma_start3A_178 = tpu.memref_slice %arg10[%dma_start3A_176, %dma_start3A_177] : memref<10240x64xf32, #tpu.memory_space<vmem_shared>> -> memref<10240x64xf32, #tpu.memory_space<vmem_shared>>
      tpu.enqueue_indirect_dma source(%dma_start3A_172 : memref<128x64xf32, #tpu.memory_space<vmem>>) target(%dma_start3A_178 : memref<10240x64xf32, #tpu.memory_space<vmem_shared>>) offsets(%dma_start3A_175 : memref<128xi32, #tpu.memory_space<vmem>>) semaphore(%arg17 : memref<!tpu.dma_semaphore, #tpu.memory_space<semaphore_mem>>) {add = true}
      %mul3A_179 = arith.constant 4 : i32
      %mul3A_180 = arith.muli %scan3A_99, %mul3A_179 : i32
      %add3A_181 = arith.constant 2 : i32
      %add3A_182 = arith.addi %mul3A_180, %add3A_181 : i32
      %ge3A_183 = arith.constant 1 : i32
      %ge3A_184 = arith.cmpi sge, %add3A_182, %ge3A_183 : i32
      %add3A_185 = arith.constant 4 : i32
      %add3A_186 = arith.addi %add3A_182, %add3A_185 : i32
      %sub3A_187 = arith.constant 1 : i32
      %sub3A_188 = arith.subi %add3A_186, %sub3A_187 : i32
      %lt3A_189 = arith.constant 80 : i32
      %lt3A_190 = arith.cmpi slt, %sub3A_188, %lt3A_189 : i32
      %and3A_191 = arith.andi %ge3A_184, %lt3A_190 : i1
      %convert_element_type3A_192 = arith.extui %and3A_191 : i1 to i32
      %cond3A_193 = arith.constant 0 : i32
      %cond3A_194 = arith.cmpi ne, %convert_element_type3A_192, %cond3A_193 : i32
      scf.if %cond3A_194 {
        %sub3A_265 = arith.constant 1 : i32
        %sub3A_266 = arith.subi %add3A_182, %sub3A_265 : i32
        %dma_wait3A_267 = arith.constant 1 : i32
        %dma_wait3A_268 = arith.constant 0 : i32
        %dma_wait3A_269 = arith.constant 0 : i32
        %dma_wait3A_270 = tpu.memref_slice %arg9[%dma_wait3A_267, %dma_wait3A_268, %dma_wait3A_269] : memref<4x128x64xf32, #tpu.memory_space<vmem>> -> memref<1x128x64xf32, #tpu.memory_space<vmem>>
        %dma_wait3A_271 = tpu.memref_squeeze %dma_wait3A_270 : memref<1x128x64xf32, #tpu.memory_space<vmem>> -> memref<128x64xf32, #tpu.memory_space<vmem>>
        %dma_wait3A_272 = arith.constant 0 : i32
        %dma_wait3A_273 = tpu.memref_slice %arg8[%sub3A_266, %dma_wait3A_272] : memref<80x128xi32, #tpu.memory_space<vmem>> -> memref<1x128xi32, #tpu.memory_space<vmem>>
        %dma_wait3A_274 = tpu.memref_squeeze %dma_wait3A_273 : memref<1x128xi32, #tpu.memory_space<vmem>> -> memref<128xi32, #tpu.memory_space<vmem>>
        %dma_wait3A_275 = arith.constant 0 : i32
        %dma_wait3A_276 = arith.constant 0 : i32
        %dma_wait3A_277 = tpu.memref_slice %arg10[%dma_wait3A_275, %dma_wait3A_276] : memref<10240x64xf32, #tpu.memory_space<vmem_shared>> -> memref<10240x64xf32, #tpu.memory_space<vmem_shared>>
        tpu.wait_indirect_dma semaphore(%arg17 : memref<!tpu.dma_semaphore, #tpu.memory_space<semaphore_mem>>) src(%dma_wait3A_271 : memref<128x64xf32, #tpu.memory_space<vmem>>) dst(%dma_wait3A_277 : memref<10240x64xf32, #tpu.memory_space<vmem_shared>>)
        %add3A_278 = arith.constant 4 : i32
        %add3A_279 = arith.addi %add3A_182, %add3A_278 : i32
        %sub3A_280 = arith.constant 1 : i32
        %sub3A_281 = arith.subi %add3A_279, %sub3A_280 : i32
        %dma_start3A_282 = arith.constant 1 : i32
        %dma_start3A_283 = arith.constant 0 : i32
        %dma_start3A_284 = arith.constant 0 : i32
        %dma_start3A_285 = tpu.memref_slice %arg9[%dma_start3A_282, %dma_start3A_283, %dma_start3A_284] : memref<4x128x64xf32, #tpu.memory_space<vmem>> -> memref<1x128x64xf32, #tpu.memory_space<vmem>>
        %dma_start3A_286 = tpu.memref_squeeze %dma_start3A_285 : memref<1x128x64xf32, #tpu.memory_space<vmem>> -> memref<128x64xf32, #tpu.memory_space<vmem>>
        %dma_start3A_287 = arith.constant 0 : i32
        %dma_start3A_288 = tpu.memref_slice %arg7[%sub3A_281, %dma_start3A_287] : memref<80x128xi32, #tpu.memory_space<vmem>> -> memref<1x128xi32, #tpu.memory_space<vmem>>
        %dma_start3A_289 = tpu.memref_squeeze %dma_start3A_288 : memref<1x128xi32, #tpu.memory_space<vmem>> -> memref<128xi32, #tpu.memory_space<vmem>>
        %dma_start3A_290 = arith.constant 0 : i32
        %dma_start3A_291 = arith.constant 0 : i32
        %dma_start3A_292 = tpu.memref_slice %arg2[%dma_start3A_290, %dma_start3A_291] : memref<10240x64xf32, #tpu.memory_space<hbm>> -> memref<10240x64xf32, #tpu.memory_space<hbm>>
        tpu.enqueue_indirect_dma source(%dma_start3A_292 : memref<10240x64xf32, #tpu.memory_space<hbm>>) target(%dma_start3A_286 : memref<128x64xf32, #tpu.memory_space<vmem>>) offsets(%dma_start3A_289 : memref<128xi32, #tpu.memory_space<vmem>>) semaphore(%arg13 : memref<!tpu.dma_semaphore, #tpu.memory_space<semaphore_mem>>)
      } else {
      }
      %eq3A_195 = arith.constant 0 : i32
      %eq3A_196 = arith.cmpi eq, %add3A_182, %eq3A_195 : i32
      %convert_element_type3A_197 = arith.extui %eq3A_196 : i1 to i32
      %cond3A_198 = arith.constant 0 : i32
      %cond3A_199 = arith.cmpi ne, %convert_element_type3A_197, %cond3A_198 : i32
      scf.if %cond3A_199 {
        %dma_start3A_265 = arith.constant 3 : i32
        %dma_start3A_266 = arith.constant 3 : i32
        %dma_start3A_267 = arith.constant 0 : i32
        %dma_start3A_268 = arith.constant 0 : i32
        %dma_start3A_269 = tpu.memref_slice %arg9[%dma_start3A_266, %dma_start3A_267, %dma_start3A_268] : memref<4x128x64xf32, #tpu.memory_space<vmem>> -> memref<1x128x64xf32, #tpu.memory_space<vmem>>
        %dma_start3A_270 = tpu.memref_squeeze %dma_start3A_269 : memref<1x128x64xf32, #tpu.memory_space<vmem>> -> memref<128x64xf32, #tpu.memory_space<vmem>>
        %dma_start3A_271 = arith.constant 0 : i32
        %dma_start3A_272 = tpu.memref_slice %arg7[%dma_start3A_265, %dma_start3A_271] : memref<80x128xi32, #tpu.memory_space<vmem>> -> memref<1x128xi32, #tpu.memory_space<vmem>>
        %dma_start3A_273 = tpu.memref_squeeze %dma_start3A_272 : memref<1x128xi32, #tpu.memory_space<vmem>> -> memref<128xi32, #tpu.memory_space<vmem>>
        %dma_start3A_274 = arith.constant 0 : i32
        %dma_start3A_275 = arith.constant 0 : i32
        %dma_start3A_276 = tpu.memref_slice %arg2[%dma_start3A_274, %dma_start3A_275] : memref<10240x64xf32, #tpu.memory_space<hbm>> -> memref<10240x64xf32, #tpu.memory_space<hbm>>
        tpu.enqueue_indirect_dma source(%dma_start3A_276 : memref<10240x64xf32, #tpu.memory_space<hbm>>) target(%dma_start3A_270 : memref<128x64xf32, #tpu.memory_space<vmem>>) offsets(%dma_start3A_273 : memref<128xi32, #tpu.memory_space<vmem>>) semaphore(%arg15 : memref<!tpu.dma_semaphore, #tpu.memory_space<semaphore_mem>>)
      } else {
      }
      %dma_wait3A_200 = arith.constant 2 : i32
      %dma_wait3A_201 = arith.constant 0 : i32
      %dma_wait3A_202 = arith.constant 0 : i32
      %dma_wait3A_203 = tpu.memref_slice %arg9[%dma_wait3A_200, %dma_wait3A_201, %dma_wait3A_202] : memref<4x128x64xf32, #tpu.memory_space<vmem>> -> memref<1x128x64xf32, #tpu.memory_space<vmem>>
      %dma_wait3A_204 = tpu.memref_squeeze %dma_wait3A_203 : memref<1x128x64xf32, #tpu.memory_space<vmem>> -> memref<128x64xf32, #tpu.memory_space<vmem>>
      %dma_wait3A_205 = arith.constant 0 : i32
      %dma_wait3A_206 = tpu.memref_slice %arg7[%add3A_182, %dma_wait3A_205] : memref<80x128xi32, #tpu.memory_space<vmem>> -> memref<1x128xi32, #tpu.memory_space<vmem>>
      %dma_wait3A_207 = tpu.memref_squeeze %dma_wait3A_206 : memref<1x128xi32, #tpu.memory_space<vmem>> -> memref<128xi32, #tpu.memory_space<vmem>>
      %dma_wait3A_208 = arith.constant 0 : i32
      %dma_wait3A_209 = arith.constant 0 : i32
      %dma_wait3A_210 = tpu.memref_slice %arg2[%dma_wait3A_208, %dma_wait3A_209] : memref<10240x64xf32, #tpu.memory_space<hbm>> -> memref<10240x64xf32, #tpu.memory_space<hbm>>
      tpu.wait_indirect_dma semaphore(%arg14 : memref<!tpu.dma_semaphore, #tpu.memory_space<semaphore_mem>>) src(%dma_wait3A_210 : memref<10240x64xf32, #tpu.memory_space<hbm>>) dst(%dma_wait3A_204 : memref<128x64xf32, #tpu.memory_space<vmem>>)
      %dma_start3A_211 = arith.constant 2 : i32
      %dma_start3A_212 = arith.constant 0 : i32
      %dma_start3A_213 = arith.constant 0 : i32
      %dma_start3A_214 = tpu.memref_slice %arg9[%dma_start3A_211, %dma_start3A_212, %dma_start3A_213] : memref<4x128x64xf32, #tpu.memory_space<vmem>> -> memref<1x128x64xf32, #tpu.memory_space<vmem>>
      %dma_start3A_215 = tpu.memref_squeeze %dma_start3A_214 : memref<1x128x64xf32, #tpu.memory_space<vmem>> -> memref<128x64xf32, #tpu.memory_space<vmem>>
      %dma_start3A_216 = arith.constant 0 : i32
      %dma_start3A_217 = tpu.memref_slice %arg8[%add3A_182, %dma_start3A_216] : memref<80x128xi32, #tpu.memory_space<vmem>> -> memref<1x128xi32, #tpu.memory_space<vmem>>
      %dma_start3A_218 = tpu.memref_squeeze %dma_start3A_217 : memref<1x128xi32, #tpu.memory_space<vmem>> -> memref<128xi32, #tpu.memory_space<vmem>>
      %dma_start3A_219 = arith.constant 0 : i32
      %dma_start3A_220 = arith.constant 0 : i32
      %dma_start3A_221 = tpu.memref_slice %arg10[%dma_start3A_219, %dma_start3A_220] : memref<10240x64xf32, #tpu.memory_space<vmem_shared>> -> memref<10240x64xf32, #tpu.memory_space<vmem_shared>>
      tpu.enqueue_indirect_dma source(%dma_start3A_215 : memref<128x64xf32, #tpu.memory_space<vmem>>) target(%dma_start3A_221 : memref<10240x64xf32, #tpu.memory_space<vmem_shared>>) offsets(%dma_start3A_218 : memref<128xi32, #tpu.memory_space<vmem>>) semaphore(%arg18 : memref<!tpu.dma_semaphore, #tpu.memory_space<semaphore_mem>>) {add = true}
      %mul3A_222 = arith.constant 4 : i32
      %mul3A_223 = arith.muli %scan3A_99, %mul3A_222 : i32
      %add3A_224 = arith.constant 3 : i32
      %add3A_225 = arith.addi %mul3A_223, %add3A_224 : i32
      %ge3A_226 = arith.constant 1 : i32
      %ge3A_227 = arith.cmpi sge, %add3A_225, %ge3A_226 : i32
      %add3A_228 = arith.constant 4 : i32
      %add3A_229 = arith.addi %add3A_225, %add3A_228 : i32
      %sub3A_230 = arith.constant 1 : i32
      %sub3A_231 = arith.subi %add3A_229, %sub3A_230 : i32
      %lt3A_232 = arith.constant 80 : i32
      %lt3A_233 = arith.cmpi slt, %sub3A_231, %lt3A_232 : i32
      %and3A_234 = arith.andi %ge3A_227, %lt3A_233 : i1
      %convert_element_type3A_235 = arith.extui %and3A_234 : i1 to i32
      %cond3A_236 = arith.constant 0 : i32
      %cond3A_237 = arith.cmpi ne, %convert_element_type3A_235, %cond3A_236 : i32
      scf.if %cond3A_237 {
        %sub3A_265 = arith.constant 1 : i32
        %sub3A_266 = arith.subi %add3A_225, %sub3A_265 : i32
        %dma_wait3A_267 = arith.constant 2 : i32
        %dma_wait3A_268 = arith.constant 0 : i32
        %dma_wait3A_269 = arith.constant 0 : i32
        %dma_wait3A_270 = tpu.memref_slice %arg9[%dma_wait3A_267, %dma_wait3A_268, %dma_wait3A_269] : memref<4x128x64xf32, #tpu.memory_space<vmem>> -> memref<1x128x64xf32, #tpu.memory_space<vmem>>
        %dma_wait3A_271 = tpu.memref_squeeze %dma_wait3A_270 : memref<1x128x64xf32, #tpu.memory_space<vmem>> -> memref<128x64xf32, #tpu.memory_space<vmem>>
        %dma_wait3A_272 = arith.constant 0 : i32
        %dma_wait3A_273 = tpu.memref_slice %arg8[%sub3A_266, %dma_wait3A_272] : memref<80x128xi32, #tpu.memory_space<vmem>> -> memref<1x128xi32, #tpu.memory_space<vmem>>
        %dma_wait3A_274 = tpu.memref_squeeze %dma_wait3A_273 : memref<1x128xi32, #tpu.memory_space<vmem>> -> memref<128xi32, #tpu.memory_space<vmem>>
        %dma_wait3A_275 = arith.constant 0 : i32
        %dma_wait3A_276 = arith.constant 0 : i32
        %dma_wait3A_277 = tpu.memref_slice %arg10[%dma_wait3A_275, %dma_wait3A_276] : memref<10240x64xf32, #tpu.memory_space<vmem_shared>> -> memref<10240x64xf32, #tpu.memory_space<vmem_shared>>
        tpu.wait_indirect_dma semaphore(%arg18 : memref<!tpu.dma_semaphore, #tpu.memory_space<semaphore_mem>>) src(%dma_wait3A_271 : memref<128x64xf32, #tpu.memory_space<vmem>>) dst(%dma_wait3A_277 : memref<10240x64xf32, #tpu.memory_space<vmem_shared>>)
        %add3A_278 = arith.constant 4 : i32
        %add3A_279 = arith.addi %add3A_225, %add3A_278 : i32
        %sub3A_280 = arith.constant 1 : i32
        %sub3A_281 = arith.subi %add3A_279, %sub3A_280 : i32
        %dma_start3A_282 = arith.constant 2 : i32
        %dma_start3A_283 = arith.constant 0 : i32
        %dma_start3A_284 = arith.constant 0 : i32
        %dma_start3A_285 = tpu.memref_slice %arg9[%dma_start3A_282, %dma_start3A_283, %dma_start3A_284] : memref<4x128x64xf32, #tpu.memory_space<vmem>> -> memref<1x128x64xf32, #tpu.memory_space<vmem>>
        %dma_start3A_286 = tpu.memref_squeeze %dma_start3A_285 : memref<1x128x64xf32, #tpu.memory_space<vmem>> -> memref<128x64xf32, #tpu.memory_space<vmem>>
        %dma_start3A_287 = arith.constant 0 : i32
        %dma_start3A_288 = tpu.memref_slice %arg7[%sub3A_281, %dma_start3A_287] : memref<80x128xi32, #tpu.memory_space<vmem>> -> memref<1x128xi32, #tpu.memory_space<vmem>>
        %dma_start3A_289 = tpu.memref_squeeze %dma_start3A_288 : memref<1x128xi32, #tpu.memory_space<vmem>> -> memref<128xi32, #tpu.memory_space<vmem>>
        %dma_start3A_290 = arith.constant 0 : i32
        %dma_start3A_291 = arith.constant 0 : i32
        %dma_start3A_292 = tpu.memref_slice %arg2[%dma_start3A_290, %dma_start3A_291] : memref<10240x64xf32, #tpu.memory_space<hbm>> -> memref<10240x64xf32, #tpu.memory_space<hbm>>
        tpu.enqueue_indirect_dma source(%dma_start3A_292 : memref<10240x64xf32, #tpu.memory_space<hbm>>) target(%dma_start3A_286 : memref<128x64xf32, #tpu.memory_space<vmem>>) offsets(%dma_start3A_289 : memref<128xi32, #tpu.memory_space<vmem>>) semaphore(%arg14 : memref<!tpu.dma_semaphore, #tpu.memory_space<semaphore_mem>>)
      } else {
      }
      %eq3A_238 = arith.constant 0 : i32
      %eq3A_239 = arith.cmpi eq, %add3A_225, %eq3A_238 : i32
      %convert_element_type3A_240 = arith.extui %eq3A_239 : i1 to i32
      %cond3A_241 = arith.constant 0 : i32
      %cond3A_242 = arith.cmpi ne, %convert_element_type3A_240, %cond3A_241 : i32
      scf.if %cond3A_242 {
        %dma_start3A_265 = arith.constant 3 : i32
        %dma_start3A_266 = arith.constant 3 : i32
        %dma_start3A_267 = arith.constant 0 : i32
        %dma_start3A_268 = arith.constant 0 : i32
        %dma_start3A_269 = tpu.memref_slice %arg9[%dma_start3A_266, %dma_start3A_267, %dma_start3A_268] : memref<4x128x64xf32, #tpu.memory_space<vmem>> -> memref<1x128x64xf32, #tpu.memory_space<vmem>>
        %dma_start3A_270 = tpu.memref_squeeze %dma_start3A_269 : memref<1x128x64xf32, #tpu.memory_space<vmem>> -> memref<128x64xf32, #tpu.memory_space<vmem>>
        %dma_start3A_271 = arith.constant 0 : i32
        %dma_start3A_272 = tpu.memref_slice %arg7[%dma_start3A_265, %dma_start3A_271] : memref<80x128xi32, #tpu.memory_space<vmem>> -> memref<1x128xi32, #tpu.memory_space<vmem>>
        %dma_start3A_273 = tpu.memref_squeeze %dma_start3A_272 : memref<1x128xi32, #tpu.memory_space<vmem>> -> memref<128xi32, #tpu.memory_space<vmem>>
        %dma_start3A_274 = arith.constant 0 : i32
        %dma_start3A_275 = arith.constant 0 : i32
        %dma_start3A_276 = tpu.memref_slice %arg2[%dma_start3A_274, %dma_start3A_275] : memref<10240x64xf32, #tpu.memory_space<hbm>> -> memref<10240x64xf32, #tpu.memory_space<hbm>>
        tpu.enqueue_indirect_dma source(%dma_start3A_276 : memref<10240x64xf32, #tpu.memory_space<hbm>>) target(%dma_start3A_270 : memref<128x64xf32, #tpu.memory_space<vmem>>) offsets(%dma_start3A_273 : memref<128xi32, #tpu.memory_space<vmem>>) semaphore(%arg15 : memref<!tpu.dma_semaphore, #tpu.memory_space<semaphore_mem>>)
      } else {
      }
      %dma_wait3A_243 = arith.constant 3 : i32
      %dma_wait3A_244 = arith.constant 0 : i32
      %dma_wait3A_245 = arith.constant 0 : i32
      %dma_wait3A_246 = tpu.memref_slice %arg9[%dma_wait3A_243, %dma_wait3A_244, %dma_wait3A_245] : memref<4x128x64xf32, #tpu.memory_space<vmem>> -> memref<1x128x64xf32, #tpu.memory_space<vmem>>
      %dma_wait3A_247 = tpu.memref_squeeze %dma_wait3A_246 : memref<1x128x64xf32, #tpu.memory_space<vmem>> -> memref<128x64xf32, #tpu.memory_space<vmem>>
      %dma_wait3A_248 = arith.constant 0 : i32
      %dma_wait3A_249 = tpu.memref_slice %arg7[%add3A_225, %dma_wait3A_248] : memref<80x128xi32, #tpu.memory_space<vmem>> -> memref<1x128xi32, #tpu.memory_space<vmem>>
      %dma_wait3A_250 = tpu.memref_squeeze %dma_wait3A_249 : memref<1x128xi32, #tpu.memory_space<vmem>> -> memref<128xi32, #tpu.memory_space<vmem>>
      %dma_wait3A_251 = arith.constant 0 : i32
      %dma_wait3A_252 = arith.constant 0 : i32
      %dma_wait3A_253 = tpu.memref_slice %arg2[%dma_wait3A_251, %dma_wait3A_252] : memref<10240x64xf32, #tpu.memory_space<hbm>> -> memref<10240x64xf32, #tpu.memory_space<hbm>>
      tpu.wait_indirect_dma semaphore(%arg15 : memref<!tpu.dma_semaphore, #tpu.memory_space<semaphore_mem>>) src(%dma_wait3A_253 : memref<10240x64xf32, #tpu.memory_space<hbm>>) dst(%dma_wait3A_247 : memref<128x64xf32, #tpu.memory_space<vmem>>)
      %dma_start3A_254 = arith.constant 3 : i32
      %dma_start3A_255 = arith.constant 0 : i32
      %dma_start3A_256 = arith.constant 0 : i32
      %dma_start3A_257 = tpu.memref_slice %arg9[%dma_start3A_254, %dma_start3A_255, %dma_start3A_256] : memref<4x128x64xf32, #tpu.memory_space<vmem>> -> memref<1x128x64xf32, #tpu.memory_space<vmem>>
      %dma_start3A_258 = tpu.memref_squeeze %dma_start3A_257 : memref<1x128x64xf32, #tpu.memory_space<vmem>> -> memref<128x64xf32, #tpu.memory_space<vmem>>
      %dma_start3A_259 = arith.constant 0 : i32
      %dma_start3A_260 = tpu.memref_slice %arg8[%add3A_225, %dma_start3A_259] : memref<80x128xi32, #tpu.memory_space<vmem>> -> memref<1x128xi32, #tpu.memory_space<vmem>>
      %dma_start3A_261 = tpu.memref_squeeze %dma_start3A_260 : memref<1x128xi32, #tpu.memory_space<vmem>> -> memref<128xi32, #tpu.memory_space<vmem>>
      %dma_start3A_262 = arith.constant 0 : i32
      %dma_start3A_263 = arith.constant 0 : i32
      %dma_start3A_264 = tpu.memref_slice %arg10[%dma_start3A_262, %dma_start3A_263] : memref<10240x64xf32, #tpu.memory_space<vmem_shared>> -> memref<10240x64xf32, #tpu.memory_space<vmem_shared>>
      tpu.enqueue_indirect_dma source(%dma_start3A_258 : memref<128x64xf32, #tpu.memory_space<vmem>>) target(%dma_start3A_264 : memref<10240x64xf32, #tpu.memory_space<vmem_shared>>) offsets(%dma_start3A_261 : memref<128xi32, #tpu.memory_space<vmem>>) semaphore(%arg19 : memref<!tpu.dma_semaphore, #tpu.memory_space<semaphore_mem>>) {add = true}
    }
    %scan3A_49 = arith.constant 20 : i32
    %dma_wait3A_50 = arith.constant 0 : i32
    %dma_wait3A_51 = arith.constant 76 : i32
    %dma_wait3A_52 = arith.constant 0 : i32
    %dma_wait3A_53 = arith.constant 0 : i32
    %dma_wait3A_54 = tpu.memref_slice %arg9[%dma_wait3A_50, %dma_wait3A_52, %dma_wait3A_53] : memref<4x128x64xf32, #tpu.memory_space<vmem>> -> memref<1x128x64xf32, #tpu.memory_space<vmem>>
    %dma_wait3A_55 = tpu.memref_squeeze %dma_wait3A_54 : memref<1x128x64xf32, #tpu.memory_space<vmem>> -> memref<128x64xf32, #tpu.memory_space<vmem>>
    %dma_wait3A_56 = arith.constant 0 : i32
    %dma_wait3A_57 = tpu.memref_slice %arg8[%dma_wait3A_51, %dma_wait3A_56] : memref<80x128xi32, #tpu.memory_space<vmem>> -> memref<1x128xi32, #tpu.memory_space<vmem>>
    %dma_wait3A_58 = tpu.memref_squeeze %dma_wait3A_57 : memref<1x128xi32, #tpu.memory_space<vmem>> -> memref<128xi32, #tpu.memory_space<vmem>>
    %dma_wait3A_59 = arith.constant 0 : i32
    %dma_wait3A_60 = arith.constant 0 : i32
    %dma_wait3A_61 = tpu.memref_slice %arg10[%dma_wait3A_59, %dma_wait3A_60] : memref<10240x64xf32, #tpu.memory_space<vmem_shared>> -> memref<10240x64xf32, #tpu.memory_space<vmem_shared>>
    tpu.wait_indirect_dma semaphore(%arg16 : memref<!tpu.dma_semaphore, #tpu.memory_space<semaphore_mem>>) src(%dma_wait3A_55 : memref<128x64xf32, #tpu.memory_space<vmem>>) dst(%dma_wait3A_61 : memref<10240x64xf32, #tpu.memory_space<vmem_shared>>)
    %dma_wait3A_62 = arith.constant 1 : i32
    %dma_wait3A_63 = arith.constant 77 : i32
    %dma_wait3A_64 = arith.constant 0 : i32
    %dma_wait3A_65 = arith.constant 0 : i32
    %dma_wait3A_66 = tpu.memref_slice %arg9[%dma_wait3A_62, %dma_wait3A_64, %dma_wait3A_65] : memref<4x128x64xf32, #tpu.memory_space<vmem>> -> memref<1x128x64xf32, #tpu.memory_space<vmem>>
    %dma_wait3A_67 = tpu.memref_squeeze %dma_wait3A_66 : memref<1x128x64xf32, #tpu.memory_space<vmem>> -> memref<128x64xf32, #tpu.memory_space<vmem>>
    %dma_wait3A_68 = arith.constant 0 : i32
    %dma_wait3A_69 = tpu.memref_slice %arg8[%dma_wait3A_63, %dma_wait3A_68] : memref<80x128xi32, #tpu.memory_space<vmem>> -> memref<1x128xi32, #tpu.memory_space<vmem>>
    %dma_wait3A_70 = tpu.memref_squeeze %dma_wait3A_69 : memref<1x128xi32, #tpu.memory_space<vmem>> -> memref<128xi32, #tpu.memory_space<vmem>>
    %dma_wait3A_71 = arith.constant 0 : i32
    %dma_wait3A_72 = arith.constant 0 : i32
    %dma_wait3A_73 = tpu.memref_slice %arg10[%dma_wait3A_71, %dma_wait3A_72] : memref<10240x64xf32, #tpu.memory_space<vmem_shared>> -> memref<10240x64xf32, #tpu.memory_space<vmem_shared>>
    tpu.wait_indirect_dma semaphore(%arg17 : memref<!tpu.dma_semaphore, #tpu.memory_space<semaphore_mem>>) src(%dma_wait3A_67 : memref<128x64xf32, #tpu.memory_space<vmem>>) dst(%dma_wait3A_73 : memref<10240x64xf32, #tpu.memory_space<vmem_shared>>)
    %dma_wait3A_74 = arith.constant 2 : i32
    %dma_wait3A_75 = arith.constant 78 : i32
    %dma_wait3A_76 = arith.constant 0 : i32
    %dma_wait3A_77 = arith.constant 0 : i32
    %dma_wait3A_78 = tpu.memref_slice %arg9[%dma_wait3A_74, %dma_wait3A_76, %dma_wait3A_77] : memref<4x128x64xf32, #tpu.memory_space<vmem>> -> memref<1x128x64xf32, #tpu.memory_space<vmem>>
    %dma_wait3A_79 = tpu.memref_squeeze %dma_wait3A_78 : memref<1x128x64xf32, #tpu.memory_space<vmem>> -> memref<128x64xf32, #tpu.memory_space<vmem>>
    %dma_wait3A_80 = arith.constant 0 : i32
    %dma_wait3A_81 = tpu.memref_slice %arg8[%dma_wait3A_75, %dma_wait3A_80] : memref<80x128xi32, #tpu.memory_space<vmem>> -> memref<1x128xi32, #tpu.memory_space<vmem>>
    %dma_wait3A_82 = tpu.memref_squeeze %dma_wait3A_81 : memref<1x128xi32, #tpu.memory_space<vmem>> -> memref<128xi32, #tpu.memory_space<vmem>>
    %dma_wait3A_83 = arith.constant 0 : i32
    %dma_wait3A_84 = arith.constant 0 : i32
    %dma_wait3A_85 = tpu.memref_slice %arg10[%dma_wait3A_83, %dma_wait3A_84] : memref<10240x64xf32, #tpu.memory_space<vmem_shared>> -> memref<10240x64xf32, #tpu.memory_space<vmem_shared>>
    tpu.wait_indirect_dma semaphore(%arg18 : memref<!tpu.dma_semaphore, #tpu.memory_space<semaphore_mem>>) src(%dma_wait3A_79 : memref<128x64xf32, #tpu.memory_space<vmem>>) dst(%dma_wait3A_85 : memref<10240x64xf32, #tpu.memory_space<vmem_shared>>)
    %dma_wait3A_86 = arith.constant 3 : i32
    %dma_wait3A_87 = arith.constant 79 : i32
    %dma_wait3A_88 = arith.constant 0 : i32
    %dma_wait3A_89 = arith.constant 0 : i32
    %dma_wait3A_90 = tpu.memref_slice %arg9[%dma_wait3A_86, %dma_wait3A_88, %dma_wait3A_89] : memref<4x128x64xf32, #tpu.memory_space<vmem>> -> memref<1x128x64xf32, #tpu.memory_space<vmem>>
    %dma_wait3A_91 = tpu.memref_squeeze %dma_wait3A_90 : memref<1x128x64xf32, #tpu.memory_space<vmem>> -> memref<128x64xf32, #tpu.memory_space<vmem>>
    %dma_wait3A_92 = arith.constant 0 : i32
    %dma_wait3A_93 = tpu.memref_slice %arg8[%dma_wait3A_87, %dma_wait3A_92] : memref<80x128xi32, #tpu.memory_space<vmem>> -> memref<1x128xi32, #tpu.memory_space<vmem>>
    %dma_wait3A_94 = tpu.memref_squeeze %dma_wait3A_93 : memref<1x128xi32, #tpu.memory_space<vmem>> -> memref<128xi32, #tpu.memory_space<vmem>>
    %dma_wait3A_95 = arith.constant 0 : i32
    %dma_wait3A_96 = arith.constant 0 : i32
    %dma_wait3A_97 = tpu.memref_slice %arg10[%dma_wait3A_95, %dma_wait3A_96] : memref<10240x64xf32, #tpu.memory_space<vmem_shared>> -> memref<10240x64xf32, #tpu.memory_space<vmem_shared>>
    tpu.wait_indirect_dma semaphore(%arg19 : memref<!tpu.dma_semaphore, #tpu.memory_space<semaphore_mem>>) src(%dma_wait3A_91 : memref<128x64xf32, #tpu.memory_space<vmem>>) dst(%dma_wait3A_97 : memref<10240x64xf32, #tpu.memory_space<vmem_shared>>)
    %barrier3A_98 = arith.constant 0 : index
    tpu.barrier barrier_id(%barrier3A_98)
    "tpu.region"() ({
      %run_scoped3A = tpu.sem_alloc : memref<!tpu.dma_semaphore, #tpu.memory_space<semaphore_mem>>
      %dma_start3A_99 = arith.constant 0 : i32
      %dma_start3A_100 = tpu.memref_slice %arg6[%arg0, %mul3A_2, %dma_start3A_99] : memref<2x10240x64xf32, #tpu.memory_space<hbm>> -> memref<1x640x64xf32, #tpu.memory_space<hbm>>
      %dma_start3A_101 = tpu.memref_squeeze %dma_start3A_100 : memref<1x640x64xf32, #tpu.memory_space<hbm>> -> memref<640x64xf32, #tpu.memory_space<hbm>>
      %dma_start3A_102 = arith.constant 0 : i32
      %dma_start3A_103 = tpu.memref_slice %arg10[%mul3A_2, %dma_start3A_102] : memref<10240x64xf32, #tpu.memory_space<vmem_shared>> -> memref<640x64xf32, #tpu.memory_space<vmem_shared>>
      tpu.enqueue_dma source(%dma_start3A_103 : memref<640x64xf32, #tpu.memory_space<vmem_shared>>) target(%dma_start3A_101 : memref<640x64xf32, #tpu.memory_space<hbm>>) target_semaphore(%run_scoped3A : memref<!tpu.dma_semaphore, #tpu.memory_space<semaphore_mem>>)
      %dma_wait3A_104 = arith.constant 0 : i32
      %dma_wait3A_105 = tpu.memref_slice %arg6[%arg0, %mul3A_2, %dma_wait3A_104] : memref<2x10240x64xf32, #tpu.memory_space<hbm>> -> memref<1x640x64xf32, #tpu.memory_space<hbm>>
      %dma_wait3A_106 = tpu.memref_squeeze %dma_wait3A_105 : memref<1x640x64xf32, #tpu.memory_space<hbm>> -> memref<640x64xf32, #tpu.memory_space<hbm>>
      %dma_wait3A_107 = arith.constant 0 : i32
      %dma_wait3A_108 = tpu.memref_slice %arg10[%mul3A_2, %dma_wait3A_107] : memref<10240x64xf32, #tpu.memory_space<vmem_shared>> -> memref<640x64xf32, #tpu.memory_space<vmem_shared>>
      tpu.wait_dma2 semaphore(%run_scoped3A : memref<!tpu.dma_semaphore, #tpu.memory_space<semaphore_mem>>) src(%dma_wait3A_108 : memref<640x64xf32, #tpu.memory_space<vmem_shared>>) dst(%dma_wait3A_106 : memref<640x64xf32, #tpu.memory_space<hbm>>)
      tpu.yield
    }) : () -> ()
    return
  }
}

#map = affine_map<(d0, d1) -> (0, 0)>
#map1 = affine_map<(d0, d1) -> (0, 0, 0)>
module attributes {stable_mosaic.version = 14 : i64} {
  func.func @_agg_body(%arg0: i32, %arg1: i32, %arg2: memref<10240x64xf32, #tpu.memory_space<hbm>>, %arg3: memref<32x80x128xi32, #tpu.memory_space<hbm>>, %arg4: memref<32x80x128xi32, #tpu.memory_space<hbm>>, %arg5: memref<10240x64xf32, #tpu.memory_space<hbm>>, %arg6: memref<2x10240x64xf32, #tpu.memory_space<hbm>>, %arg7: memref<80x128xi32, #tpu.memory_space<vmem>>, %arg8: memref<80x128xi32, #tpu.memory_space<vmem>>, %arg9: memref<4x128x64xf32, #tpu.memory_space<vmem>>, %arg10: memref<10240x64xf32, #tpu.memory_space<vmem_shared>>, %arg11: memref<!tpu.dma_semaphore, #tpu.memory_space<semaphore_mem>>, %arg12: memref<!tpu.dma_semaphore, #tpu.memory_space<semaphore_mem>>, %arg13: memref<!tpu.dma_semaphore, #tpu.memory_space<semaphore_mem>>, %arg14: memref<!tpu.dma_semaphore, #tpu.memory_space<semaphore_mem>>, %arg15: memref<!tpu.dma_semaphore, #tpu.memory_space<semaphore_mem>>, %arg16: memref<!tpu.dma_semaphore, #tpu.memory_space<semaphore_mem>>, %arg17: memref<!tpu.dma_semaphore, #tpu.memory_space<semaphore_mem>>, %arg18: memref<!tpu.dma_semaphore, #tpu.memory_space<semaphore_mem>>, %arg19: memref<!tpu.dma_semaphore, #tpu.memory_space<semaphore_mem>>) attributes {dimension_semantics = [#tpu.dimension_semantics<core_parallel>, #tpu.dimension_semantics<subcore_parallel>], iteration_bounds = array<i64: 2, 16>, scalar_prefetch = 0 : i64, scratch_operands = 13 : i64, tpu.core_type = #tpu.core_type<sc_vector_subcore>, window_params = [{transform_indices = #map}, {transform_indices = #map1}, {transform_indices = #map1}, {transform_indices = #map}, {transform_indices = #map1}]} {
    %mul3A = arith.constant 2 : i32
    %mul3A_0 = arith.muli %arg1, %mul3A : i32
    %add3A = arith.addi %mul3A_0, %arg0 : i32
    %mul3A_1 = arith.constant 640 : i32
    %mul3A_2 = arith.muli %arg1, %mul3A_1 : i32
    "tpu.region"() ({
      %run_scoped3A = tpu.sem_alloc : memref<!tpu.dma_semaphore, #tpu.memory_space<semaphore_mem>>
      %dma_start3A_99 = arith.constant 0 : i32
      %dma_start3A_100 = arith.constant 0 : i32
      %dma_start3A_101 = tpu.memref_slice %arg3[%add3A, %dma_start3A_99, %dma_start3A_100] : memref<32x80x128xi32, #tpu.memory_space<hbm>> -> memref<1x80x128xi32, #tpu.memory_space<hbm>>
      %dma_start3A_102 = tpu.memref_squeeze %dma_start3A_101 : memref<1x80x128xi32, #tpu.memory_space<hbm>> -> memref<80x128xi32, #tpu.memory_space<hbm>>
      %dma_start3A_103 = arith.constant 0 : i32
      %dma_start3A_104 = arith.constant 0 : i32
      %dma_start3A_105 = tpu.memref_slice %arg3[%add3A, %dma_start3A_103, %dma_start3A_104] : memref<32x80x128xi32, #tpu.memory_space<hbm>> -> memref<1x80x128xi32, #tpu.memory_space<hbm>>
      %dma_start3A_106 = tpu.memref_squeeze %dma_start3A_105 : memref<1x80x128xi32, #tpu.memory_space<hbm>> -> memref<80x128xi32, #tpu.memory_space<hbm>>
      tpu.enqueue_dma source(%dma_start3A_106 : memref<80x128xi32, #tpu.memory_space<hbm>>) target(%arg7 : memref<80x128xi32, #tpu.memory_space<vmem>>) target_semaphore(%run_scoped3A : memref<!tpu.dma_semaphore, #tpu.memory_space<semaphore_mem>>)
      %dma_wait3A_107 = arith.constant 0 : i32
      %dma_wait3A_108 = arith.constant 0 : i32
      %dma_wait3A_109 = tpu.memref_slice %arg3[%add3A, %dma_wait3A_107, %dma_wait3A_108] : memref<32x80x128xi32, #tpu.memory_space<hbm>> -> memref<1x80x128xi32, #tpu.memory_space<hbm>>
      %dma_wait3A_110 = tpu.memref_squeeze %dma_wait3A_109 : memref<1x80x128xi32, #tpu.memory_space<hbm>> -> memref<80x128xi32, #tpu.memory_space<hbm>>
      %dma_wait3A_111 = arith.constant 0 : i32
      %dma_wait3A_112 = arith.constant 0 : i32
      %dma_wait3A_113 = tpu.memref_slice %arg3[%add3A, %dma_wait3A_111, %dma_wait3A_112] : memref<32x80x128xi32, #tpu.memory_space<hbm>> -> memref<1x80x128xi32, #tpu.memory_space<hbm>>
      %dma_wait3A_114 = tpu.memref_squeeze %dma_wait3A_113 : memref<1x80x128xi32, #tpu.memory_space<hbm>> -> memref<80x128xi32, #tpu.memory_space<hbm>>
      tpu.wait_dma2 semaphore(%run_scoped3A : memref<!tpu.dma_semaphore, #tpu.memory_space<semaphore_mem>>) src(%dma_wait3A_114 : memref<80x128xi32, #tpu.memory_space<hbm>>) dst(%arg7 : memref<80x128xi32, #tpu.memory_space<vmem>>)
      tpu.yield
    }) : () -> ()
    "tpu.region"() ({
      %run_scoped3A = tpu.sem_alloc : memref<!tpu.dma_semaphore, #tpu.memory_space<semaphore_mem>>
      %dma_start3A_99 = arith.constant 0 : i32
      %dma_start3A_100 = arith.constant 0 : i32
      %dma_start3A_101 = tpu.memref_slice %arg4[%add3A, %dma_start3A_99, %dma_start3A_100] : memref<32x80x128xi32, #tpu.memory_space<hbm>> -> memref<1x80x128xi32, #tpu.memory_space<hbm>>
      %dma_start3A_102 = tpu.memref_squeeze %dma_start3A_101 : memref<1x80x128xi32, #tpu.memory_space<hbm>> -> memref<80x128xi32, #tpu.memory_space<hbm>>
      %dma_start3A_103 = arith.constant 0 : i32
      %dma_start3A_104 = arith.constant 0 : i32
      %dma_start3A_105 = tpu.memref_slice %arg4[%add3A, %dma_start3A_103, %dma_start3A_104] : memref<32x80x128xi32, #tpu.memory_space<hbm>> -> memref<1x80x128xi32, #tpu.memory_space<hbm>>
      %dma_start3A_106 = tpu.memref_squeeze %dma_start3A_105 : memref<1x80x128xi32, #tpu.memory_space<hbm>> -> memref<80x128xi32, #tpu.memory_space<hbm>>
      tpu.enqueue_dma source(%dma_start3A_106 : memref<80x128xi32, #tpu.memory_space<hbm>>) target(%arg8 : memref<80x128xi32, #tpu.memory_space<vmem>>) target_semaphore(%run_scoped3A : memref<!tpu.dma_semaphore, #tpu.memory_space<semaphore_mem>>)
      %dma_wait3A_107 = arith.constant 0 : i32
      %dma_wait3A_108 = arith.constant 0 : i32
      %dma_wait3A_109 = tpu.memref_slice %arg4[%add3A, %dma_wait3A_107, %dma_wait3A_108] : memref<32x80x128xi32, #tpu.memory_space<hbm>> -> memref<1x80x128xi32, #tpu.memory_space<hbm>>
      %dma_wait3A_110 = tpu.memref_squeeze %dma_wait3A_109 : memref<1x80x128xi32, #tpu.memory_space<hbm>> -> memref<80x128xi32, #tpu.memory_space<hbm>>
      %dma_wait3A_111 = arith.constant 0 : i32
      %dma_wait3A_112 = arith.constant 0 : i32
      %dma_wait3A_113 = tpu.memref_slice %arg4[%add3A, %dma_wait3A_111, %dma_wait3A_112] : memref<32x80x128xi32, #tpu.memory_space<hbm>> -> memref<1x80x128xi32, #tpu.memory_space<hbm>>
      %dma_wait3A_114 = tpu.memref_squeeze %dma_wait3A_113 : memref<1x80x128xi32, #tpu.memory_space<hbm>> -> memref<80x128xi32, #tpu.memory_space<hbm>>
      tpu.wait_dma2 semaphore(%run_scoped3A : memref<!tpu.dma_semaphore, #tpu.memory_space<semaphore_mem>>) src(%dma_wait3A_114 : memref<80x128xi32, #tpu.memory_space<hbm>>) dst(%arg8 : memref<80x128xi32, #tpu.memory_space<vmem>>)
      tpu.yield
    }) : () -> ()
    %dma_start3A = arith.constant 0 : i32
    %dma_start3A_3 = tpu.memref_slice %arg10[%mul3A_2, %dma_start3A] : memref<10240x64xf32, #tpu.memory_space<vmem_shared>> -> memref<640x64xf32, #tpu.memory_space<vmem_shared>>
    %dma_start3A_4 = arith.constant 0 : i32
    %dma_start3A_5 = tpu.memref_slice %arg5[%mul3A_2, %dma_start3A_4] : memref<10240x64xf32, #tpu.memory_space<hbm>> -> memref<640x64xf32, #tpu.memory_space<hbm>>
    tpu.enqueue_dma source(%dma_start3A_5 : memref<640x64xf32, #tpu.memory_space<hbm>>) target(%dma_start3A_3 : memref<640x64xf32, #tpu.memory_space<vmem_shared>>) target_semaphore(%arg11 : memref<!tpu.dma_semaphore, #tpu.memory_space<semaphore_mem>>)
    %dma_start3A_6 = arith.constant 0 : i32
    %dma_start3A_7 = arith.constant 0 : i32
    %dma_start3A_8 = arith.constant 0 : i32
    %dma_start3A_9 = arith.constant 0 : i32
    %dma_start3A_10 = tpu.memref_slice %arg9[%dma_start3A_7, %dma_start3A_8, %dma_start3A_9] : memref<4x128x64xf32, #tpu.memory_space<vmem>> -> memref<1x128x64xf32, #tpu.memory_space<vmem>>
    %dma_start3A_11 = tpu.memref_squeeze %dma_start3A_10 : memref<1x128x64xf32, #tpu.memory_space<vmem>> -> memref<128x64xf32, #tpu.memory_space<vmem>>
    %dma_start3A_12 = arith.constant 0 : i32
    %dma_start3A_13 = tpu.memref_slice %arg7[%dma_start3A_6, %dma_start3A_12] : memref<80x128xi32, #tpu.memory_space<vmem>> -> memref<1x128xi32, #tpu.memory_space<vmem>>
    %dma_start3A_14 = tpu.memref_squeeze %dma_start3A_13 : memref<1x128xi32, #tpu.memory_space<vmem>> -> memref<128xi32, #tpu.memory_space<vmem>>
    %dma_start3A_15 = arith.constant 0 : i32
    %dma_start3A_16 = arith.constant 0 : i32
    %dma_start3A_17 = tpu.memref_slice %arg2[%dma_start3A_15, %dma_start3A_16] : memref<10240x64xf32, #tpu.memory_space<hbm>> -> memref<10240x64xf32, #tpu.memory_space<hbm>>
    tpu.enqueue_indirect_dma source(%dma_start3A_17 : memref<10240x64xf32, #tpu.memory_space<hbm>>) target(%dma_start3A_11 : memref<128x64xf32, #tpu.memory_space<vmem>>) offsets(%dma_start3A_14 : memref<128xi32, #tpu.memory_space<vmem>>) semaphore(%arg12 : memref<!tpu.dma_semaphore, #tpu.memory_space<semaphore_mem>>)
    %dma_start3A_18 = arith.constant 1 : i32
    %dma_start3A_19 = arith.constant 1 : i32
    %dma_start3A_20 = arith.constant 0 : i32
    %dma_start3A_21 = arith.constant 0 : i32
    %dma_start3A_22 = tpu.memref_slice %arg9[%dma_start3A_19, %dma_start3A_20, %dma_start3A_21] : memref<4x128x64xf32, #tpu.memory_space<vmem>> -> memref<1x128x64xf32, #tpu.memory_space<vmem>>
    %dma_start3A_23 = tpu.memref_squeeze %dma_start3A_22 : memref<1x128x64xf32, #tpu.memory_space<vmem>> -> memref<128x64xf32, #tpu.memory_space<vmem>>
    %dma_start3A_24 = arith.constant 0 : i32
    %dma_start3A_25 = tpu.memref_slice %arg7[%dma_start3A_18, %dma_start3A_24] : memref<80x128xi32, #tpu.memory_space<vmem>> -> memref<1x128xi32, #tpu.memory_space<vmem>>
    %dma_start3A_26 = tpu.memref_squeeze %dma_start3A_25 : memref<1x128xi32, #tpu.memory_space<vmem>> -> memref<128xi32, #tpu.memory_space<vmem>>
    %dma_start3A_27 = arith.constant 0 : i32
    %dma_start3A_28 = arith.constant 0 : i32
    %dma_start3A_29 = tpu.memref_slice %arg2[%dma_start3A_27, %dma_start3A_28] : memref<10240x64xf32, #tpu.memory_space<hbm>> -> memref<10240x64xf32, #tpu.memory_space<hbm>>
    tpu.enqueue_indirect_dma source(%dma_start3A_29 : memref<10240x64xf32, #tpu.memory_space<hbm>>) target(%dma_start3A_23 : memref<128x64xf32, #tpu.memory_space<vmem>>) offsets(%dma_start3A_26 : memref<128xi32, #tpu.memory_space<vmem>>) semaphore(%arg13 : memref<!tpu.dma_semaphore, #tpu.memory_space<semaphore_mem>>)
    %dma_start3A_30 = arith.constant 2 : i32
    %dma_start3A_31 = arith.constant 2 : i32
    %dma_start3A_32 = arith.constant 0 : i32
    %dma_start3A_33 = arith.constant 0 : i32
    %dma_start3A_34 = tpu.memref_slice %arg9[%dma_start3A_31, %dma_start3A_32, %dma_start3A_33] : memref<4x128x64xf32, #tpu.memory_space<vmem>> -> memref<1x128x64xf32, #tpu.memory_space<vmem>>
    %dma_start3A_35 = tpu.memref_squeeze %dma_start3A_34 : memref<1x128x64xf32, #tpu.memory_space<vmem>> -> memref<128x64xf32, #tpu.memory_space<vmem>>
    %dma_start3A_36 = arith.constant 0 : i32
    %dma_start3A_37 = tpu.memref_slice %arg7[%dma_start3A_30, %dma_start3A_36] : memref<80x128xi32, #tpu.memory_space<vmem>> -> memref<1x128xi32, #tpu.memory_space<vmem>>
    %dma_start3A_38 = tpu.memref_squeeze %dma_start3A_37 : memref<1x128xi32, #tpu.memory_space<vmem>> -> memref<128xi32, #tpu.memory_space<vmem>>
    %dma_start3A_39 = arith.constant 0 : i32
    %dma_start3A_40 = arith.constant 0 : i32
    %dma_start3A_41 = tpu.memref_slice %arg2[%dma_start3A_39, %dma_start3A_40] : memref<10240x64xf32, #tpu.memory_space<hbm>> -> memref<10240x64xf32, #tpu.memory_space<hbm>>
    tpu.enqueue_indirect_dma source(%dma_start3A_41 : memref<10240x64xf32, #tpu.memory_space<hbm>>) target(%dma_start3A_35 : memref<128x64xf32, #tpu.memory_space<vmem>>) offsets(%dma_start3A_38 : memref<128xi32, #tpu.memory_space<vmem>>) semaphore(%arg14 : memref<!tpu.dma_semaphore, #tpu.memory_space<semaphore_mem>>)
    %dma_wait3A = arith.constant 0 : i32
    %dma_wait3A_42 = tpu.memref_slice %arg10[%mul3A_2, %dma_wait3A] : memref<10240x64xf32, #tpu.memory_space<vmem_shared>> -> memref<640x64xf32, #tpu.memory_space<vmem_shared>>
    %dma_wait3A_43 = arith.constant 0 : i32
    %dma_wait3A_44 = tpu.memref_slice %arg5[%mul3A_2, %dma_wait3A_43] : memref<10240x64xf32, #tpu.memory_space<hbm>> -> memref<640x64xf32, #tpu.memory_space<hbm>>
    tpu.wait_dma2 semaphore(%arg11 : memref<!tpu.dma_semaphore, #tpu.memory_space<semaphore_mem>>) src(%dma_wait3A_44 : memref<640x64xf32, #tpu.memory_space<hbm>>) dst(%dma_wait3A_42 : memref<640x64xf32, #tpu.memory_space<vmem_shared>>)
    %barrier3A = arith.constant 0 : index
    tpu.barrier barrier_id(%barrier3A)
    %scan3A = arith.constant 0 : i32
    %scan3A_45 = arith.constant 0 : i32
    %scan3A_46 = arith.constant 20 : i32
    %scan3A_47 = arith.addi %scan3A_45, %scan3A_46 : i32
    %scan3A_48 = arith.constant 1 : i32
    scf.for %scan3A_99 = %scan3A_45 to %scan3A_47 step %scan3A_48  : i32 {
      %mul3A_100 = arith.constant 4 : i32
      %mul3A_101 = arith.muli %scan3A_99, %mul3A_100 : i32
      %add3A_102 = arith.constant 0 : i32
      %add3A_103 = arith.addi %mul3A_101, %add3A_102 : i32
      %ge3A = arith.constant 1 : i32
      %ge3A_104 = arith.cmpi sge, %add3A_103, %ge3A : i32
      %add3A_105 = arith.constant 4 : i32
      %add3A_106 = arith.addi %add3A_103, %add3A_105 : i32
      %sub3A = arith.constant 1 : i32
      %sub3A_107 = arith.subi %add3A_106, %sub3A : i32
      %lt3A = arith.constant 80 : i32
      %lt3A_108 = arith.cmpi slt, %sub3A_107, %lt3A : i32
      %and3A = arith.andi %ge3A_104, %lt3A_108 : i1
      %convert_element_type3A = arith.extui %and3A : i1 to i32
      %cond3A = arith.constant 0 : i32
      %cond3A_109 = arith.cmpi ne, %convert_element_type3A, %cond3A : i32
      scf.if %cond3A_109 {
        %sub3A_265 = arith.constant 1 : i32
        %sub3A_266 = arith.subi %add3A_103, %sub3A_265 : i32
        %dma_wait3A_267 = arith.constant 3 : i32
        %dma_wait3A_268 = arith.constant 0 : i32
        %dma_wait3A_269 = arith.constant 0 : i32
        %dma_wait3A_270 = tpu.memref_slice %arg9[%dma_wait3A_267, %dma_wait3A_268, %dma_wait3A_269] : memref<4x128x64xf32, #tpu.memory_space<vmem>> -> memref<1x128x64xf32, #tpu.memory_space<vmem>>
        %dma_wait3A_271 = tpu.memref_squeeze %dma_wait3A_270 : memref<1x128x64xf32, #tpu.memory_space<vmem>> -> memref<128x64xf32, #tpu.memory_space<vmem>>
        %dma_wait3A_272 = arith.constant 0 : i32
        %dma_wait3A_273 = tpu.memref_slice %arg8[%sub3A_266, %dma_wait3A_272] : memref<80x128xi32, #tpu.memory_space<vmem>> -> memref<1x128xi32, #tpu.memory_space<vmem>>
        %dma_wait3A_274 = tpu.memref_squeeze %dma_wait3A_273 : memref<1x128xi32, #tpu.memory_space<vmem>> -> memref<128xi32, #tpu.memory_space<vmem>>
        %dma_wait3A_275 = arith.constant 0 : i32
        %dma_wait3A_276 = arith.constant 0 : i32
        %dma_wait3A_277 = tpu.memref_slice %arg10[%dma_wait3A_275, %dma_wait3A_276] : memref<10240x64xf32, #tpu.memory_space<vmem_shared>> -> memref<10240x64xf32, #tpu.memory_space<vmem_shared>>
        tpu.wait_indirect_dma semaphore(%arg19 : memref<!tpu.dma_semaphore, #tpu.memory_space<semaphore_mem>>) src(%dma_wait3A_271 : memref<128x64xf32, #tpu.memory_space<vmem>>) dst(%dma_wait3A_277 : memref<10240x64xf32, #tpu.memory_space<vmem_shared>>)
        %add3A_278 = arith.constant 4 : i32
        %add3A_279 = arith.addi %add3A_103, %add3A_278 : i32
        %sub3A_280 = arith.constant 1 : i32
        %sub3A_281 = arith.subi %add3A_279, %sub3A_280 : i32
        %dma_start3A_282 = arith.constant 3 : i32
        %dma_start3A_283 = arith.constant 0 : i32
        %dma_start3A_284 = arith.constant 0 : i32
        %dma_start3A_285 = tpu.memref_slice %arg9[%dma_start3A_282, %dma_start3A_283, %dma_start3A_284] : memref<4x128x64xf32, #tpu.memory_space<vmem>> -> memref<1x128x64xf32, #tpu.memory_space<vmem>>
        %dma_start3A_286 = tpu.memref_squeeze %dma_start3A_285 : memref<1x128x64xf32, #tpu.memory_space<vmem>> -> memref<128x64xf32, #tpu.memory_space<vmem>>
        %dma_start3A_287 = arith.constant 0 : i32
        %dma_start3A_288 = tpu.memref_slice %arg7[%sub3A_281, %dma_start3A_287] : memref<80x128xi32, #tpu.memory_space<vmem>> -> memref<1x128xi32, #tpu.memory_space<vmem>>
        %dma_start3A_289 = tpu.memref_squeeze %dma_start3A_288 : memref<1x128xi32, #tpu.memory_space<vmem>> -> memref<128xi32, #tpu.memory_space<vmem>>
        %dma_start3A_290 = arith.constant 0 : i32
        %dma_start3A_291 = arith.constant 0 : i32
        %dma_start3A_292 = tpu.memref_slice %arg2[%dma_start3A_290, %dma_start3A_291] : memref<10240x64xf32, #tpu.memory_space<hbm>> -> memref<10240x64xf32, #tpu.memory_space<hbm>>
        tpu.enqueue_indirect_dma source(%dma_start3A_292 : memref<10240x64xf32, #tpu.memory_space<hbm>>) target(%dma_start3A_286 : memref<128x64xf32, #tpu.memory_space<vmem>>) offsets(%dma_start3A_289 : memref<128xi32, #tpu.memory_space<vmem>>) semaphore(%arg15 : memref<!tpu.dma_semaphore, #tpu.memory_space<semaphore_mem>>)
      } else {
      }
      %eq3A = arith.constant 0 : i32
      %eq3A_110 = arith.cmpi eq, %add3A_103, %eq3A : i32
      %convert_element_type3A_111 = arith.extui %eq3A_110 : i1 to i32
      %cond3A_112 = arith.constant 0 : i32
      %cond3A_113 = arith.cmpi ne, %convert_element_type3A_111, %cond3A_112 : i32
      scf.if %cond3A_113 {
        %dma_start3A_265 = arith.constant 3 : i32
        %dma_start3A_266 = arith.constant 3 : i32
        %dma_start3A_267 = arith.constant 0 : i32
        %dma_start3A_268 = arith.constant 0 : i32
        %dma_start3A_269 = tpu.memref_slice %arg9[%dma_start3A_266, %dma_start3A_267, %dma_start3A_268] : memref<4x128x64xf32, #tpu.memory_space<vmem>> -> memref<1x128x64xf32, #tpu.memory_space<vmem>>
        %dma_start3A_270 = tpu.memref_squeeze %dma_start3A_269 : memref<1x128x64xf32, #tpu.memory_space<vmem>> -> memref<128x64xf32, #tpu.memory_space<vmem>>
        %dma_start3A_271 = arith.constant 0 : i32
        %dma_start3A_272 = tpu.memref_slice %arg7[%dma_start3A_265, %dma_start3A_271] : memref<80x128xi32, #tpu.memory_space<vmem>> -> memref<1x128xi32, #tpu.memory_space<vmem>>
        %dma_start3A_273 = tpu.memref_squeeze %dma_start3A_272 : memref<1x128xi32, #tpu.memory_space<vmem>> -> memref<128xi32, #tpu.memory_space<vmem>>
        %dma_start3A_274 = arith.constant 0 : i32
        %dma_start3A_275 = arith.constant 0 : i32
        %dma_start3A_276 = tpu.memref_slice %arg2[%dma_start3A_274, %dma_start3A_275] : memref<10240x64xf32, #tpu.memory_space<hbm>> -> memref<10240x64xf32, #tpu.memory_space<hbm>>
        tpu.enqueue_indirect_dma source(%dma_start3A_276 : memref<10240x64xf32, #tpu.memory_space<hbm>>) target(%dma_start3A_270 : memref<128x64xf32, #tpu.memory_space<vmem>>) offsets(%dma_start3A_273 : memref<128xi32, #tpu.memory_space<vmem>>) semaphore(%arg15 : memref<!tpu.dma_semaphore, #tpu.memory_space<semaphore_mem>>)
      } else {
      }
      %dma_wait3A_114 = arith.constant 0 : i32
      %dma_wait3A_115 = arith.constant 0 : i32
      %dma_wait3A_116 = arith.constant 0 : i32
      %dma_wait3A_117 = tpu.memref_slice %arg9[%dma_wait3A_114, %dma_wait3A_115, %dma_wait3A_116] : memref<4x128x64xf32, #tpu.memory_space<vmem>> -> memref<1x128x64xf32, #tpu.memory_space<vmem>>
      %dma_wait3A_118 = tpu.memref_squeeze %dma_wait3A_117 : memref<1x128x64xf32, #tpu.memory_space<vmem>> -> memref<128x64xf32, #tpu.memory_space<vmem>>
      %dma_wait3A_119 = arith.constant 0 : i32
      %dma_wait3A_120 = tpu.memref_slice %arg7[%add3A_103, %dma_wait3A_119] : memref<80x128xi32, #tpu.memory_space<vmem>> -> memref<1x128xi32, #tpu.memory_space<vmem>>
      %dma_wait3A_121 = tpu.memref_squeeze %dma_wait3A_120 : memref<1x128xi32, #tpu.memory_space<vmem>> -> memref<128xi32, #tpu.memory_space<vmem>>
      %dma_wait3A_122 = arith.constant 0 : i32
      %dma_wait3A_123 = arith.constant 0 : i32
      %dma_wait3A_124 = tpu.memref_slice %arg2[%dma_wait3A_122, %dma_wait3A_123] : memref<10240x64xf32, #tpu.memory_space<hbm>> -> memref<10240x64xf32, #tpu.memory_space<hbm>>
      tpu.wait_indirect_dma semaphore(%arg12 : memref<!tpu.dma_semaphore, #tpu.memory_space<semaphore_mem>>) src(%dma_wait3A_124 : memref<10240x64xf32, #tpu.memory_space<hbm>>) dst(%dma_wait3A_118 : memref<128x64xf32, #tpu.memory_space<vmem>>)
      %dma_start3A_125 = arith.constant 0 : i32
      %dma_start3A_126 = arith.constant 0 : i32
      %dma_start3A_127 = arith.constant 0 : i32
      %dma_start3A_128 = tpu.memref_slice %arg9[%dma_start3A_125, %dma_start3A_126, %dma_start3A_127] : memref<4x128x64xf32, #tpu.memory_space<vmem>> -> memref<1x128x64xf32, #tpu.memory_space<vmem>>
      %dma_start3A_129 = tpu.memref_squeeze %dma_start3A_128 : memref<1x128x64xf32, #tpu.memory_space<vmem>> -> memref<128x64xf32, #tpu.memory_space<vmem>>
      %dma_start3A_130 = arith.constant 0 : i32
      %dma_start3A_131 = tpu.memref_slice %arg8[%add3A_103, %dma_start3A_130] : memref<80x128xi32, #tpu.memory_space<vmem>> -> memref<1x128xi32, #tpu.memory_space<vmem>>
      %dma_start3A_132 = tpu.memref_squeeze %dma_start3A_131 : memref<1x128xi32, #tpu.memory_space<vmem>> -> memref<128xi32, #tpu.memory_space<vmem>>
      %dma_start3A_133 = arith.constant 0 : i32
      %dma_start3A_134 = arith.constant 0 : i32
      %dma_start3A_135 = tpu.memref_slice %arg10[%dma_start3A_133, %dma_start3A_134] : memref<10240x64xf32, #tpu.memory_space<vmem_shared>> -> memref<10240x64xf32, #tpu.memory_space<vmem_shared>>
      tpu.enqueue_indirect_dma source(%dma_start3A_129 : memref<128x64xf32, #tpu.memory_space<vmem>>) target(%dma_start3A_135 : memref<10240x64xf32, #tpu.memory_space<vmem_shared>>) offsets(%dma_start3A_132 : memref<128xi32, #tpu.memory_space<vmem>>) semaphore(%arg16 : memref<!tpu.dma_semaphore, #tpu.memory_space<semaphore_mem>>) {add = true}
      %mul3A_136 = arith.constant 4 : i32
      %mul3A_137 = arith.muli %scan3A_99, %mul3A_136 : i32
      %add3A_138 = arith.constant 1 : i32
      %add3A_139 = arith.addi %mul3A_137, %add3A_138 : i32
      %ge3A_140 = arith.constant 1 : i32
      %ge3A_141 = arith.cmpi sge, %add3A_139, %ge3A_140 : i32
      %add3A_142 = arith.constant 4 : i32
      %add3A_143 = arith.addi %add3A_139, %add3A_142 : i32
      %sub3A_144 = arith.constant 1 : i32
      %sub3A_145 = arith.subi %add3A_143, %sub3A_144 : i32
      %lt3A_146 = arith.constant 80 : i32
      %lt3A_147 = arith.cmpi slt, %sub3A_145, %lt3A_146 : i32
      %and3A_148 = arith.andi %ge3A_141, %lt3A_147 : i1
      %convert_element_type3A_149 = arith.extui %and3A_148 : i1 to i32
      %cond3A_150 = arith.constant 0 : i32
      %cond3A_151 = arith.cmpi ne, %convert_element_type3A_149, %cond3A_150 : i32
      scf.if %cond3A_151 {
        %sub3A_265 = arith.constant 1 : i32
        %sub3A_266 = arith.subi %add3A_139, %sub3A_265 : i32
        %dma_wait3A_267 = arith.constant 0 : i32
        %dma_wait3A_268 = arith.constant 0 : i32
        %dma_wait3A_269 = arith.constant 0 : i32
        %dma_wait3A_270 = tpu.memref_slice %arg9[%dma_wait3A_267, %dma_wait3A_268, %dma_wait3A_269] : memref<4x128x64xf32, #tpu.memory_space<vmem>> -> memref<1x128x64xf32, #tpu.memory_space<vmem>>
        %dma_wait3A_271 = tpu.memref_squeeze %dma_wait3A_270 : memref<1x128x64xf32, #tpu.memory_space<vmem>> -> memref<128x64xf32, #tpu.memory_space<vmem>>
        %dma_wait3A_272 = arith.constant 0 : i32
        %dma_wait3A_273 = tpu.memref_slice %arg8[%sub3A_266, %dma_wait3A_272] : memref<80x128xi32, #tpu.memory_space<vmem>> -> memref<1x128xi32, #tpu.memory_space<vmem>>
        %dma_wait3A_274 = tpu.memref_squeeze %dma_wait3A_273 : memref<1x128xi32, #tpu.memory_space<vmem>> -> memref<128xi32, #tpu.memory_space<vmem>>
        %dma_wait3A_275 = arith.constant 0 : i32
        %dma_wait3A_276 = arith.constant 0 : i32
        %dma_wait3A_277 = tpu.memref_slice %arg10[%dma_wait3A_275, %dma_wait3A_276] : memref<10240x64xf32, #tpu.memory_space<vmem_shared>> -> memref<10240x64xf32, #tpu.memory_space<vmem_shared>>
        tpu.wait_indirect_dma semaphore(%arg16 : memref<!tpu.dma_semaphore, #tpu.memory_space<semaphore_mem>>) src(%dma_wait3A_271 : memref<128x64xf32, #tpu.memory_space<vmem>>) dst(%dma_wait3A_277 : memref<10240x64xf32, #tpu.memory_space<vmem_shared>>)
        %add3A_278 = arith.constant 4 : i32
        %add3A_279 = arith.addi %add3A_139, %add3A_278 : i32
        %sub3A_280 = arith.constant 1 : i32
        %sub3A_281 = arith.subi %add3A_279, %sub3A_280 : i32
        %dma_start3A_282 = arith.constant 0 : i32
        %dma_start3A_283 = arith.constant 0 : i32
        %dma_start3A_284 = arith.constant 0 : i32
        %dma_start3A_285 = tpu.memref_slice %arg9[%dma_start3A_282, %dma_start3A_283, %dma_start3A_284] : memref<4x128x64xf32, #tpu.memory_space<vmem>> -> memref<1x128x64xf32, #tpu.memory_space<vmem>>
        %dma_start3A_286 = tpu.memref_squeeze %dma_start3A_285 : memref<1x128x64xf32, #tpu.memory_space<vmem>> -> memref<128x64xf32, #tpu.memory_space<vmem>>
        %dma_start3A_287 = arith.constant 0 : i32
        %dma_start3A_288 = tpu.memref_slice %arg7[%sub3A_281, %dma_start3A_287] : memref<80x128xi32, #tpu.memory_space<vmem>> -> memref<1x128xi32, #tpu.memory_space<vmem>>
        %dma_start3A_289 = tpu.memref_squeeze %dma_start3A_288 : memref<1x128xi32, #tpu.memory_space<vmem>> -> memref<128xi32, #tpu.memory_space<vmem>>
        %dma_start3A_290 = arith.constant 0 : i32
        %dma_start3A_291 = arith.constant 0 : i32
        %dma_start3A_292 = tpu.memref_slice %arg2[%dma_start3A_290, %dma_start3A_291] : memref<10240x64xf32, #tpu.memory_space<hbm>> -> memref<10240x64xf32, #tpu.memory_space<hbm>>
        tpu.enqueue_indirect_dma source(%dma_start3A_292 : memref<10240x64xf32, #tpu.memory_space<hbm>>) target(%dma_start3A_286 : memref<128x64xf32, #tpu.memory_space<vmem>>) offsets(%dma_start3A_289 : memref<128xi32, #tpu.memory_space<vmem>>) semaphore(%arg12 : memref<!tpu.dma_semaphore, #tpu.memory_space<semaphore_mem>>)
      } else {
      }
      %eq3A_152 = arith.constant 0 : i32
      %eq3A_153 = arith.cmpi eq, %add3A_139, %eq3A_152 : i32
      %convert_element_type3A_154 = arith.extui %eq3A_153 : i1 to i32
      %cond3A_155 = arith.constant 0 : i32
      %cond3A_156 = arith.cmpi ne, %convert_element_type3A_154, %cond3A_155 : i32
      scf.if %cond3A_156 {
        %dma_start3A_265 = arith.constant 3 : i32
        %dma_start3A_266 = arith.constant 3 : i32
        %dma_start3A_267 = arith.constant 0 : i32
        %dma_start3A_268 = arith.constant 0 : i32
        %dma_start3A_269 = tpu.memref_slice %arg9[%dma_start3A_266, %dma_start3A_267, %dma_start3A_268] : memref<4x128x64xf32, #tpu.memory_space<vmem>> -> memref<1x128x64xf32, #tpu.memory_space<vmem>>
        %dma_start3A_270 = tpu.memref_squeeze %dma_start3A_269 : memref<1x128x64xf32, #tpu.memory_space<vmem>> -> memref<128x64xf32, #tpu.memory_space<vmem>>
        %dma_start3A_271 = arith.constant 0 : i32
        %dma_start3A_272 = tpu.memref_slice %arg7[%dma_start3A_265, %dma_start3A_271] : memref<80x128xi32, #tpu.memory_space<vmem>> -> memref<1x128xi32, #tpu.memory_space<vmem>>
        %dma_start3A_273 = tpu.memref_squeeze %dma_start3A_272 : memref<1x128xi32, #tpu.memory_space<vmem>> -> memref<128xi32, #tpu.memory_space<vmem>>
        %dma_start3A_274 = arith.constant 0 : i32
        %dma_start3A_275 = arith.constant 0 : i32
        %dma_start3A_276 = tpu.memref_slice %arg2[%dma_start3A_274, %dma_start3A_275] : memref<10240x64xf32, #tpu.memory_space<hbm>> -> memref<10240x64xf32, #tpu.memory_space<hbm>>
        tpu.enqueue_indirect_dma source(%dma_start3A_276 : memref<10240x64xf32, #tpu.memory_space<hbm>>) target(%dma_start3A_270 : memref<128x64xf32, #tpu.memory_space<vmem>>) offsets(%dma_start3A_273 : memref<128xi32, #tpu.memory_space<vmem>>) semaphore(%arg15 : memref<!tpu.dma_semaphore, #tpu.memory_space<semaphore_mem>>)
      } else {
      }
      %dma_wait3A_157 = arith.constant 1 : i32
      %dma_wait3A_158 = arith.constant 0 : i32
      %dma_wait3A_159 = arith.constant 0 : i32
      %dma_wait3A_160 = tpu.memref_slice %arg9[%dma_wait3A_157, %dma_wait3A_158, %dma_wait3A_159] : memref<4x128x64xf32, #tpu.memory_space<vmem>> -> memref<1x128x64xf32, #tpu.memory_space<vmem>>
      %dma_wait3A_161 = tpu.memref_squeeze %dma_wait3A_160 : memref<1x128x64xf32, #tpu.memory_space<vmem>> -> memref<128x64xf32, #tpu.memory_space<vmem>>
      %dma_wait3A_162 = arith.constant 0 : i32
      %dma_wait3A_163 = tpu.memref_slice %arg7[%add3A_139, %dma_wait3A_162] : memref<80x128xi32, #tpu.memory_space<vmem>> -> memref<1x128xi32, #tpu.memory_space<vmem>>
      %dma_wait3A_164 = tpu.memref_squeeze %dma_wait3A_163 : memref<1x128xi32, #tpu.memory_space<vmem>> -> memref<128xi32, #tpu.memory_space<vmem>>
      %dma_wait3A_165 = arith.constant 0 : i32
      %dma_wait3A_166 = arith.constant 0 : i32
      %dma_wait3A_167 = tpu.memref_slice %arg2[%dma_wait3A_165, %dma_wait3A_166] : memref<10240x64xf32, #tpu.memory_space<hbm>> -> memref<10240x64xf32, #tpu.memory_space<hbm>>
      tpu.wait_indirect_dma semaphore(%arg13 : memref<!tpu.dma_semaphore, #tpu.memory_space<semaphore_mem>>) src(%dma_wait3A_167 : memref<10240x64xf32, #tpu.memory_space<hbm>>) dst(%dma_wait3A_161 : memref<128x64xf32, #tpu.memory_space<vmem>>)
      %dma_start3A_168 = arith.constant 1 : i32
      %dma_start3A_169 = arith.constant 0 : i32
      %dma_start3A_170 = arith.constant 0 : i32
      %dma_start3A_171 = tpu.memref_slice %arg9[%dma_start3A_168, %dma_start3A_169, %dma_start3A_170] : memref<4x128x64xf32, #tpu.memory_space<vmem>> -> memref<1x128x64xf32, #tpu.memory_space<vmem>>
      %dma_start3A_172 = tpu.memref_squeeze %dma_start3A_171 : memref<1x128x64xf32, #tpu.memory_space<vmem>> -> memref<128x64xf32, #tpu.memory_space<vmem>>
      %dma_start3A_173 = arith.constant 0 : i32
      %dma_start3A_174 = tpu.memref_slice %arg8[%add3A_139, %dma_start3A_173] : memref<80x128xi32, #tpu.memory_space<vmem>> -> memref<1x128xi32, #tpu.memory_space<vmem>>
      %dma_start3A_175 = tpu.memref_squeeze %dma_start3A_174 : memref<1x128xi32, #tpu.memory_space<vmem>> -> memref<128xi32, #tpu.memory_space<vmem>>
      %dma_start3A_176 = arith.constant 0 : i32
      %dma_start3A_177 = arith.constant 0 : i32
      %dma_start3A_178 = tpu.memref_slice %arg10[%dma_start3A_176, %dma_start3A_177] : memref<10240x64xf32, #tpu.memory_space<vmem_shared>> -> memref<10240x64xf32, #tpu.memory_space<vmem_shared>>
      tpu.enqueue_indirect_dma source(%dma_start3A_172 : memref<128x64xf32, #tpu.memory_space<vmem>>) target(%dma_start3A_178 : memref<10240x64xf32, #tpu.memory_space<vmem_shared>>) offsets(%dma_start3A_175 : memref<128xi32, #tpu.memory_space<vmem>>) semaphore(%arg17 : memref<!tpu.dma_semaphore, #tpu.memory_space<semaphore_mem>>) {add = true}
      %mul3A_179 = arith.constant 4 : i32
      %mul3A_180 = arith.muli %scan3A_99, %mul3A_179 : i32
      %add3A_181 = arith.constant 2 : i32
      %add3A_182 = arith.addi %mul3A_180, %add3A_181 : i32
      %ge3A_183 = arith.constant 1 : i32
      %ge3A_184 = arith.cmpi sge, %add3A_182, %ge3A_183 : i32
      %add3A_185 = arith.constant 4 : i32
      %add3A_186 = arith.addi %add3A_182, %add3A_185 : i32
      %sub3A_187 = arith.constant 1 : i32
      %sub3A_188 = arith.subi %add3A_186, %sub3A_187 : i32
      %lt3A_189 = arith.constant 80 : i32
      %lt3A_190 = arith.cmpi slt, %sub3A_188, %lt3A_189 : i32
      %and3A_191 = arith.andi %ge3A_184, %lt3A_190 : i1
      %convert_element_type3A_192 = arith.extui %and3A_191 : i1 to i32
      %cond3A_193 = arith.constant 0 : i32
      %cond3A_194 = arith.cmpi ne, %convert_element_type3A_192, %cond3A_193 : i32
      scf.if %cond3A_194 {
        %sub3A_265 = arith.constant 1 : i32
        %sub3A_266 = arith.subi %add3A_182, %sub3A_265 : i32
        %dma_wait3A_267 = arith.constant 1 : i32
        %dma_wait3A_268 = arith.constant 0 : i32
        %dma_wait3A_269 = arith.constant 0 : i32
        %dma_wait3A_270 = tpu.memref_slice %arg9[%dma_wait3A_267, %dma_wait3A_268, %dma_wait3A_269] : memref<4x128x64xf32, #tpu.memory_space<vmem>> -> memref<1x128x64xf32, #tpu.memory_space<vmem>>
        %dma_wait3A_271 = tpu.memref_squeeze %dma_wait3A_270 : memref<1x128x64xf32, #tpu.memory_space<vmem>> -> memref<128x64xf32, #tpu.memory_space<vmem>>
        %dma_wait3A_272 = arith.constant 0 : i32
        %dma_wait3A_273 = tpu.memref_slice %arg8[%sub3A_266, %dma_wait3A_272] : memref<80x128xi32, #tpu.memory_space<vmem>> -> memref<1x128xi32, #tpu.memory_space<vmem>>
        %dma_wait3A_274 = tpu.memref_squeeze %dma_wait3A_273 : memref<1x128xi32, #tpu.memory_space<vmem>> -> memref<128xi32, #tpu.memory_space<vmem>>
        %dma_wait3A_275 = arith.constant 0 : i32
        %dma_wait3A_276 = arith.constant 0 : i32
        %dma_wait3A_277 = tpu.memref_slice %arg10[%dma_wait3A_275, %dma_wait3A_276] : memref<10240x64xf32, #tpu.memory_space<vmem_shared>> -> memref<10240x64xf32, #tpu.memory_space<vmem_shared>>
        tpu.wait_indirect_dma semaphore(%arg17 : memref<!tpu.dma_semaphore, #tpu.memory_space<semaphore_mem>>) src(%dma_wait3A_271 : memref<128x64xf32, #tpu.memory_space<vmem>>) dst(%dma_wait3A_277 : memref<10240x64xf32, #tpu.memory_space<vmem_shared>>)
        %add3A_278 = arith.constant 4 : i32
        %add3A_279 = arith.addi %add3A_182, %add3A_278 : i32
        %sub3A_280 = arith.constant 1 : i32
        %sub3A_281 = arith.subi %add3A_279, %sub3A_280 : i32
        %dma_start3A_282 = arith.constant 1 : i32
        %dma_start3A_283 = arith.constant 0 : i32
        %dma_start3A_284 = arith.constant 0 : i32
        %dma_start3A_285 = tpu.memref_slice %arg9[%dma_start3A_282, %dma_start3A_283, %dma_start3A_284] : memref<4x128x64xf32, #tpu.memory_space<vmem>> -> memref<1x128x64xf32, #tpu.memory_space<vmem>>
        %dma_start3A_286 = tpu.memref_squeeze %dma_start3A_285 : memref<1x128x64xf32, #tpu.memory_space<vmem>> -> memref<128x64xf32, #tpu.memory_space<vmem>>
        %dma_start3A_287 = arith.constant 0 : i32
        %dma_start3A_288 = tpu.memref_slice %arg7[%sub3A_281, %dma_start3A_287] : memref<80x128xi32, #tpu.memory_space<vmem>> -> memref<1x128xi32, #tpu.memory_space<vmem>>
        %dma_start3A_289 = tpu.memref_squeeze %dma_start3A_288 : memref<1x128xi32, #tpu.memory_space<vmem>> -> memref<128xi32, #tpu.memory_space<vmem>>
        %dma_start3A_290 = arith.constant 0 : i32
        %dma_start3A_291 = arith.constant 0 : i32
        %dma_start3A_292 = tpu.memref_slice %arg2[%dma_start3A_290, %dma_start3A_291] : memref<10240x64xf32, #tpu.memory_space<hbm>> -> memref<10240x64xf32, #tpu.memory_space<hbm>>
        tpu.enqueue_indirect_dma source(%dma_start3A_292 : memref<10240x64xf32, #tpu.memory_space<hbm>>) target(%dma_start3A_286 : memref<128x64xf32, #tpu.memory_space<vmem>>) offsets(%dma_start3A_289 : memref<128xi32, #tpu.memory_space<vmem>>) semaphore(%arg13 : memref<!tpu.dma_semaphore, #tpu.memory_space<semaphore_mem>>)
      } else {
      }
      %eq3A_195 = arith.constant 0 : i32
      %eq3A_196 = arith.cmpi eq, %add3A_182, %eq3A_195 : i32
      %convert_element_type3A_197 = arith.extui %eq3A_196 : i1 to i32
      %cond3A_198 = arith.constant 0 : i32
      %cond3A_199 = arith.cmpi ne, %convert_element_type3A_197, %cond3A_198 : i32
      scf.if %cond3A_199 {
        %dma_start3A_265 = arith.constant 3 : i32
        %dma_start3A_266 = arith.constant 3 : i32
        %dma_start3A_267 = arith.constant 0 : i32
        %dma_start3A_268 = arith.constant 0 : i32
        %dma_start3A_269 = tpu.memref_slice %arg9[%dma_start3A_266, %dma_start3A_267, %dma_start3A_268] : memref<4x128x64xf32, #tpu.memory_space<vmem>> -> memref<1x128x64xf32, #tpu.memory_space<vmem>>
        %dma_start3A_270 = tpu.memref_squeeze %dma_start3A_269 : memref<1x128x64xf32, #tpu.memory_space<vmem>> -> memref<128x64xf32, #tpu.memory_space<vmem>>
        %dma_start3A_271 = arith.constant 0 : i32
        %dma_start3A_272 = tpu.memref_slice %arg7[%dma_start3A_265, %dma_start3A_271] : memref<80x128xi32, #tpu.memory_space<vmem>> -> memref<1x128xi32, #tpu.memory_space<vmem>>
        %dma_start3A_273 = tpu.memref_squeeze %dma_start3A_272 : memref<1x128xi32, #tpu.memory_space<vmem>> -> memref<128xi32, #tpu.memory_space<vmem>>
        %dma_start3A_274 = arith.constant 0 : i32
        %dma_start3A_275 = arith.constant 0 : i32
        %dma_start3A_276 = tpu.memref_slice %arg2[%dma_start3A_274, %dma_start3A_275] : memref<10240x64xf32, #tpu.memory_space<hbm>> -> memref<10240x64xf32, #tpu.memory_space<hbm>>
        tpu.enqueue_indirect_dma source(%dma_start3A_276 : memref<10240x64xf32, #tpu.memory_space<hbm>>) target(%dma_start3A_270 : memref<128x64xf32, #tpu.memory_space<vmem>>) offsets(%dma_start3A_273 : memref<128xi32, #tpu.memory_space<vmem>>) semaphore(%arg15 : memref<!tpu.dma_semaphore, #tpu.memory_space<semaphore_mem>>)
      } else {
      }
      %dma_wait3A_200 = arith.constant 2 : i32
      %dma_wait3A_201 = arith.constant 0 : i32
      %dma_wait3A_202 = arith.constant 0 : i32
      %dma_wait3A_203 = tpu.memref_slice %arg9[%dma_wait3A_200, %dma_wait3A_201, %dma_wait3A_202] : memref<4x128x64xf32, #tpu.memory_space<vmem>> -> memref<1x128x64xf32, #tpu.memory_space<vmem>>
      %dma_wait3A_204 = tpu.memref_squeeze %dma_wait3A_203 : memref<1x128x64xf32, #tpu.memory_space<vmem>> -> memref<128x64xf32, #tpu.memory_space<vmem>>
      %dma_wait3A_205 = arith.constant 0 : i32
      %dma_wait3A_206 = tpu.memref_slice %arg7[%add3A_182, %dma_wait3A_205] : memref<80x128xi32, #tpu.memory_space<vmem>> -> memref<1x128xi32, #tpu.memory_space<vmem>>
      %dma_wait3A_207 = tpu.memref_squeeze %dma_wait3A_206 : memref<1x128xi32, #tpu.memory_space<vmem>> -> memref<128xi32, #tpu.memory_space<vmem>>
      %dma_wait3A_208 = arith.constant 0 : i32
      %dma_wait3A_209 = arith.constant 0 : i32
      %dma_wait3A_210 = tpu.memref_slice %arg2[%dma_wait3A_208, %dma_wait3A_209] : memref<10240x64xf32, #tpu.memory_space<hbm>> -> memref<10240x64xf32, #tpu.memory_space<hbm>>
      tpu.wait_indirect_dma semaphore(%arg14 : memref<!tpu.dma_semaphore, #tpu.memory_space<semaphore_mem>>) src(%dma_wait3A_210 : memref<10240x64xf32, #tpu.memory_space<hbm>>) dst(%dma_wait3A_204 : memref<128x64xf32, #tpu.memory_space<vmem>>)
      %dma_start3A_211 = arith.constant 2 : i32
      %dma_start3A_212 = arith.constant 0 : i32
      %dma_start3A_213 = arith.constant 0 : i32
      %dma_start3A_214 = tpu.memref_slice %arg9[%dma_start3A_211, %dma_start3A_212, %dma_start3A_213] : memref<4x128x64xf32, #tpu.memory_space<vmem>> -> memref<1x128x64xf32, #tpu.memory_space<vmem>>
      %dma_start3A_215 = tpu.memref_squeeze %dma_start3A_214 : memref<1x128x64xf32, #tpu.memory_space<vmem>> -> memref<128x64xf32, #tpu.memory_space<vmem>>
      %dma_start3A_216 = arith.constant 0 : i32
      %dma_start3A_217 = tpu.memref_slice %arg8[%add3A_182, %dma_start3A_216] : memref<80x128xi32, #tpu.memory_space<vmem>> -> memref<1x128xi32, #tpu.memory_space<vmem>>
      %dma_start3A_218 = tpu.memref_squeeze %dma_start3A_217 : memref<1x128xi32, #tpu.memory_space<vmem>> -> memref<128xi32, #tpu.memory_space<vmem>>
      %dma_start3A_219 = arith.constant 0 : i32
      %dma_start3A_220 = arith.constant 0 : i32
      %dma_start3A_221 = tpu.memref_slice %arg10[%dma_start3A_219, %dma_start3A_220] : memref<10240x64xf32, #tpu.memory_space<vmem_shared>> -> memref<10240x64xf32, #tpu.memory_space<vmem_shared>>
      tpu.enqueue_indirect_dma source(%dma_start3A_215 : memref<128x64xf32, #tpu.memory_space<vmem>>) target(%dma_start3A_221 : memref<10240x64xf32, #tpu.memory_space<vmem_shared>>) offsets(%dma_start3A_218 : memref<128xi32, #tpu.memory_space<vmem>>) semaphore(%arg18 : memref<!tpu.dma_semaphore, #tpu.memory_space<semaphore_mem>>) {add = true}
      %mul3A_222 = arith.constant 4 : i32
      %mul3A_223 = arith.muli %scan3A_99, %mul3A_222 : i32
      %add3A_224 = arith.constant 3 : i32
      %add3A_225 = arith.addi %mul3A_223, %add3A_224 : i32
      %ge3A_226 = arith.constant 1 : i32
      %ge3A_227 = arith.cmpi sge, %add3A_225, %ge3A_226 : i32
      %add3A_228 = arith.constant 4 : i32
      %add3A_229 = arith.addi %add3A_225, %add3A_228 : i32
      %sub3A_230 = arith.constant 1 : i32
      %sub3A_231 = arith.subi %add3A_229, %sub3A_230 : i32
      %lt3A_232 = arith.constant 80 : i32
      %lt3A_233 = arith.cmpi slt, %sub3A_231, %lt3A_232 : i32
      %and3A_234 = arith.andi %ge3A_227, %lt3A_233 : i1
      %convert_element_type3A_235 = arith.extui %and3A_234 : i1 to i32
      %cond3A_236 = arith.constant 0 : i32
      %cond3A_237 = arith.cmpi ne, %convert_element_type3A_235, %cond3A_236 : i32
      scf.if %cond3A_237 {
        %sub3A_265 = arith.constant 1 : i32
        %sub3A_266 = arith.subi %add3A_225, %sub3A_265 : i32
        %dma_wait3A_267 = arith.constant 2 : i32
        %dma_wait3A_268 = arith.constant 0 : i32
        %dma_wait3A_269 = arith.constant 0 : i32
        %dma_wait3A_270 = tpu.memref_slice %arg9[%dma_wait3A_267, %dma_wait3A_268, %dma_wait3A_269] : memref<4x128x64xf32, #tpu.memory_space<vmem>> -> memref<1x128x64xf32, #tpu.memory_space<vmem>>
        %dma_wait3A_271 = tpu.memref_squeeze %dma_wait3A_270 : memref<1x128x64xf32, #tpu.memory_space<vmem>> -> memref<128x64xf32, #tpu.memory_space<vmem>>
        %dma_wait3A_272 = arith.constant 0 : i32
        %dma_wait3A_273 = tpu.memref_slice %arg8[%sub3A_266, %dma_wait3A_272] : memref<80x128xi32, #tpu.memory_space<vmem>> -> memref<1x128xi32, #tpu.memory_space<vmem>>
        %dma_wait3A_274 = tpu.memref_squeeze %dma_wait3A_273 : memref<1x128xi32, #tpu.memory_space<vmem>> -> memref<128xi32, #tpu.memory_space<vmem>>
        %dma_wait3A_275 = arith.constant 0 : i32
        %dma_wait3A_276 = arith.constant 0 : i32
        %dma_wait3A_277 = tpu.memref_slice %arg10[%dma_wait3A_275, %dma_wait3A_276] : memref<10240x64xf32, #tpu.memory_space<vmem_shared>> -> memref<10240x64xf32, #tpu.memory_space<vmem_shared>>
        tpu.wait_indirect_dma semaphore(%arg18 : memref<!tpu.dma_semaphore, #tpu.memory_space<semaphore_mem>>) src(%dma_wait3A_271 : memref<128x64xf32, #tpu.memory_space<vmem>>) dst(%dma_wait3A_277 : memref<10240x64xf32, #tpu.memory_space<vmem_shared>>)
        %add3A_278 = arith.constant 4 : i32
        %add3A_279 = arith.addi %add3A_225, %add3A_278 : i32
        %sub3A_280 = arith.constant 1 : i32
        %sub3A_281 = arith.subi %add3A_279, %sub3A_280 : i32
        %dma_start3A_282 = arith.constant 2 : i32
        %dma_start3A_283 = arith.constant 0 : i32
        %dma_start3A_284 = arith.constant 0 : i32
        %dma_start3A_285 = tpu.memref_slice %arg9[%dma_start3A_282, %dma_start3A_283, %dma_start3A_284] : memref<4x128x64xf32, #tpu.memory_space<vmem>> -> memref<1x128x64xf32, #tpu.memory_space<vmem>>
        %dma_start3A_286 = tpu.memref_squeeze %dma_start3A_285 : memref<1x128x64xf32, #tpu.memory_space<vmem>> -> memref<128x64xf32, #tpu.memory_space<vmem>>
        %dma_start3A_287 = arith.constant 0 : i32
        %dma_start3A_288 = tpu.memref_slice %arg7[%sub3A_281, %dma_start3A_287] : memref<80x128xi32, #tpu.memory_space<vmem>> -> memref<1x128xi32, #tpu.memory_space<vmem>>
        %dma_start3A_289 = tpu.memref_squeeze %dma_start3A_288 : memref<1x128xi32, #tpu.memory_space<vmem>> -> memref<128xi32, #tpu.memory_space<vmem>>
        %dma_start3A_290 = arith.constant 0 : i32
        %dma_start3A_291 = arith.constant 0 : i32
        %dma_start3A_292 = tpu.memref_slice %arg2[%dma_start3A_290, %dma_start3A_291] : memref<10240x64xf32, #tpu.memory_space<hbm>> -> memref<10240x64xf32, #tpu.memory_space<hbm>>
        tpu.enqueue_indirect_dma source(%dma_start3A_292 : memref<10240x64xf32, #tpu.memory_space<hbm>>) target(%dma_start3A_286 : memref<128x64xf32, #tpu.memory_space<vmem>>) offsets(%dma_start3A_289 : memref<128xi32, #tpu.memory_space<vmem>>) semaphore(%arg14 : memref<!tpu.dma_semaphore, #tpu.memory_space<semaphore_mem>>)
      } else {
      }
      %eq3A_238 = arith.constant 0 : i32
      %eq3A_239 = arith.cmpi eq, %add3A_225, %eq3A_238 : i32
      %convert_element_type3A_240 = arith.extui %eq3A_239 : i1 to i32
      %cond3A_241 = arith.constant 0 : i32
      %cond3A_242 = arith.cmpi ne, %convert_element_type3A_240, %cond3A_241 : i32
      scf.if %cond3A_242 {
        %dma_start3A_265 = arith.constant 3 : i32
        %dma_start3A_266 = arith.constant 3 : i32
        %dma_start3A_267 = arith.constant 0 : i32
        %dma_start3A_268 = arith.constant 0 : i32
        %dma_start3A_269 = tpu.memref_slice %arg9[%dma_start3A_266, %dma_start3A_267, %dma_start3A_268] : memref<4x128x64xf32, #tpu.memory_space<vmem>> -> memref<1x128x64xf32, #tpu.memory_space<vmem>>
        %dma_start3A_270 = tpu.memref_squeeze %dma_start3A_269 : memref<1x128x64xf32, #tpu.memory_space<vmem>> -> memref<128x64xf32, #tpu.memory_space<vmem>>
        %dma_start3A_271 = arith.constant 0 : i32
        %dma_start3A_272 = tpu.memref_slice %arg7[%dma_start3A_265, %dma_start3A_271] : memref<80x128xi32, #tpu.memory_space<vmem>> -> memref<1x128xi32, #tpu.memory_space<vmem>>
        %dma_start3A_273 = tpu.memref_squeeze %dma_start3A_272 : memref<1x128xi32, #tpu.memory_space<vmem>> -> memref<128xi32, #tpu.memory_space<vmem>>
        %dma_start3A_274 = arith.constant 0 : i32
        %dma_start3A_275 = arith.constant 0 : i32
        %dma_start3A_276 = tpu.memref_slice %arg2[%dma_start3A_274, %dma_start3A_275] : memref<10240x64xf32, #tpu.memory_space<hbm>> -> memref<10240x64xf32, #tpu.memory_space<hbm>>
        tpu.enqueue_indirect_dma source(%dma_start3A_276 : memref<10240x64xf32, #tpu.memory_space<hbm>>) target(%dma_start3A_270 : memref<128x64xf32, #tpu.memory_space<vmem>>) offsets(%dma_start3A_273 : memref<128xi32, #tpu.memory_space<vmem>>) semaphore(%arg15 : memref<!tpu.dma_semaphore, #tpu.memory_space<semaphore_mem>>)
      } else {
      }
      %dma_wait3A_243 = arith.constant 3 : i32
      %dma_wait3A_244 = arith.constant 0 : i32
      %dma_wait3A_245 = arith.constant 0 : i32
      %dma_wait3A_246 = tpu.memref_slice %arg9[%dma_wait3A_243, %dma_wait3A_244, %dma_wait3A_245] : memref<4x128x64xf32, #tpu.memory_space<vmem>> -> memref<1x128x64xf32, #tpu.memory_space<vmem>>
      %dma_wait3A_247 = tpu.memref_squeeze %dma_wait3A_246 : memref<1x128x64xf32, #tpu.memory_space<vmem>> -> memref<128x64xf32, #tpu.memory_space<vmem>>
      %dma_wait3A_248 = arith.constant 0 : i32
      %dma_wait3A_249 = tpu.memref_slice %arg7[%add3A_225, %dma_wait3A_248] : memref<80x128xi32, #tpu.memory_space<vmem>> -> memref<1x128xi32, #tpu.memory_space<vmem>>
      %dma_wait3A_250 = tpu.memref_squeeze %dma_wait3A_249 : memref<1x128xi32, #tpu.memory_space<vmem>> -> memref<128xi32, #tpu.memory_space<vmem>>
      %dma_wait3A_251 = arith.constant 0 : i32
      %dma_wait3A_252 = arith.constant 0 : i32
      %dma_wait3A_253 = tpu.memref_slice %arg2[%dma_wait3A_251, %dma_wait3A_252] : memref<10240x64xf32, #tpu.memory_space<hbm>> -> memref<10240x64xf32, #tpu.memory_space<hbm>>
      tpu.wait_indirect_dma semaphore(%arg15 : memref<!tpu.dma_semaphore, #tpu.memory_space<semaphore_mem>>) src(%dma_wait3A_253 : memref<10240x64xf32, #tpu.memory_space<hbm>>) dst(%dma_wait3A_247 : memref<128x64xf32, #tpu.memory_space<vmem>>)
      %dma_start3A_254 = arith.constant 3 : i32
      %dma_start3A_255 = arith.constant 0 : i32
      %dma_start3A_256 = arith.constant 0 : i32
      %dma_start3A_257 = tpu.memref_slice %arg9[%dma_start3A_254, %dma_start3A_255, %dma_start3A_256] : memref<4x128x64xf32, #tpu.memory_space<vmem>> -> memref<1x128x64xf32, #tpu.memory_space<vmem>>
      %dma_start3A_258 = tpu.memref_squeeze %dma_start3A_257 : memref<1x128x64xf32, #tpu.memory_space<vmem>> -> memref<128x64xf32, #tpu.memory_space<vmem>>
      %dma_start3A_259 = arith.constant 0 : i32
      %dma_start3A_260 = tpu.memref_slice %arg8[%add3A_225, %dma_start3A_259] : memref<80x128xi32, #tpu.memory_space<vmem>> -> memref<1x128xi32, #tpu.memory_space<vmem>>
      %dma_start3A_261 = tpu.memref_squeeze %dma_start3A_260 : memref<1x128xi32, #tpu.memory_space<vmem>> -> memref<128xi32, #tpu.memory_space<vmem>>
      %dma_start3A_262 = arith.constant 0 : i32
      %dma_start3A_263 = arith.constant 0 : i32
      %dma_start3A_264 = tpu.memref_slice %arg10[%dma_start3A_262, %dma_start3A_263] : memref<10240x64xf32, #tpu.memory_space<vmem_shared>> -> memref<10240x64xf32, #tpu.memory_space<vmem_shared>>
      tpu.enqueue_indirect_dma source(%dma_start3A_258 : memref<128x64xf32, #tpu.memory_space<vmem>>) target(%dma_start3A_264 : memref<10240x64xf32, #tpu.memory_space<vmem_shared>>) offsets(%dma_start3A_261 : memref<128xi32, #tpu.memory_space<vmem>>) semaphore(%arg19 : memref<!tpu.dma_semaphore, #tpu.memory_space<semaphore_mem>>) {add = true}
    }
    %scan3A_49 = arith.constant 20 : i32
    %dma_wait3A_50 = arith.constant 0 : i32
    %dma_wait3A_51 = arith.constant 76 : i32
    %dma_wait3A_52 = arith.constant 0 : i32
    %dma_wait3A_53 = arith.constant 0 : i32
    %dma_wait3A_54 = tpu.memref_slice %arg9[%dma_wait3A_50, %dma_wait3A_52, %dma_wait3A_53] : memref<4x128x64xf32, #tpu.memory_space<vmem>> -> memref<1x128x64xf32, #tpu.memory_space<vmem>>
    %dma_wait3A_55 = tpu.memref_squeeze %dma_wait3A_54 : memref<1x128x64xf32, #tpu.memory_space<vmem>> -> memref<128x64xf32, #tpu.memory_space<vmem>>
    %dma_wait3A_56 = arith.constant 0 : i32
    %dma_wait3A_57 = tpu.memref_slice %arg8[%dma_wait3A_51, %dma_wait3A_56] : memref<80x128xi32, #tpu.memory_space<vmem>> -> memref<1x128xi32, #tpu.memory_space<vmem>>
    %dma_wait3A_58 = tpu.memref_squeeze %dma_wait3A_57 : memref<1x128xi32, #tpu.memory_space<vmem>> -> memref<128xi32, #tpu.memory_space<vmem>>
    %dma_wait3A_59 = arith.constant 0 : i32
    %dma_wait3A_60 = arith.constant 0 : i32
    %dma_wait3A_61 = tpu.memref_slice %arg10[%dma_wait3A_59, %dma_wait3A_60] : memref<10240x64xf32, #tpu.memory_space<vmem_shared>> -> memref<10240x64xf32, #tpu.memory_space<vmem_shared>>
    tpu.wait_indirect_dma semaphore(%arg16 : memref<!tpu.dma_semaphore, #tpu.memory_space<semaphore_mem>>) src(%dma_wait3A_55 : memref<128x64xf32, #tpu.memory_space<vmem>>) dst(%dma_wait3A_61 : memref<10240x64xf32, #tpu.memory_space<vmem_shared>>)
    %dma_wait3A_62 = arith.constant 1 : i32
    %dma_wait3A_63 = arith.constant 77 : i32
    %dma_wait3A_64 = arith.constant 0 : i32
    %dma_wait3A_65 = arith.constant 0 : i32
    %dma_wait3A_66 = tpu.memref_slice %arg9[%dma_wait3A_62, %dma_wait3A_64, %dma_wait3A_65] : memref<4x128x64xf32, #tpu.memory_space<vmem>> -> memref<1x128x64xf32, #tpu.memory_space<vmem>>
    %dma_wait3A_67 = tpu.memref_squeeze %dma_wait3A_66 : memref<1x128x64xf32, #tpu.memory_space<vmem>> -> memref<128x64xf32, #tpu.memory_space<vmem>>
    %dma_wait3A_68 = arith.constant 0 : i32
    %dma_wait3A_69 = tpu.memref_slice %arg8[%dma_wait3A_63, %dma_wait3A_68] : memref<80x128xi32, #tpu.memory_space<vmem>> -> memref<1x128xi32, #tpu.memory_space<vmem>>
    %dma_wait3A_70 = tpu.memref_squeeze %dma_wait3A_69 : memref<1x128xi32, #tpu.memory_space<vmem>> -> memref<128xi32, #tpu.memory_space<vmem>>
    %dma_wait3A_71 = arith.constant 0 : i32
    %dma_wait3A_72 = arith.constant 0 : i32
    %dma_wait3A_73 = tpu.memref_slice %arg10[%dma_wait3A_71, %dma_wait3A_72] : memref<10240x64xf32, #tpu.memory_space<vmem_shared>> -> memref<10240x64xf32, #tpu.memory_space<vmem_shared>>
    tpu.wait_indirect_dma semaphore(%arg17 : memref<!tpu.dma_semaphore, #tpu.memory_space<semaphore_mem>>) src(%dma_wait3A_67 : memref<128x64xf32, #tpu.memory_space<vmem>>) dst(%dma_wait3A_73 : memref<10240x64xf32, #tpu.memory_space<vmem_shared>>)
    %dma_wait3A_74 = arith.constant 2 : i32
    %dma_wait3A_75 = arith.constant 78 : i32
    %dma_wait3A_76 = arith.constant 0 : i32
    %dma_wait3A_77 = arith.constant 0 : i32
    %dma_wait3A_78 = tpu.memref_slice %arg9[%dma_wait3A_74, %dma_wait3A_76, %dma_wait3A_77] : memref<4x128x64xf32, #tpu.memory_space<vmem>> -> memref<1x128x64xf32, #tpu.memory_space<vmem>>
    %dma_wait3A_79 = tpu.memref_squeeze %dma_wait3A_78 : memref<1x128x64xf32, #tpu.memory_space<vmem>> -> memref<128x64xf32, #tpu.memory_space<vmem>>
    %dma_wait3A_80 = arith.constant 0 : i32
    %dma_wait3A_81 = tpu.memref_slice %arg8[%dma_wait3A_75, %dma_wait3A_80] : memref<80x128xi32, #tpu.memory_space<vmem>> -> memref<1x128xi32, #tpu.memory_space<vmem>>
    %dma_wait3A_82 = tpu.memref_squeeze %dma_wait3A_81 : memref<1x128xi32, #tpu.memory_space<vmem>> -> memref<128xi32, #tpu.memory_space<vmem>>
    %dma_wait3A_83 = arith.constant 0 : i32
    %dma_wait3A_84 = arith.constant 0 : i32
    %dma_wait3A_85 = tpu.memref_slice %arg10[%dma_wait3A_83, %dma_wait3A_84] : memref<10240x64xf32, #tpu.memory_space<vmem_shared>> -> memref<10240x64xf32, #tpu.memory_space<vmem_shared>>
    tpu.wait_indirect_dma semaphore(%arg18 : memref<!tpu.dma_semaphore, #tpu.memory_space<semaphore_mem>>) src(%dma_wait3A_79 : memref<128x64xf32, #tpu.memory_space<vmem>>) dst(%dma_wait3A_85 : memref<10240x64xf32, #tpu.memory_space<vmem_shared>>)
    %dma_wait3A_86 = arith.constant 3 : i32
    %dma_wait3A_87 = arith.constant 79 : i32
    %dma_wait3A_88 = arith.constant 0 : i32
    %dma_wait3A_89 = arith.constant 0 : i32
    %dma_wait3A_90 = tpu.memref_slice %arg9[%dma_wait3A_86, %dma_wait3A_88, %dma_wait3A_89] : memref<4x128x64xf32, #tpu.memory_space<vmem>> -> memref<1x128x64xf32, #tpu.memory_space<vmem>>
    %dma_wait3A_91 = tpu.memref_squeeze %dma_wait3A_90 : memref<1x128x64xf32, #tpu.memory_space<vmem>> -> memref<128x64xf32, #tpu.memory_space<vmem>>
    %dma_wait3A_92 = arith.constant 0 : i32
    %dma_wait3A_93 = tpu.memref_slice %arg8[%dma_wait3A_87, %dma_wait3A_92] : memref<80x128xi32, #tpu.memory_space<vmem>> -> memref<1x128xi32, #tpu.memory_space<vmem>>
    %dma_wait3A_94 = tpu.memref_squeeze %dma_wait3A_93 : memref<1x128xi32, #tpu.memory_space<vmem>> -> memref<128xi32, #tpu.memory_space<vmem>>
    %dma_wait3A_95 = arith.constant 0 : i32
    %dma_wait3A_96 = arith.constant 0 : i32
    %dma_wait3A_97 = tpu.memref_slice %arg10[%dma_wait3A_95, %dma_wait3A_96] : memref<10240x64xf32, #tpu.memory_space<vmem_shared>> -> memref<10240x64xf32, #tpu.memory_space<vmem_shared>>
    tpu.wait_indirect_dma semaphore(%arg19 : memref<!tpu.dma_semaphore, #tpu.memory_space<semaphore_mem>>) src(%dma_wait3A_91 : memref<128x64xf32, #tpu.memory_space<vmem>>) dst(%dma_wait3A_97 : memref<10240x64xf32, #tpu.memory_space<vmem_shared>>)
    %barrier3A_98 = arith.constant 0 : index
    tpu.barrier barrier_id(%barrier3A_98)
    "tpu.region"() ({
      %run_scoped3A = tpu.sem_alloc : memref<!tpu.dma_semaphore, #tpu.memory_space<semaphore_mem>>
      %dma_start3A_99 = arith.constant 0 : i32
      %dma_start3A_100 = tpu.memref_slice %arg6[%arg0, %mul3A_2, %dma_start3A_99] : memref<2x10240x64xf32, #tpu.memory_space<hbm>> -> memref<1x640x64xf32, #tpu.memory_space<hbm>>
      %dma_start3A_101 = tpu.memref_squeeze %dma_start3A_100 : memref<1x640x64xf32, #tpu.memory_space<hbm>> -> memref<640x64xf32, #tpu.memory_space<hbm>>
      %dma_start3A_102 = arith.constant 0 : i32
      %dma_start3A_103 = tpu.memref_slice %arg10[%mul3A_2, %dma_start3A_102] : memref<10240x64xf32, #tpu.memory_space<vmem_shared>> -> memref<640x64xf32, #tpu.memory_space<vmem_shared>>
      tpu.enqueue_dma source(%dma_start3A_103 : memref<640x64xf32, #tpu.memory_space<vmem_shared>>) target(%dma_start3A_101 : memref<640x64xf32, #tpu.memory_space<hbm>>) target_semaphore(%run_scoped3A : memref<!tpu.dma_semaphore, #tpu.memory_space<semaphore_mem>>)
      %dma_wait3A_104 = arith.constant 0 : i32
      %dma_wait3A_105 = tpu.memref_slice %arg6[%arg0, %mul3A_2, %dma_wait3A_104] : memref<2x10240x64xf32, #tpu.memory_space<hbm>> -> memref<1x640x64xf32, #tpu.memory_space<hbm>>
      %dma_wait3A_106 = tpu.memref_squeeze %dma_wait3A_105 : memref<1x640x64xf32, #tpu.memory_space<hbm>> -> memref<640x64xf32, #tpu.memory_space<hbm>>
      %dma_wait3A_107 = arith.constant 0 : i32
      %dma_wait3A_108 = tpu.memref_slice %arg10[%mul3A_2, %dma_wait3A_107] : memref<10240x64xf32, #tpu.memory_space<vmem_shared>> -> memref<640x64xf32, #tpu.memory_space<vmem_shared>>
      tpu.wait_dma2 semaphore(%run_scoped3A : memref<!tpu.dma_semaphore, #tpu.memory_space<semaphore_mem>>) src(%dma_wait3A_108 : memref<640x64xf32, #tpu.memory_space<vmem_shared>>) dst(%dma_wait3A_106 : memref<640x64xf32, #tpu.memory_space<hbm>>)
      tpu.yield
    }) : () -> ()
    return
  }
}

#map = affine_map<(d0, d1) -> (0, 0)>
#map1 = affine_map<(d0, d1) -> (0, 0, 0)>
module attributes {stable_mosaic.version = 14 : i64} {
  func.func @_agg_body(%arg0: i32, %arg1: i32, %arg2: memref<10240x64xf32, #tpu.memory_space<hbm>>, %arg3: memref<32x80x128xi32, #tpu.memory_space<hbm>>, %arg4: memref<32x80x128xi32, #tpu.memory_space<hbm>>, %arg5: memref<10240x64xf32, #tpu.memory_space<hbm>>, %arg6: memref<2x10240x64xf32, #tpu.memory_space<hbm>>, %arg7: memref<80x128xi32, #tpu.memory_space<vmem>>, %arg8: memref<80x128xi32, #tpu.memory_space<vmem>>, %arg9: memref<4x128x64xf32, #tpu.memory_space<vmem>>, %arg10: memref<10240x64xf32, #tpu.memory_space<vmem_shared>>, %arg11: memref<!tpu.dma_semaphore, #tpu.memory_space<semaphore_mem>>, %arg12: memref<!tpu.dma_semaphore, #tpu.memory_space<semaphore_mem>>, %arg13: memref<!tpu.dma_semaphore, #tpu.memory_space<semaphore_mem>>, %arg14: memref<!tpu.dma_semaphore, #tpu.memory_space<semaphore_mem>>, %arg15: memref<!tpu.dma_semaphore, #tpu.memory_space<semaphore_mem>>, %arg16: memref<!tpu.dma_semaphore, #tpu.memory_space<semaphore_mem>>, %arg17: memref<!tpu.dma_semaphore, #tpu.memory_space<semaphore_mem>>, %arg18: memref<!tpu.dma_semaphore, #tpu.memory_space<semaphore_mem>>, %arg19: memref<!tpu.dma_semaphore, #tpu.memory_space<semaphore_mem>>) attributes {dimension_semantics = [#tpu.dimension_semantics<core_parallel>, #tpu.dimension_semantics<subcore_parallel>], iteration_bounds = array<i64: 2, 16>, scalar_prefetch = 0 : i64, scratch_operands = 13 : i64, tpu.core_type = #tpu.core_type<sc_vector_subcore>, window_params = [{transform_indices = #map}, {transform_indices = #map1}, {transform_indices = #map1}, {transform_indices = #map}, {transform_indices = #map1}]} {
    %mul3A = arith.constant 2 : i32
    %mul3A_0 = arith.muli %arg1, %mul3A : i32
    %add3A = arith.addi %mul3A_0, %arg0 : i32
    %mul3A_1 = arith.constant 640 : i32
    %mul3A_2 = arith.muli %arg1, %mul3A_1 : i32
    "tpu.region"() ({
      %run_scoped3A = tpu.sem_alloc : memref<!tpu.dma_semaphore, #tpu.memory_space<semaphore_mem>>
      %dma_start3A_99 = arith.constant 0 : i32
      %dma_start3A_100 = arith.constant 0 : i32
      %dma_start3A_101 = tpu.memref_slice %arg3[%add3A, %dma_start3A_99, %dma_start3A_100] : memref<32x80x128xi32, #tpu.memory_space<hbm>> -> memref<1x80x128xi32, #tpu.memory_space<hbm>>
      %dma_start3A_102 = tpu.memref_squeeze %dma_start3A_101 : memref<1x80x128xi32, #tpu.memory_space<hbm>> -> memref<80x128xi32, #tpu.memory_space<hbm>>
      %dma_start3A_103 = arith.constant 0 : i32
      %dma_start3A_104 = arith.constant 0 : i32
      %dma_start3A_105 = tpu.memref_slice %arg3[%add3A, %dma_start3A_103, %dma_start3A_104] : memref<32x80x128xi32, #tpu.memory_space<hbm>> -> memref<1x80x128xi32, #tpu.memory_space<hbm>>
      %dma_start3A_106 = tpu.memref_squeeze %dma_start3A_105 : memref<1x80x128xi32, #tpu.memory_space<hbm>> -> memref<80x128xi32, #tpu.memory_space<hbm>>
      tpu.enqueue_dma source(%dma_start3A_106 : memref<80x128xi32, #tpu.memory_space<hbm>>) target(%arg7 : memref<80x128xi32, #tpu.memory_space<vmem>>) target_semaphore(%run_scoped3A : memref<!tpu.dma_semaphore, #tpu.memory_space<semaphore_mem>>)
      %dma_wait3A_107 = arith.constant 0 : i32
      %dma_wait3A_108 = arith.constant 0 : i32
      %dma_wait3A_109 = tpu.memref_slice %arg3[%add3A, %dma_wait3A_107, %dma_wait3A_108] : memref<32x80x128xi32, #tpu.memory_space<hbm>> -> memref<1x80x128xi32, #tpu.memory_space<hbm>>
      %dma_wait3A_110 = tpu.memref_squeeze %dma_wait3A_109 : memref<1x80x128xi32, #tpu.memory_space<hbm>> -> memref<80x128xi32, #tpu.memory_space<hbm>>
      %dma_wait3A_111 = arith.constant 0 : i32
      %dma_wait3A_112 = arith.constant 0 : i32
      %dma_wait3A_113 = tpu.memref_slice %arg3[%add3A, %dma_wait3A_111, %dma_wait3A_112] : memref<32x80x128xi32, #tpu.memory_space<hbm>> -> memref<1x80x128xi32, #tpu.memory_space<hbm>>
      %dma_wait3A_114 = tpu.memref_squeeze %dma_wait3A_113 : memref<1x80x128xi32, #tpu.memory_space<hbm>> -> memref<80x128xi32, #tpu.memory_space<hbm>>
      tpu.wait_dma2 semaphore(%run_scoped3A : memref<!tpu.dma_semaphore, #tpu.memory_space<semaphore_mem>>) src(%dma_wait3A_114 : memref<80x128xi32, #tpu.memory_space<hbm>>) dst(%arg7 : memref<80x128xi32, #tpu.memory_space<vmem>>)
      tpu.yield
    }) : () -> ()
    "tpu.region"() ({
      %run_scoped3A = tpu.sem_alloc : memref<!tpu.dma_semaphore, #tpu.memory_space<semaphore_mem>>
      %dma_start3A_99 = arith.constant 0 : i32
      %dma_start3A_100 = arith.constant 0 : i32
      %dma_start3A_101 = tpu.memref_slice %arg4[%add3A, %dma_start3A_99, %dma_start3A_100] : memref<32x80x128xi32, #tpu.memory_space<hbm>> -> memref<1x80x128xi32, #tpu.memory_space<hbm>>
      %dma_start3A_102 = tpu.memref_squeeze %dma_start3A_101 : memref<1x80x128xi32, #tpu.memory_space<hbm>> -> memref<80x128xi32, #tpu.memory_space<hbm>>
      %dma_start3A_103 = arith.constant 0 : i32
      %dma_start3A_104 = arith.constant 0 : i32
      %dma_start3A_105 = tpu.memref_slice %arg4[%add3A, %dma_start3A_103, %dma_start3A_104] : memref<32x80x128xi32, #tpu.memory_space<hbm>> -> memref<1x80x128xi32, #tpu.memory_space<hbm>>
      %dma_start3A_106 = tpu.memref_squeeze %dma_start3A_105 : memref<1x80x128xi32, #tpu.memory_space<hbm>> -> memref<80x128xi32, #tpu.memory_space<hbm>>
      tpu.enqueue_dma source(%dma_start3A_106 : memref<80x128xi32, #tpu.memory_space<hbm>>) target(%arg8 : memref<80x128xi32, #tpu.memory_space<vmem>>) target_semaphore(%run_scoped3A : memref<!tpu.dma_semaphore, #tpu.memory_space<semaphore_mem>>)
      %dma_wait3A_107 = arith.constant 0 : i32
      %dma_wait3A_108 = arith.constant 0 : i32
      %dma_wait3A_109 = tpu.memref_slice %arg4[%add3A, %dma_wait3A_107, %dma_wait3A_108] : memref<32x80x128xi32, #tpu.memory_space<hbm>> -> memref<1x80x128xi32, #tpu.memory_space<hbm>>
      %dma_wait3A_110 = tpu.memref_squeeze %dma_wait3A_109 : memref<1x80x128xi32, #tpu.memory_space<hbm>> -> memref<80x128xi32, #tpu.memory_space<hbm>>
      %dma_wait3A_111 = arith.constant 0 : i32
      %dma_wait3A_112 = arith.constant 0 : i32
      %dma_wait3A_113 = tpu.memref_slice %arg4[%add3A, %dma_wait3A_111, %dma_wait3A_112] : memref<32x80x128xi32, #tpu.memory_space<hbm>> -> memref<1x80x128xi32, #tpu.memory_space<hbm>>
      %dma_wait3A_114 = tpu.memref_squeeze %dma_wait3A_113 : memref<1x80x128xi32, #tpu.memory_space<hbm>> -> memref<80x128xi32, #tpu.memory_space<hbm>>
      tpu.wait_dma2 semaphore(%run_scoped3A : memref<!tpu.dma_semaphore, #tpu.memory_space<semaphore_mem>>) src(%dma_wait3A_114 : memref<80x128xi32, #tpu.memory_space<hbm>>) dst(%arg8 : memref<80x128xi32, #tpu.memory_space<vmem>>)
      tpu.yield
    }) : () -> ()
    %dma_start3A = arith.constant 0 : i32
    %dma_start3A_3 = tpu.memref_slice %arg10[%mul3A_2, %dma_start3A] : memref<10240x64xf32, #tpu.memory_space<vmem_shared>> -> memref<640x64xf32, #tpu.memory_space<vmem_shared>>
    %dma_start3A_4 = arith.constant 0 : i32
    %dma_start3A_5 = tpu.memref_slice %arg5[%mul3A_2, %dma_start3A_4] : memref<10240x64xf32, #tpu.memory_space<hbm>> -> memref<640x64xf32, #tpu.memory_space<hbm>>
    tpu.enqueue_dma source(%dma_start3A_5 : memref<640x64xf32, #tpu.memory_space<hbm>>) target(%dma_start3A_3 : memref<640x64xf32, #tpu.memory_space<vmem_shared>>) target_semaphore(%arg11 : memref<!tpu.dma_semaphore, #tpu.memory_space<semaphore_mem>>)
    %dma_start3A_6 = arith.constant 0 : i32
    %dma_start3A_7 = arith.constant 0 : i32
    %dma_start3A_8 = arith.constant 0 : i32
    %dma_start3A_9 = arith.constant 0 : i32
    %dma_start3A_10 = tpu.memref_slice %arg9[%dma_start3A_7, %dma_start3A_8, %dma_start3A_9] : memref<4x128x64xf32, #tpu.memory_space<vmem>> -> memref<1x128x64xf32, #tpu.memory_space<vmem>>
    %dma_start3A_11 = tpu.memref_squeeze %dma_start3A_10 : memref<1x128x64xf32, #tpu.memory_space<vmem>> -> memref<128x64xf32, #tpu.memory_space<vmem>>
    %dma_start3A_12 = arith.constant 0 : i32
    %dma_start3A_13 = tpu.memref_slice %arg7[%dma_start3A_6, %dma_start3A_12] : memref<80x128xi32, #tpu.memory_space<vmem>> -> memref<1x128xi32, #tpu.memory_space<vmem>>
    %dma_start3A_14 = tpu.memref_squeeze %dma_start3A_13 : memref<1x128xi32, #tpu.memory_space<vmem>> -> memref<128xi32, #tpu.memory_space<vmem>>
    %dma_start3A_15 = arith.constant 0 : i32
    %dma_start3A_16 = arith.constant 0 : i32
    %dma_start3A_17 = tpu.memref_slice %arg2[%dma_start3A_15, %dma_start3A_16] : memref<10240x64xf32, #tpu.memory_space<hbm>> -> memref<10240x64xf32, #tpu.memory_space<hbm>>
    tpu.enqueue_indirect_dma source(%dma_start3A_17 : memref<10240x64xf32, #tpu.memory_space<hbm>>) target(%dma_start3A_11 : memref<128x64xf32, #tpu.memory_space<vmem>>) offsets(%dma_start3A_14 : memref<128xi32, #tpu.memory_space<vmem>>) semaphore(%arg12 : memref<!tpu.dma_semaphore, #tpu.memory_space<semaphore_mem>>)
    %dma_start3A_18 = arith.constant 1 : i32
    %dma_start3A_19 = arith.constant 1 : i32
    %dma_start3A_20 = arith.constant 0 : i32
    %dma_start3A_21 = arith.constant 0 : i32
    %dma_start3A_22 = tpu.memref_slice %arg9[%dma_start3A_19, %dma_start3A_20, %dma_start3A_21] : memref<4x128x64xf32, #tpu.memory_space<vmem>> -> memref<1x128x64xf32, #tpu.memory_space<vmem>>
    %dma_start3A_23 = tpu.memref_squeeze %dma_start3A_22 : memref<1x128x64xf32, #tpu.memory_space<vmem>> -> memref<128x64xf32, #tpu.memory_space<vmem>>
    %dma_start3A_24 = arith.constant 0 : i32
    %dma_start3A_25 = tpu.memref_slice %arg7[%dma_start3A_18, %dma_start3A_24] : memref<80x128xi32, #tpu.memory_space<vmem>> -> memref<1x128xi32, #tpu.memory_space<vmem>>
    %dma_start3A_26 = tpu.memref_squeeze %dma_start3A_25 : memref<1x128xi32, #tpu.memory_space<vmem>> -> memref<128xi32, #tpu.memory_space<vmem>>
    %dma_start3A_27 = arith.constant 0 : i32
    %dma_start3A_28 = arith.constant 0 : i32
    %dma_start3A_29 = tpu.memref_slice %arg2[%dma_start3A_27, %dma_start3A_28] : memref<10240x64xf32, #tpu.memory_space<hbm>> -> memref<10240x64xf32, #tpu.memory_space<hbm>>
    tpu.enqueue_indirect_dma source(%dma_start3A_29 : memref<10240x64xf32, #tpu.memory_space<hbm>>) target(%dma_start3A_23 : memref<128x64xf32, #tpu.memory_space<vmem>>) offsets(%dma_start3A_26 : memref<128xi32, #tpu.memory_space<vmem>>) semaphore(%arg13 : memref<!tpu.dma_semaphore, #tpu.memory_space<semaphore_mem>>)
    %dma_start3A_30 = arith.constant 2 : i32
    %dma_start3A_31 = arith.constant 2 : i32
    %dma_start3A_32 = arith.constant 0 : i32
    %dma_start3A_33 = arith.constant 0 : i32
    %dma_start3A_34 = tpu.memref_slice %arg9[%dma_start3A_31, %dma_start3A_32, %dma_start3A_33] : memref<4x128x64xf32, #tpu.memory_space<vmem>> -> memref<1x128x64xf32, #tpu.memory_space<vmem>>
    %dma_start3A_35 = tpu.memref_squeeze %dma_start3A_34 : memref<1x128x64xf32, #tpu.memory_space<vmem>> -> memref<128x64xf32, #tpu.memory_space<vmem>>
    %dma_start3A_36 = arith.constant 0 : i32
    %dma_start3A_37 = tpu.memref_slice %arg7[%dma_start3A_30, %dma_start3A_36] : memref<80x128xi32, #tpu.memory_space<vmem>> -> memref<1x128xi32, #tpu.memory_space<vmem>>
    %dma_start3A_38 = tpu.memref_squeeze %dma_start3A_37 : memref<1x128xi32, #tpu.memory_space<vmem>> -> memref<128xi32, #tpu.memory_space<vmem>>
    %dma_start3A_39 = arith.constant 0 : i32
    %dma_start3A_40 = arith.constant 0 : i32
    %dma_start3A_41 = tpu.memref_slice %arg2[%dma_start3A_39, %dma_start3A_40] : memref<10240x64xf32, #tpu.memory_space<hbm>> -> memref<10240x64xf32, #tpu.memory_space<hbm>>
    tpu.enqueue_indirect_dma source(%dma_start3A_41 : memref<10240x64xf32, #tpu.memory_space<hbm>>) target(%dma_start3A_35 : memref<128x64xf32, #tpu.memory_space<vmem>>) offsets(%dma_start3A_38 : memref<128xi32, #tpu.memory_space<vmem>>) semaphore(%arg14 : memref<!tpu.dma_semaphore, #tpu.memory_space<semaphore_mem>>)
    %dma_wait3A = arith.constant 0 : i32
    %dma_wait3A_42 = tpu.memref_slice %arg10[%mul3A_2, %dma_wait3A] : memref<10240x64xf32, #tpu.memory_space<vmem_shared>> -> memref<640x64xf32, #tpu.memory_space<vmem_shared>>
    %dma_wait3A_43 = arith.constant 0 : i32
    %dma_wait3A_44 = tpu.memref_slice %arg5[%mul3A_2, %dma_wait3A_43] : memref<10240x64xf32, #tpu.memory_space<hbm>> -> memref<640x64xf32, #tpu.memory_space<hbm>>
    tpu.wait_dma2 semaphore(%arg11 : memref<!tpu.dma_semaphore, #tpu.memory_space<semaphore_mem>>) src(%dma_wait3A_44 : memref<640x64xf32, #tpu.memory_space<hbm>>) dst(%dma_wait3A_42 : memref<640x64xf32, #tpu.memory_space<vmem_shared>>)
    %barrier3A = arith.constant 0 : index
    tpu.barrier barrier_id(%barrier3A)
    %scan3A = arith.constant 0 : i32
    %scan3A_45 = arith.constant 0 : i32
    %scan3A_46 = arith.constant 20 : i32
    %scan3A_47 = arith.addi %scan3A_45, %scan3A_46 : i32
    %scan3A_48 = arith.constant 1 : i32
    scf.for %scan3A_99 = %scan3A_45 to %scan3A_47 step %scan3A_48  : i32 {
      %mul3A_100 = arith.constant 4 : i32
      %mul3A_101 = arith.muli %scan3A_99, %mul3A_100 : i32
      %add3A_102 = arith.constant 0 : i32
      %add3A_103 = arith.addi %mul3A_101, %add3A_102 : i32
      %ge3A = arith.constant 1 : i32
      %ge3A_104 = arith.cmpi sge, %add3A_103, %ge3A : i32
      %add3A_105 = arith.constant 4 : i32
      %add3A_106 = arith.addi %add3A_103, %add3A_105 : i32
      %sub3A = arith.constant 1 : i32
      %sub3A_107 = arith.subi %add3A_106, %sub3A : i32
      %lt3A = arith.constant 80 : i32
      %lt3A_108 = arith.cmpi slt, %sub3A_107, %lt3A : i32
      %and3A = arith.andi %ge3A_104, %lt3A_108 : i1
      %convert_element_type3A = arith.extui %and3A : i1 to i32
      %cond3A = arith.constant 0 : i32
      %cond3A_109 = arith.cmpi ne, %convert_element_type3A, %cond3A : i32
      scf.if %cond3A_109 {
        %sub3A_265 = arith.constant 1 : i32
        %sub3A_266 = arith.subi %add3A_103, %sub3A_265 : i32
        %dma_wait3A_267 = arith.constant 3 : i32
        %dma_wait3A_268 = arith.constant 0 : i32
        %dma_wait3A_269 = arith.constant 0 : i32
        %dma_wait3A_270 = tpu.memref_slice %arg9[%dma_wait3A_267, %dma_wait3A_268, %dma_wait3A_269] : memref<4x128x64xf32, #tpu.memory_space<vmem>> -> memref<1x128x64xf32, #tpu.memory_space<vmem>>
        %dma_wait3A_271 = tpu.memref_squeeze %dma_wait3A_270 : memref<1x128x64xf32, #tpu.memory_space<vmem>> -> memref<128x64xf32, #tpu.memory_space<vmem>>
        %dma_wait3A_272 = arith.constant 0 : i32
        %dma_wait3A_273 = tpu.memref_slice %arg8[%sub3A_266, %dma_wait3A_272] : memref<80x128xi32, #tpu.memory_space<vmem>> -> memref<1x128xi32, #tpu.memory_space<vmem>>
        %dma_wait3A_274 = tpu.memref_squeeze %dma_wait3A_273 : memref<1x128xi32, #tpu.memory_space<vmem>> -> memref<128xi32, #tpu.memory_space<vmem>>
        %dma_wait3A_275 = arith.constant 0 : i32
        %dma_wait3A_276 = arith.constant 0 : i32
        %dma_wait3A_277 = tpu.memref_slice %arg10[%dma_wait3A_275, %dma_wait3A_276] : memref<10240x64xf32, #tpu.memory_space<vmem_shared>> -> memref<10240x64xf32, #tpu.memory_space<vmem_shared>>
        tpu.wait_indirect_dma semaphore(%arg19 : memref<!tpu.dma_semaphore, #tpu.memory_space<semaphore_mem>>) src(%dma_wait3A_271 : memref<128x64xf32, #tpu.memory_space<vmem>>) dst(%dma_wait3A_277 : memref<10240x64xf32, #tpu.memory_space<vmem_shared>>)
        %add3A_278 = arith.constant 4 : i32
        %add3A_279 = arith.addi %add3A_103, %add3A_278 : i32
        %sub3A_280 = arith.constant 1 : i32
        %sub3A_281 = arith.subi %add3A_279, %sub3A_280 : i32
        %dma_start3A_282 = arith.constant 3 : i32
        %dma_start3A_283 = arith.constant 0 : i32
        %dma_start3A_284 = arith.constant 0 : i32
        %dma_start3A_285 = tpu.memref_slice %arg9[%dma_start3A_282, %dma_start3A_283, %dma_start3A_284] : memref<4x128x64xf32, #tpu.memory_space<vmem>> -> memref<1x128x64xf32, #tpu.memory_space<vmem>>
        %dma_start3A_286 = tpu.memref_squeeze %dma_start3A_285 : memref<1x128x64xf32, #tpu.memory_space<vmem>> -> memref<128x64xf32, #tpu.memory_space<vmem>>
        %dma_start3A_287 = arith.constant 0 : i32
        %dma_start3A_288 = tpu.memref_slice %arg7[%sub3A_281, %dma_start3A_287] : memref<80x128xi32, #tpu.memory_space<vmem>> -> memref<1x128xi32, #tpu.memory_space<vmem>>
        %dma_start3A_289 = tpu.memref_squeeze %dma_start3A_288 : memref<1x128xi32, #tpu.memory_space<vmem>> -> memref<128xi32, #tpu.memory_space<vmem>>
        %dma_start3A_290 = arith.constant 0 : i32
        %dma_start3A_291 = arith.constant 0 : i32
        %dma_start3A_292 = tpu.memref_slice %arg2[%dma_start3A_290, %dma_start3A_291] : memref<10240x64xf32, #tpu.memory_space<hbm>> -> memref<10240x64xf32, #tpu.memory_space<hbm>>
        tpu.enqueue_indirect_dma source(%dma_start3A_292 : memref<10240x64xf32, #tpu.memory_space<hbm>>) target(%dma_start3A_286 : memref<128x64xf32, #tpu.memory_space<vmem>>) offsets(%dma_start3A_289 : memref<128xi32, #tpu.memory_space<vmem>>) semaphore(%arg15 : memref<!tpu.dma_semaphore, #tpu.memory_space<semaphore_mem>>)
      } else {
      }
      %eq3A = arith.constant 0 : i32
      %eq3A_110 = arith.cmpi eq, %add3A_103, %eq3A : i32
      %convert_element_type3A_111 = arith.extui %eq3A_110 : i1 to i32
      %cond3A_112 = arith.constant 0 : i32
      %cond3A_113 = arith.cmpi ne, %convert_element_type3A_111, %cond3A_112 : i32
      scf.if %cond3A_113 {
        %dma_start3A_265 = arith.constant 3 : i32
        %dma_start3A_266 = arith.constant 3 : i32
        %dma_start3A_267 = arith.constant 0 : i32
        %dma_start3A_268 = arith.constant 0 : i32
        %dma_start3A_269 = tpu.memref_slice %arg9[%dma_start3A_266, %dma_start3A_267, %dma_start3A_268] : memref<4x128x64xf32, #tpu.memory_space<vmem>> -> memref<1x128x64xf32, #tpu.memory_space<vmem>>
        %dma_start3A_270 = tpu.memref_squeeze %dma_start3A_269 : memref<1x128x64xf32, #tpu.memory_space<vmem>> -> memref<128x64xf32, #tpu.memory_space<vmem>>
        %dma_start3A_271 = arith.constant 0 : i32
        %dma_start3A_272 = tpu.memref_slice %arg7[%dma_start3A_265, %dma_start3A_271] : memref<80x128xi32, #tpu.memory_space<vmem>> -> memref<1x128xi32, #tpu.memory_space<vmem>>
        %dma_start3A_273 = tpu.memref_squeeze %dma_start3A_272 : memref<1x128xi32, #tpu.memory_space<vmem>> -> memref<128xi32, #tpu.memory_space<vmem>>
        %dma_start3A_274 = arith.constant 0 : i32
        %dma_start3A_275 = arith.constant 0 : i32
        %dma_start3A_276 = tpu.memref_slice %arg2[%dma_start3A_274, %dma_start3A_275] : memref<10240x64xf32, #tpu.memory_space<hbm>> -> memref<10240x64xf32, #tpu.memory_space<hbm>>
        tpu.enqueue_indirect_dma source(%dma_start3A_276 : memref<10240x64xf32, #tpu.memory_space<hbm>>) target(%dma_start3A_270 : memref<128x64xf32, #tpu.memory_space<vmem>>) offsets(%dma_start3A_273 : memref<128xi32, #tpu.memory_space<vmem>>) semaphore(%arg15 : memref<!tpu.dma_semaphore, #tpu.memory_space<semaphore_mem>>)
      } else {
      }
      %dma_wait3A_114 = arith.constant 0 : i32
      %dma_wait3A_115 = arith.constant 0 : i32
      %dma_wait3A_116 = arith.constant 0 : i32
      %dma_wait3A_117 = tpu.memref_slice %arg9[%dma_wait3A_114, %dma_wait3A_115, %dma_wait3A_116] : memref<4x128x64xf32, #tpu.memory_space<vmem>> -> memref<1x128x64xf32, #tpu.memory_space<vmem>>
      %dma_wait3A_118 = tpu.memref_squeeze %dma_wait3A_117 : memref<1x128x64xf32, #tpu.memory_space<vmem>> -> memref<128x64xf32, #tpu.memory_space<vmem>>
      %dma_wait3A_119 = arith.constant 0 : i32
      %dma_wait3A_120 = tpu.memref_slice %arg7[%add3A_103, %dma_wait3A_119] : memref<80x128xi32, #tpu.memory_space<vmem>> -> memref<1x128xi32, #tpu.memory_space<vmem>>
      %dma_wait3A_121 = tpu.memref_squeeze %dma_wait3A_120 : memref<1x128xi32, #tpu.memory_space<vmem>> -> memref<128xi32, #tpu.memory_space<vmem>>
      %dma_wait3A_122 = arith.constant 0 : i32
      %dma_wait3A_123 = arith.constant 0 : i32
      %dma_wait3A_124 = tpu.memref_slice %arg2[%dma_wait3A_122, %dma_wait3A_123] : memref<10240x64xf32, #tpu.memory_space<hbm>> -> memref<10240x64xf32, #tpu.memory_space<hbm>>
      tpu.wait_indirect_dma semaphore(%arg12 : memref<!tpu.dma_semaphore, #tpu.memory_space<semaphore_mem>>) src(%dma_wait3A_124 : memref<10240x64xf32, #tpu.memory_space<hbm>>) dst(%dma_wait3A_118 : memref<128x64xf32, #tpu.memory_space<vmem>>)
      %dma_start3A_125 = arith.constant 0 : i32
      %dma_start3A_126 = arith.constant 0 : i32
      %dma_start3A_127 = arith.constant 0 : i32
      %dma_start3A_128 = tpu.memref_slice %arg9[%dma_start3A_125, %dma_start3A_126, %dma_start3A_127] : memref<4x128x64xf32, #tpu.memory_space<vmem>> -> memref<1x128x64xf32, #tpu.memory_space<vmem>>
      %dma_start3A_129 = tpu.memref_squeeze %dma_start3A_128 : memref<1x128x64xf32, #tpu.memory_space<vmem>> -> memref<128x64xf32, #tpu.memory_space<vmem>>
      %dma_start3A_130 = arith.constant 0 : i32
      %dma_start3A_131 = tpu.memref_slice %arg8[%add3A_103, %dma_start3A_130] : memref<80x128xi32, #tpu.memory_space<vmem>> -> memref<1x128xi32, #tpu.memory_space<vmem>>
      %dma_start3A_132 = tpu.memref_squeeze %dma_start3A_131 : memref<1x128xi32, #tpu.memory_space<vmem>> -> memref<128xi32, #tpu.memory_space<vmem>>
      %dma_start3A_133 = arith.constant 0 : i32
      %dma_start3A_134 = arith.constant 0 : i32
      %dma_start3A_135 = tpu.memref_slice %arg10[%dma_start3A_133, %dma_start3A_134] : memref<10240x64xf32, #tpu.memory_space<vmem_shared>> -> memref<10240x64xf32, #tpu.memory_space<vmem_shared>>
      tpu.enqueue_indirect_dma source(%dma_start3A_129 : memref<128x64xf32, #tpu.memory_space<vmem>>) target(%dma_start3A_135 : memref<10240x64xf32, #tpu.memory_space<vmem_shared>>) offsets(%dma_start3A_132 : memref<128xi32, #tpu.memory_space<vmem>>) semaphore(%arg16 : memref<!tpu.dma_semaphore, #tpu.memory_space<semaphore_mem>>) {add = true}
      %mul3A_136 = arith.constant 4 : i32
      %mul3A_137 = arith.muli %scan3A_99, %mul3A_136 : i32
      %add3A_138 = arith.constant 1 : i32
      %add3A_139 = arith.addi %mul3A_137, %add3A_138 : i32
      %ge3A_140 = arith.constant 1 : i32
      %ge3A_141 = arith.cmpi sge, %add3A_139, %ge3A_140 : i32
      %add3A_142 = arith.constant 4 : i32
      %add3A_143 = arith.addi %add3A_139, %add3A_142 : i32
      %sub3A_144 = arith.constant 1 : i32
      %sub3A_145 = arith.subi %add3A_143, %sub3A_144 : i32
      %lt3A_146 = arith.constant 80 : i32
      %lt3A_147 = arith.cmpi slt, %sub3A_145, %lt3A_146 : i32
      %and3A_148 = arith.andi %ge3A_141, %lt3A_147 : i1
      %convert_element_type3A_149 = arith.extui %and3A_148 : i1 to i32
      %cond3A_150 = arith.constant 0 : i32
      %cond3A_151 = arith.cmpi ne, %convert_element_type3A_149, %cond3A_150 : i32
      scf.if %cond3A_151 {
        %sub3A_265 = arith.constant 1 : i32
        %sub3A_266 = arith.subi %add3A_139, %sub3A_265 : i32
        %dma_wait3A_267 = arith.constant 0 : i32
        %dma_wait3A_268 = arith.constant 0 : i32
        %dma_wait3A_269 = arith.constant 0 : i32
        %dma_wait3A_270 = tpu.memref_slice %arg9[%dma_wait3A_267, %dma_wait3A_268, %dma_wait3A_269] : memref<4x128x64xf32, #tpu.memory_space<vmem>> -> memref<1x128x64xf32, #tpu.memory_space<vmem>>
        %dma_wait3A_271 = tpu.memref_squeeze %dma_wait3A_270 : memref<1x128x64xf32, #tpu.memory_space<vmem>> -> memref<128x64xf32, #tpu.memory_space<vmem>>
        %dma_wait3A_272 = arith.constant 0 : i32
        %dma_wait3A_273 = tpu.memref_slice %arg8[%sub3A_266, %dma_wait3A_272] : memref<80x128xi32, #tpu.memory_space<vmem>> -> memref<1x128xi32, #tpu.memory_space<vmem>>
        %dma_wait3A_274 = tpu.memref_squeeze %dma_wait3A_273 : memref<1x128xi32, #tpu.memory_space<vmem>> -> memref<128xi32, #tpu.memory_space<vmem>>
        %dma_wait3A_275 = arith.constant 0 : i32
        %dma_wait3A_276 = arith.constant 0 : i32
        %dma_wait3A_277 = tpu.memref_slice %arg10[%dma_wait3A_275, %dma_wait3A_276] : memref<10240x64xf32, #tpu.memory_space<vmem_shared>> -> memref<10240x64xf32, #tpu.memory_space<vmem_shared>>
        tpu.wait_indirect_dma semaphore(%arg16 : memref<!tpu.dma_semaphore, #tpu.memory_space<semaphore_mem>>) src(%dma_wait3A_271 : memref<128x64xf32, #tpu.memory_space<vmem>>) dst(%dma_wait3A_277 : memref<10240x64xf32, #tpu.memory_space<vmem_shared>>)
        %add3A_278 = arith.constant 4 : i32
        %add3A_279 = arith.addi %add3A_139, %add3A_278 : i32
        %sub3A_280 = arith.constant 1 : i32
        %sub3A_281 = arith.subi %add3A_279, %sub3A_280 : i32
        %dma_start3A_282 = arith.constant 0 : i32
        %dma_start3A_283 = arith.constant 0 : i32
        %dma_start3A_284 = arith.constant 0 : i32
        %dma_start3A_285 = tpu.memref_slice %arg9[%dma_start3A_282, %dma_start3A_283, %dma_start3A_284] : memref<4x128x64xf32, #tpu.memory_space<vmem>> -> memref<1x128x64xf32, #tpu.memory_space<vmem>>
        %dma_start3A_286 = tpu.memref_squeeze %dma_start3A_285 : memref<1x128x64xf32, #tpu.memory_space<vmem>> -> memref<128x64xf32, #tpu.memory_space<vmem>>
        %dma_start3A_287 = arith.constant 0 : i32
        %dma_start3A_288 = tpu.memref_slice %arg7[%sub3A_281, %dma_start3A_287] : memref<80x128xi32, #tpu.memory_space<vmem>> -> memref<1x128xi32, #tpu.memory_space<vmem>>
        %dma_start3A_289 = tpu.memref_squeeze %dma_start3A_288 : memref<1x128xi32, #tpu.memory_space<vmem>> -> memref<128xi32, #tpu.memory_space<vmem>>
        %dma_start3A_290 = arith.constant 0 : i32
        %dma_start3A_291 = arith.constant 0 : i32
        %dma_start3A_292 = tpu.memref_slice %arg2[%dma_start3A_290, %dma_start3A_291] : memref<10240x64xf32, #tpu.memory_space<hbm>> -> memref<10240x64xf32, #tpu.memory_space<hbm>>
        tpu.enqueue_indirect_dma source(%dma_start3A_292 : memref<10240x64xf32, #tpu.memory_space<hbm>>) target(%dma_start3A_286 : memref<128x64xf32, #tpu.memory_space<vmem>>) offsets(%dma_start3A_289 : memref<128xi32, #tpu.memory_space<vmem>>) semaphore(%arg12 : memref<!tpu.dma_semaphore, #tpu.memory_space<semaphore_mem>>)
      } else {
      }
      %eq3A_152 = arith.constant 0 : i32
      %eq3A_153 = arith.cmpi eq, %add3A_139, %eq3A_152 : i32
      %convert_element_type3A_154 = arith.extui %eq3A_153 : i1 to i32
      %cond3A_155 = arith.constant 0 : i32
      %cond3A_156 = arith.cmpi ne, %convert_element_type3A_154, %cond3A_155 : i32
      scf.if %cond3A_156 {
        %dma_start3A_265 = arith.constant 3 : i32
        %dma_start3A_266 = arith.constant 3 : i32
        %dma_start3A_267 = arith.constant 0 : i32
        %dma_start3A_268 = arith.constant 0 : i32
        %dma_start3A_269 = tpu.memref_slice %arg9[%dma_start3A_266, %dma_start3A_267, %dma_start3A_268] : memref<4x128x64xf32, #tpu.memory_space<vmem>> -> memref<1x128x64xf32, #tpu.memory_space<vmem>>
        %dma_start3A_270 = tpu.memref_squeeze %dma_start3A_269 : memref<1x128x64xf32, #tpu.memory_space<vmem>> -> memref<128x64xf32, #tpu.memory_space<vmem>>
        %dma_start3A_271 = arith.constant 0 : i32
        %dma_start3A_272 = tpu.memref_slice %arg7[%dma_start3A_265, %dma_start3A_271] : memref<80x128xi32, #tpu.memory_space<vmem>> -> memref<1x128xi32, #tpu.memory_space<vmem>>
        %dma_start3A_273 = tpu.memref_squeeze %dma_start3A_272 : memref<1x128xi32, #tpu.memory_space<vmem>> -> memref<128xi32, #tpu.memory_space<vmem>>
        %dma_start3A_274 = arith.constant 0 : i32
        %dma_start3A_275 = arith.constant 0 : i32
        %dma_start3A_276 = tpu.memref_slice %arg2[%dma_start3A_274, %dma_start3A_275] : memref<10240x64xf32, #tpu.memory_space<hbm>> -> memref<10240x64xf32, #tpu.memory_space<hbm>>
        tpu.enqueue_indirect_dma source(%dma_start3A_276 : memref<10240x64xf32, #tpu.memory_space<hbm>>) target(%dma_start3A_270 : memref<128x64xf32, #tpu.memory_space<vmem>>) offsets(%dma_start3A_273 : memref<128xi32, #tpu.memory_space<vmem>>) semaphore(%arg15 : memref<!tpu.dma_semaphore, #tpu.memory_space<semaphore_mem>>)
      } else {
      }
      %dma_wait3A_157 = arith.constant 1 : i32
      %dma_wait3A_158 = arith.constant 0 : i32
      %dma_wait3A_159 = arith.constant 0 : i32
      %dma_wait3A_160 = tpu.memref_slice %arg9[%dma_wait3A_157, %dma_wait3A_158, %dma_wait3A_159] : memref<4x128x64xf32, #tpu.memory_space<vmem>> -> memref<1x128x64xf32, #tpu.memory_space<vmem>>
      %dma_wait3A_161 = tpu.memref_squeeze %dma_wait3A_160 : memref<1x128x64xf32, #tpu.memory_space<vmem>> -> memref<128x64xf32, #tpu.memory_space<vmem>>
      %dma_wait3A_162 = arith.constant 0 : i32
      %dma_wait3A_163 = tpu.memref_slice %arg7[%add3A_139, %dma_wait3A_162] : memref<80x128xi32, #tpu.memory_space<vmem>> -> memref<1x128xi32, #tpu.memory_space<vmem>>
      %dma_wait3A_164 = tpu.memref_squeeze %dma_wait3A_163 : memref<1x128xi32, #tpu.memory_space<vmem>> -> memref<128xi32, #tpu.memory_space<vmem>>
      %dma_wait3A_165 = arith.constant 0 : i32
      %dma_wait3A_166 = arith.constant 0 : i32
      %dma_wait3A_167 = tpu.memref_slice %arg2[%dma_wait3A_165, %dma_wait3A_166] : memref<10240x64xf32, #tpu.memory_space<hbm>> -> memref<10240x64xf32, #tpu.memory_space<hbm>>
      tpu.wait_indirect_dma semaphore(%arg13 : memref<!tpu.dma_semaphore, #tpu.memory_space<semaphore_mem>>) src(%dma_wait3A_167 : memref<10240x64xf32, #tpu.memory_space<hbm>>) dst(%dma_wait3A_161 : memref<128x64xf32, #tpu.memory_space<vmem>>)
      %dma_start3A_168 = arith.constant 1 : i32
      %dma_start3A_169 = arith.constant 0 : i32
      %dma_start3A_170 = arith.constant 0 : i32
      %dma_start3A_171 = tpu.memref_slice %arg9[%dma_start3A_168, %dma_start3A_169, %dma_start3A_170] : memref<4x128x64xf32, #tpu.memory_space<vmem>> -> memref<1x128x64xf32, #tpu.memory_space<vmem>>
      %dma_start3A_172 = tpu.memref_squeeze %dma_start3A_171 : memref<1x128x64xf32, #tpu.memory_space<vmem>> -> memref<128x64xf32, #tpu.memory_space<vmem>>
      %dma_start3A_173 = arith.constant 0 : i32
      %dma_start3A_174 = tpu.memref_slice %arg8[%add3A_139, %dma_start3A_173] : memref<80x128xi32, #tpu.memory_space<vmem>> -> memref<1x128xi32, #tpu.memory_space<vmem>>
      %dma_start3A_175 = tpu.memref_squeeze %dma_start3A_174 : memref<1x128xi32, #tpu.memory_space<vmem>> -> memref<128xi32, #tpu.memory_space<vmem>>
      %dma_start3A_176 = arith.constant 0 : i32
      %dma_start3A_177 = arith.constant 0 : i32
      %dma_start3A_178 = tpu.memref_slice %arg10[%dma_start3A_176, %dma_start3A_177] : memref<10240x64xf32, #tpu.memory_space<vmem_shared>> -> memref<10240x64xf32, #tpu.memory_space<vmem_shared>>
      tpu.enqueue_indirect_dma source(%dma_start3A_172 : memref<128x64xf32, #tpu.memory_space<vmem>>) target(%dma_start3A_178 : memref<10240x64xf32, #tpu.memory_space<vmem_shared>>) offsets(%dma_start3A_175 : memref<128xi32, #tpu.memory_space<vmem>>) semaphore(%arg17 : memref<!tpu.dma_semaphore, #tpu.memory_space<semaphore_mem>>) {add = true}
      %mul3A_179 = arith.constant 4 : i32
      %mul3A_180 = arith.muli %scan3A_99, %mul3A_179 : i32
      %add3A_181 = arith.constant 2 : i32
      %add3A_182 = arith.addi %mul3A_180, %add3A_181 : i32
      %ge3A_183 = arith.constant 1 : i32
      %ge3A_184 = arith.cmpi sge, %add3A_182, %ge3A_183 : i32
      %add3A_185 = arith.constant 4 : i32
      %add3A_186 = arith.addi %add3A_182, %add3A_185 : i32
      %sub3A_187 = arith.constant 1 : i32
      %sub3A_188 = arith.subi %add3A_186, %sub3A_187 : i32
      %lt3A_189 = arith.constant 80 : i32
      %lt3A_190 = arith.cmpi slt, %sub3A_188, %lt3A_189 : i32
      %and3A_191 = arith.andi %ge3A_184, %lt3A_190 : i1
      %convert_element_type3A_192 = arith.extui %and3A_191 : i1 to i32
      %cond3A_193 = arith.constant 0 : i32
      %cond3A_194 = arith.cmpi ne, %convert_element_type3A_192, %cond3A_193 : i32
      scf.if %cond3A_194 {
        %sub3A_265 = arith.constant 1 : i32
        %sub3A_266 = arith.subi %add3A_182, %sub3A_265 : i32
        %dma_wait3A_267 = arith.constant 1 : i32
        %dma_wait3A_268 = arith.constant 0 : i32
        %dma_wait3A_269 = arith.constant 0 : i32
        %dma_wait3A_270 = tpu.memref_slice %arg9[%dma_wait3A_267, %dma_wait3A_268, %dma_wait3A_269] : memref<4x128x64xf32, #tpu.memory_space<vmem>> -> memref<1x128x64xf32, #tpu.memory_space<vmem>>
        %dma_wait3A_271 = tpu.memref_squeeze %dma_wait3A_270 : memref<1x128x64xf32, #tpu.memory_space<vmem>> -> memref<128x64xf32, #tpu.memory_space<vmem>>
        %dma_wait3A_272 = arith.constant 0 : i32
        %dma_wait3A_273 = tpu.memref_slice %arg8[%sub3A_266, %dma_wait3A_272] : memref<80x128xi32, #tpu.memory_space<vmem>> -> memref<1x128xi32, #tpu.memory_space<vmem>>
        %dma_wait3A_274 = tpu.memref_squeeze %dma_wait3A_273 : memref<1x128xi32, #tpu.memory_space<vmem>> -> memref<128xi32, #tpu.memory_space<vmem>>
        %dma_wait3A_275 = arith.constant 0 : i32
        %dma_wait3A_276 = arith.constant 0 : i32
        %dma_wait3A_277 = tpu.memref_slice %arg10[%dma_wait3A_275, %dma_wait3A_276] : memref<10240x64xf32, #tpu.memory_space<vmem_shared>> -> memref<10240x64xf32, #tpu.memory_space<vmem_shared>>
        tpu.wait_indirect_dma semaphore(%arg17 : memref<!tpu.dma_semaphore, #tpu.memory_space<semaphore_mem>>) src(%dma_wait3A_271 : memref<128x64xf32, #tpu.memory_space<vmem>>) dst(%dma_wait3A_277 : memref<10240x64xf32, #tpu.memory_space<vmem_shared>>)
        %add3A_278 = arith.constant 4 : i32
        %add3A_279 = arith.addi %add3A_182, %add3A_278 : i32
        %sub3A_280 = arith.constant 1 : i32
        %sub3A_281 = arith.subi %add3A_279, %sub3A_280 : i32
        %dma_start3A_282 = arith.constant 1 : i32
        %dma_start3A_283 = arith.constant 0 : i32
        %dma_start3A_284 = arith.constant 0 : i32
        %dma_start3A_285 = tpu.memref_slice %arg9[%dma_start3A_282, %dma_start3A_283, %dma_start3A_284] : memref<4x128x64xf32, #tpu.memory_space<vmem>> -> memref<1x128x64xf32, #tpu.memory_space<vmem>>
        %dma_start3A_286 = tpu.memref_squeeze %dma_start3A_285 : memref<1x128x64xf32, #tpu.memory_space<vmem>> -> memref<128x64xf32, #tpu.memory_space<vmem>>
        %dma_start3A_287 = arith.constant 0 : i32
        %dma_start3A_288 = tpu.memref_slice %arg7[%sub3A_281, %dma_start3A_287] : memref<80x128xi32, #tpu.memory_space<vmem>> -> memref<1x128xi32, #tpu.memory_space<vmem>>
        %dma_start3A_289 = tpu.memref_squeeze %dma_start3A_288 : memref<1x128xi32, #tpu.memory_space<vmem>> -> memref<128xi32, #tpu.memory_space<vmem>>
        %dma_start3A_290 = arith.constant 0 : i32
        %dma_start3A_291 = arith.constant 0 : i32
        %dma_start3A_292 = tpu.memref_slice %arg2[%dma_start3A_290, %dma_start3A_291] : memref<10240x64xf32, #tpu.memory_space<hbm>> -> memref<10240x64xf32, #tpu.memory_space<hbm>>
        tpu.enqueue_indirect_dma source(%dma_start3A_292 : memref<10240x64xf32, #tpu.memory_space<hbm>>) target(%dma_start3A_286 : memref<128x64xf32, #tpu.memory_space<vmem>>) offsets(%dma_start3A_289 : memref<128xi32, #tpu.memory_space<vmem>>) semaphore(%arg13 : memref<!tpu.dma_semaphore, #tpu.memory_space<semaphore_mem>>)
      } else {
      }
      %eq3A_195 = arith.constant 0 : i32
      %eq3A_196 = arith.cmpi eq, %add3A_182, %eq3A_195 : i32
      %convert_element_type3A_197 = arith.extui %eq3A_196 : i1 to i32
      %cond3A_198 = arith.constant 0 : i32
      %cond3A_199 = arith.cmpi ne, %convert_element_type3A_197, %cond3A_198 : i32
      scf.if %cond3A_199 {
        %dma_start3A_265 = arith.constant 3 : i32
        %dma_start3A_266 = arith.constant 3 : i32
        %dma_start3A_267 = arith.constant 0 : i32
        %dma_start3A_268 = arith.constant 0 : i32
        %dma_start3A_269 = tpu.memref_slice %arg9[%dma_start3A_266, %dma_start3A_267, %dma_start3A_268] : memref<4x128x64xf32, #tpu.memory_space<vmem>> -> memref<1x128x64xf32, #tpu.memory_space<vmem>>
        %dma_start3A_270 = tpu.memref_squeeze %dma_start3A_269 : memref<1x128x64xf32, #tpu.memory_space<vmem>> -> memref<128x64xf32, #tpu.memory_space<vmem>>
        %dma_start3A_271 = arith.constant 0 : i32
        %dma_start3A_272 = tpu.memref_slice %arg7[%dma_start3A_265, %dma_start3A_271] : memref<80x128xi32, #tpu.memory_space<vmem>> -> memref<1x128xi32, #tpu.memory_space<vmem>>
        %dma_start3A_273 = tpu.memref_squeeze %dma_start3A_272 : memref<1x128xi32, #tpu.memory_space<vmem>> -> memref<128xi32, #tpu.memory_space<vmem>>
        %dma_start3A_274 = arith.constant 0 : i32
        %dma_start3A_275 = arith.constant 0 : i32
        %dma_start3A_276 = tpu.memref_slice %arg2[%dma_start3A_274, %dma_start3A_275] : memref<10240x64xf32, #tpu.memory_space<hbm>> -> memref<10240x64xf32, #tpu.memory_space<hbm>>
        tpu.enqueue_indirect_dma source(%dma_start3A_276 : memref<10240x64xf32, #tpu.memory_space<hbm>>) target(%dma_start3A_270 : memref<128x64xf32, #tpu.memory_space<vmem>>) offsets(%dma_start3A_273 : memref<128xi32, #tpu.memory_space<vmem>>) semaphore(%arg15 : memref<!tpu.dma_semaphore, #tpu.memory_space<semaphore_mem>>)
      } else {
      }
      %dma_wait3A_200 = arith.constant 2 : i32
      %dma_wait3A_201 = arith.constant 0 : i32
      %dma_wait3A_202 = arith.constant 0 : i32
      %dma_wait3A_203 = tpu.memref_slice %arg9[%dma_wait3A_200, %dma_wait3A_201, %dma_wait3A_202] : memref<4x128x64xf32, #tpu.memory_space<vmem>> -> memref<1x128x64xf32, #tpu.memory_space<vmem>>
      %dma_wait3A_204 = tpu.memref_squeeze %dma_wait3A_203 : memref<1x128x64xf32, #tpu.memory_space<vmem>> -> memref<128x64xf32, #tpu.memory_space<vmem>>
      %dma_wait3A_205 = arith.constant 0 : i32
      %dma_wait3A_206 = tpu.memref_slice %arg7[%add3A_182, %dma_wait3A_205] : memref<80x128xi32, #tpu.memory_space<vmem>> -> memref<1x128xi32, #tpu.memory_space<vmem>>
      %dma_wait3A_207 = tpu.memref_squeeze %dma_wait3A_206 : memref<1x128xi32, #tpu.memory_space<vmem>> -> memref<128xi32, #tpu.memory_space<vmem>>
      %dma_wait3A_208 = arith.constant 0 : i32
      %dma_wait3A_209 = arith.constant 0 : i32
      %dma_wait3A_210 = tpu.memref_slice %arg2[%dma_wait3A_208, %dma_wait3A_209] : memref<10240x64xf32, #tpu.memory_space<hbm>> -> memref<10240x64xf32, #tpu.memory_space<hbm>>
      tpu.wait_indirect_dma semaphore(%arg14 : memref<!tpu.dma_semaphore, #tpu.memory_space<semaphore_mem>>) src(%dma_wait3A_210 : memref<10240x64xf32, #tpu.memory_space<hbm>>) dst(%dma_wait3A_204 : memref<128x64xf32, #tpu.memory_space<vmem>>)
      %dma_start3A_211 = arith.constant 2 : i32
      %dma_start3A_212 = arith.constant 0 : i32
      %dma_start3A_213 = arith.constant 0 : i32
      %dma_start3A_214 = tpu.memref_slice %arg9[%dma_start3A_211, %dma_start3A_212, %dma_start3A_213] : memref<4x128x64xf32, #tpu.memory_space<vmem>> -> memref<1x128x64xf32, #tpu.memory_space<vmem>>
      %dma_start3A_215 = tpu.memref_squeeze %dma_start3A_214 : memref<1x128x64xf32, #tpu.memory_space<vmem>> -> memref<128x64xf32, #tpu.memory_space<vmem>>
      %dma_start3A_216 = arith.constant 0 : i32
      %dma_start3A_217 = tpu.memref_slice %arg8[%add3A_182, %dma_start3A_216] : memref<80x128xi32, #tpu.memory_space<vmem>> -> memref<1x128xi32, #tpu.memory_space<vmem>>
      %dma_start3A_218 = tpu.memref_squeeze %dma_start3A_217 : memref<1x128xi32, #tpu.memory_space<vmem>> -> memref<128xi32, #tpu.memory_space<vmem>>
      %dma_start3A_219 = arith.constant 0 : i32
      %dma_start3A_220 = arith.constant 0 : i32
      %dma_start3A_221 = tpu.memref_slice %arg10[%dma_start3A_219, %dma_start3A_220] : memref<10240x64xf32, #tpu.memory_space<vmem_shared>> -> memref<10240x64xf32, #tpu.memory_space<vmem_shared>>
      tpu.enqueue_indirect_dma source(%dma_start3A_215 : memref<128x64xf32, #tpu.memory_space<vmem>>) target(%dma_start3A_221 : memref<10240x64xf32, #tpu.memory_space<vmem_shared>>) offsets(%dma_start3A_218 : memref<128xi32, #tpu.memory_space<vmem>>) semaphore(%arg18 : memref<!tpu.dma_semaphore, #tpu.memory_space<semaphore_mem>>) {add = true}
      %mul3A_222 = arith.constant 4 : i32
      %mul3A_223 = arith.muli %scan3A_99, %mul3A_222 : i32
      %add3A_224 = arith.constant 3 : i32
      %add3A_225 = arith.addi %mul3A_223, %add3A_224 : i32
      %ge3A_226 = arith.constant 1 : i32
      %ge3A_227 = arith.cmpi sge, %add3A_225, %ge3A_226 : i32
      %add3A_228 = arith.constant 4 : i32
      %add3A_229 = arith.addi %add3A_225, %add3A_228 : i32
      %sub3A_230 = arith.constant 1 : i32
      %sub3A_231 = arith.subi %add3A_229, %sub3A_230 : i32
      %lt3A_232 = arith.constant 80 : i32
      %lt3A_233 = arith.cmpi slt, %sub3A_231, %lt3A_232 : i32
      %and3A_234 = arith.andi %ge3A_227, %lt3A_233 : i1
      %convert_element_type3A_235 = arith.extui %and3A_234 : i1 to i32
      %cond3A_236 = arith.constant 0 : i32
      %cond3A_237 = arith.cmpi ne, %convert_element_type3A_235, %cond3A_236 : i32
      scf.if %cond3A_237 {
        %sub3A_265 = arith.constant 1 : i32
        %sub3A_266 = arith.subi %add3A_225, %sub3A_265 : i32
        %dma_wait3A_267 = arith.constant 2 : i32
        %dma_wait3A_268 = arith.constant 0 : i32
        %dma_wait3A_269 = arith.constant 0 : i32
        %dma_wait3A_270 = tpu.memref_slice %arg9[%dma_wait3A_267, %dma_wait3A_268, %dma_wait3A_269] : memref<4x128x64xf32, #tpu.memory_space<vmem>> -> memref<1x128x64xf32, #tpu.memory_space<vmem>>
        %dma_wait3A_271 = tpu.memref_squeeze %dma_wait3A_270 : memref<1x128x64xf32, #tpu.memory_space<vmem>> -> memref<128x64xf32, #tpu.memory_space<vmem>>
        %dma_wait3A_272 = arith.constant 0 : i32
        %dma_wait3A_273 = tpu.memref_slice %arg8[%sub3A_266, %dma_wait3A_272] : memref<80x128xi32, #tpu.memory_space<vmem>> -> memref<1x128xi32, #tpu.memory_space<vmem>>
        %dma_wait3A_274 = tpu.memref_squeeze %dma_wait3A_273 : memref<1x128xi32, #tpu.memory_space<vmem>> -> memref<128xi32, #tpu.memory_space<vmem>>
        %dma_wait3A_275 = arith.constant 0 : i32
        %dma_wait3A_276 = arith.constant 0 : i32
        %dma_wait3A_277 = tpu.memref_slice %arg10[%dma_wait3A_275, %dma_wait3A_276] : memref<10240x64xf32, #tpu.memory_space<vmem_shared>> -> memref<10240x64xf32, #tpu.memory_space<vmem_shared>>
        tpu.wait_indirect_dma semaphore(%arg18 : memref<!tpu.dma_semaphore, #tpu.memory_space<semaphore_mem>>) src(%dma_wait3A_271 : memref<128x64xf32, #tpu.memory_space<vmem>>) dst(%dma_wait3A_277 : memref<10240x64xf32, #tpu.memory_space<vmem_shared>>)
        %add3A_278 = arith.constant 4 : i32
        %add3A_279 = arith.addi %add3A_225, %add3A_278 : i32
        %sub3A_280 = arith.constant 1 : i32
        %sub3A_281 = arith.subi %add3A_279, %sub3A_280 : i32
        %dma_start3A_282 = arith.constant 2 : i32
        %dma_start3A_283 = arith.constant 0 : i32
        %dma_start3A_284 = arith.constant 0 : i32
        %dma_start3A_285 = tpu.memref_slice %arg9[%dma_start3A_282, %dma_start3A_283, %dma_start3A_284] : memref<4x128x64xf32, #tpu.memory_space<vmem>> -> memref<1x128x64xf32, #tpu.memory_space<vmem>>
        %dma_start3A_286 = tpu.memref_squeeze %dma_start3A_285 : memref<1x128x64xf32, #tpu.memory_space<vmem>> -> memref<128x64xf32, #tpu.memory_space<vmem>>
        %dma_start3A_287 = arith.constant 0 : i32
        %dma_start3A_288 = tpu.memref_slice %arg7[%sub3A_281, %dma_start3A_287] : memref<80x128xi32, #tpu.memory_space<vmem>> -> memref<1x128xi32, #tpu.memory_space<vmem>>
        %dma_start3A_289 = tpu.memref_squeeze %dma_start3A_288 : memref<1x128xi32, #tpu.memory_space<vmem>> -> memref<128xi32, #tpu.memory_space<vmem>>
        %dma_start3A_290 = arith.constant 0 : i32
        %dma_start3A_291 = arith.constant 0 : i32
        %dma_start3A_292 = tpu.memref_slice %arg2[%dma_start3A_290, %dma_start3A_291] : memref<10240x64xf32, #tpu.memory_space<hbm>> -> memref<10240x64xf32, #tpu.memory_space<hbm>>
        tpu.enqueue_indirect_dma source(%dma_start3A_292 : memref<10240x64xf32, #tpu.memory_space<hbm>>) target(%dma_start3A_286 : memref<128x64xf32, #tpu.memory_space<vmem>>) offsets(%dma_start3A_289 : memref<128xi32, #tpu.memory_space<vmem>>) semaphore(%arg14 : memref<!tpu.dma_semaphore, #tpu.memory_space<semaphore_mem>>)
      } else {
      }
      %eq3A_238 = arith.constant 0 : i32
      %eq3A_239 = arith.cmpi eq, %add3A_225, %eq3A_238 : i32
      %convert_element_type3A_240 = arith.extui %eq3A_239 : i1 to i32
      %cond3A_241 = arith.constant 0 : i32
      %cond3A_242 = arith.cmpi ne, %convert_element_type3A_240, %cond3A_241 : i32
      scf.if %cond3A_242 {
        %dma_start3A_265 = arith.constant 3 : i32
        %dma_start3A_266 = arith.constant 3 : i32
        %dma_start3A_267 = arith.constant 0 : i32
        %dma_start3A_268 = arith.constant 0 : i32
        %dma_start3A_269 = tpu.memref_slice %arg9[%dma_start3A_266, %dma_start3A_267, %dma_start3A_268] : memref<4x128x64xf32, #tpu.memory_space<vmem>> -> memref<1x128x64xf32, #tpu.memory_space<vmem>>
        %dma_start3A_270 = tpu.memref_squeeze %dma_start3A_269 : memref<1x128x64xf32, #tpu.memory_space<vmem>> -> memref<128x64xf32, #tpu.memory_space<vmem>>
        %dma_start3A_271 = arith.constant 0 : i32
        %dma_start3A_272 = tpu.memref_slice %arg7[%dma_start3A_265, %dma_start3A_271] : memref<80x128xi32, #tpu.memory_space<vmem>> -> memref<1x128xi32, #tpu.memory_space<vmem>>
        %dma_start3A_273 = tpu.memref_squeeze %dma_start3A_272 : memref<1x128xi32, #tpu.memory_space<vmem>> -> memref<128xi32, #tpu.memory_space<vmem>>
        %dma_start3A_274 = arith.constant 0 : i32
        %dma_start3A_275 = arith.constant 0 : i32
        %dma_start3A_276 = tpu.memref_slice %arg2[%dma_start3A_274, %dma_start3A_275] : memref<10240x64xf32, #tpu.memory_space<hbm>> -> memref<10240x64xf32, #tpu.memory_space<hbm>>
        tpu.enqueue_indirect_dma source(%dma_start3A_276 : memref<10240x64xf32, #tpu.memory_space<hbm>>) target(%dma_start3A_270 : memref<128x64xf32, #tpu.memory_space<vmem>>) offsets(%dma_start3A_273 : memref<128xi32, #tpu.memory_space<vmem>>) semaphore(%arg15 : memref<!tpu.dma_semaphore, #tpu.memory_space<semaphore_mem>>)
      } else {
      }
      %dma_wait3A_243 = arith.constant 3 : i32
      %dma_wait3A_244 = arith.constant 0 : i32
      %dma_wait3A_245 = arith.constant 0 : i32
      %dma_wait3A_246 = tpu.memref_slice %arg9[%dma_wait3A_243, %dma_wait3A_244, %dma_wait3A_245] : memref<4x128x64xf32, #tpu.memory_space<vmem>> -> memref<1x128x64xf32, #tpu.memory_space<vmem>>
      %dma_wait3A_247 = tpu.memref_squeeze %dma_wait3A_246 : memref<1x128x64xf32, #tpu.memory_space<vmem>> -> memref<128x64xf32, #tpu.memory_space<vmem>>
      %dma_wait3A_248 = arith.constant 0 : i32
      %dma_wait3A_249 = tpu.memref_slice %arg7[%add3A_225, %dma_wait3A_248] : memref<80x128xi32, #tpu.memory_space<vmem>> -> memref<1x128xi32, #tpu.memory_space<vmem>>
      %dma_wait3A_250 = tpu.memref_squeeze %dma_wait3A_249 : memref<1x128xi32, #tpu.memory_space<vmem>> -> memref<128xi32, #tpu.memory_space<vmem>>
      %dma_wait3A_251 = arith.constant 0 : i32
      %dma_wait3A_252 = arith.constant 0 : i32
      %dma_wait3A_253 = tpu.memref_slice %arg2[%dma_wait3A_251, %dma_wait3A_252] : memref<10240x64xf32, #tpu.memory_space<hbm>> -> memref<10240x64xf32, #tpu.memory_space<hbm>>
      tpu.wait_indirect_dma semaphore(%arg15 : memref<!tpu.dma_semaphore, #tpu.memory_space<semaphore_mem>>) src(%dma_wait3A_253 : memref<10240x64xf32, #tpu.memory_space<hbm>>) dst(%dma_wait3A_247 : memref<128x64xf32, #tpu.memory_space<vmem>>)
      %dma_start3A_254 = arith.constant 3 : i32
      %dma_start3A_255 = arith.constant 0 : i32
      %dma_start3A_256 = arith.constant 0 : i32
      %dma_start3A_257 = tpu.memref_slice %arg9[%dma_start3A_254, %dma_start3A_255, %dma_start3A_256] : memref<4x128x64xf32, #tpu.memory_space<vmem>> -> memref<1x128x64xf32, #tpu.memory_space<vmem>>
      %dma_start3A_258 = tpu.memref_squeeze %dma_start3A_257 : memref<1x128x64xf32, #tpu.memory_space<vmem>> -> memref<128x64xf32, #tpu.memory_space<vmem>>
      %dma_start3A_259 = arith.constant 0 : i32
      %dma_start3A_260 = tpu.memref_slice %arg8[%add3A_225, %dma_start3A_259] : memref<80x128xi32, #tpu.memory_space<vmem>> -> memref<1x128xi32, #tpu.memory_space<vmem>>
      %dma_start3A_261 = tpu.memref_squeeze %dma_start3A_260 : memref<1x128xi32, #tpu.memory_space<vmem>> -> memref<128xi32, #tpu.memory_space<vmem>>
      %dma_start3A_262 = arith.constant 0 : i32
      %dma_start3A_263 = arith.constant 0 : i32
      %dma_start3A_264 = tpu.memref_slice %arg10[%dma_start3A_262, %dma_start3A_263] : memref<10240x64xf32, #tpu.memory_space<vmem_shared>> -> memref<10240x64xf32, #tpu.memory_space<vmem_shared>>
      tpu.enqueue_indirect_dma source(%dma_start3A_258 : memref<128x64xf32, #tpu.memory_space<vmem>>) target(%dma_start3A_264 : memref<10240x64xf32, #tpu.memory_space<vmem_shared>>) offsets(%dma_start3A_261 : memref<128xi32, #tpu.memory_space<vmem>>) semaphore(%arg19 : memref<!tpu.dma_semaphore, #tpu.memory_space<semaphore_mem>>) {add = true}
    }
    %scan3A_49 = arith.constant 20 : i32
    %dma_wait3A_50 = arith.constant 0 : i32
    %dma_wait3A_51 = arith.constant 76 : i32
    %dma_wait3A_52 = arith.constant 0 : i32
    %dma_wait3A_53 = arith.constant 0 : i32
    %dma_wait3A_54 = tpu.memref_slice %arg9[%dma_wait3A_50, %dma_wait3A_52, %dma_wait3A_53] : memref<4x128x64xf32, #tpu.memory_space<vmem>> -> memref<1x128x64xf32, #tpu.memory_space<vmem>>
    %dma_wait3A_55 = tpu.memref_squeeze %dma_wait3A_54 : memref<1x128x64xf32, #tpu.memory_space<vmem>> -> memref<128x64xf32, #tpu.memory_space<vmem>>
    %dma_wait3A_56 = arith.constant 0 : i32
    %dma_wait3A_57 = tpu.memref_slice %arg8[%dma_wait3A_51, %dma_wait3A_56] : memref<80x128xi32, #tpu.memory_space<vmem>> -> memref<1x128xi32, #tpu.memory_space<vmem>>
    %dma_wait3A_58 = tpu.memref_squeeze %dma_wait3A_57 : memref<1x128xi32, #tpu.memory_space<vmem>> -> memref<128xi32, #tpu.memory_space<vmem>>
    %dma_wait3A_59 = arith.constant 0 : i32
    %dma_wait3A_60 = arith.constant 0 : i32
    %dma_wait3A_61 = tpu.memref_slice %arg10[%dma_wait3A_59, %dma_wait3A_60] : memref<10240x64xf32, #tpu.memory_space<vmem_shared>> -> memref<10240x64xf32, #tpu.memory_space<vmem_shared>>
    tpu.wait_indirect_dma semaphore(%arg16 : memref<!tpu.dma_semaphore, #tpu.memory_space<semaphore_mem>>) src(%dma_wait3A_55 : memref<128x64xf32, #tpu.memory_space<vmem>>) dst(%dma_wait3A_61 : memref<10240x64xf32, #tpu.memory_space<vmem_shared>>)
    %dma_wait3A_62 = arith.constant 1 : i32
    %dma_wait3A_63 = arith.constant 77 : i32
    %dma_wait3A_64 = arith.constant 0 : i32
    %dma_wait3A_65 = arith.constant 0 : i32
    %dma_wait3A_66 = tpu.memref_slice %arg9[%dma_wait3A_62, %dma_wait3A_64, %dma_wait3A_65] : memref<4x128x64xf32, #tpu.memory_space<vmem>> -> memref<1x128x64xf32, #tpu.memory_space<vmem>>
    %dma_wait3A_67 = tpu.memref_squeeze %dma_wait3A_66 : memref<1x128x64xf32, #tpu.memory_space<vmem>> -> memref<128x64xf32, #tpu.memory_space<vmem>>
    %dma_wait3A_68 = arith.constant 0 : i32
    %dma_wait3A_69 = tpu.memref_slice %arg8[%dma_wait3A_63, %dma_wait3A_68] : memref<80x128xi32, #tpu.memory_space<vmem>> -> memref<1x128xi32, #tpu.memory_space<vmem>>
    %dma_wait3A_70 = tpu.memref_squeeze %dma_wait3A_69 : memref<1x128xi32, #tpu.memory_space<vmem>> -> memref<128xi32, #tpu.memory_space<vmem>>
    %dma_wait3A_71 = arith.constant 0 : i32
    %dma_wait3A_72 = arith.constant 0 : i32
    %dma_wait3A_73 = tpu.memref_slice %arg10[%dma_wait3A_71, %dma_wait3A_72] : memref<10240x64xf32, #tpu.memory_space<vmem_shared>> -> memref<10240x64xf32, #tpu.memory_space<vmem_shared>>
    tpu.wait_indirect_dma semaphore(%arg17 : memref<!tpu.dma_semaphore, #tpu.memory_space<semaphore_mem>>) src(%dma_wait3A_67 : memref<128x64xf32, #tpu.memory_space<vmem>>) dst(%dma_wait3A_73 : memref<10240x64xf32, #tpu.memory_space<vmem_shared>>)
    %dma_wait3A_74 = arith.constant 2 : i32
    %dma_wait3A_75 = arith.constant 78 : i32
    %dma_wait3A_76 = arith.constant 0 : i32
    %dma_wait3A_77 = arith.constant 0 : i32
    %dma_wait3A_78 = tpu.memref_slice %arg9[%dma_wait3A_74, %dma_wait3A_76, %dma_wait3A_77] : memref<4x128x64xf32, #tpu.memory_space<vmem>> -> memref<1x128x64xf32, #tpu.memory_space<vmem>>
    %dma_wait3A_79 = tpu.memref_squeeze %dma_wait3A_78 : memref<1x128x64xf32, #tpu.memory_space<vmem>> -> memref<128x64xf32, #tpu.memory_space<vmem>>
    %dma_wait3A_80 = arith.constant 0 : i32
    %dma_wait3A_81 = tpu.memref_slice %arg8[%dma_wait3A_75, %dma_wait3A_80] : memref<80x128xi32, #tpu.memory_space<vmem>> -> memref<1x128xi32, #tpu.memory_space<vmem>>
    %dma_wait3A_82 = tpu.memref_squeeze %dma_wait3A_81 : memref<1x128xi32, #tpu.memory_space<vmem>> -> memref<128xi32, #tpu.memory_space<vmem>>
    %dma_wait3A_83 = arith.constant 0 : i32
    %dma_wait3A_84 = arith.constant 0 : i32
    %dma_wait3A_85 = tpu.memref_slice %arg10[%dma_wait3A_83, %dma_wait3A_84] : memref<10240x64xf32, #tpu.memory_space<vmem_shared>> -> memref<10240x64xf32, #tpu.memory_space<vmem_shared>>
    tpu.wait_indirect_dma semaphore(%arg18 : memref<!tpu.dma_semaphore, #tpu.memory_space<semaphore_mem>>) src(%dma_wait3A_79 : memref<128x64xf32, #tpu.memory_space<vmem>>) dst(%dma_wait3A_85 : memref<10240x64xf32, #tpu.memory_space<vmem_shared>>)
    %dma_wait3A_86 = arith.constant 3 : i32
    %dma_wait3A_87 = arith.constant 79 : i32
    %dma_wait3A_88 = arith.constant 0 : i32
    %dma_wait3A_89 = arith.constant 0 : i32
    %dma_wait3A_90 = tpu.memref_slice %arg9[%dma_wait3A_86, %dma_wait3A_88, %dma_wait3A_89] : memref<4x128x64xf32, #tpu.memory_space<vmem>> -> memref<1x128x64xf32, #tpu.memory_space<vmem>>
    %dma_wait3A_91 = tpu.memref_squeeze %dma_wait3A_90 : memref<1x128x64xf32, #tpu.memory_space<vmem>> -> memref<128x64xf32, #tpu.memory_space<vmem>>
    %dma_wait3A_92 = arith.constant 0 : i32
    %dma_wait3A_93 = tpu.memref_slice %arg8[%dma_wait3A_87, %dma_wait3A_92] : memref<80x128xi32, #tpu.memory_space<vmem>> -> memref<1x128xi32, #tpu.memory_space<vmem>>
    %dma_wait3A_94 = tpu.memref_squeeze %dma_wait3A_93 : memref<1x128xi32, #tpu.memory_space<vmem>> -> memref<128xi32, #tpu.memory_space<vmem>>
    %dma_wait3A_95 = arith.constant 0 : i32
    %dma_wait3A_96 = arith.constant 0 : i32
    %dma_wait3A_97 = tpu.memref_slice %arg10[%dma_wait3A_95, %dma_wait3A_96] : memref<10240x64xf32, #tpu.memory_space<vmem_shared>> -> memref<10240x64xf32, #tpu.memory_space<vmem_shared>>
    tpu.wait_indirect_dma semaphore(%arg19 : memref<!tpu.dma_semaphore, #tpu.memory_space<semaphore_mem>>) src(%dma_wait3A_91 : memref<128x64xf32, #tpu.memory_space<vmem>>) dst(%dma_wait3A_97 : memref<10240x64xf32, #tpu.memory_space<vmem_shared>>)
    %barrier3A_98 = arith.constant 0 : index
    tpu.barrier barrier_id(%barrier3A_98)
    "tpu.region"() ({
      %run_scoped3A = tpu.sem_alloc : memref<!tpu.dma_semaphore, #tpu.memory_space<semaphore_mem>>
      %dma_start3A_99 = arith.constant 0 : i32
      %dma_start3A_100 = tpu.memref_slice %arg6[%arg0, %mul3A_2, %dma_start3A_99] : memref<2x10240x64xf32, #tpu.memory_space<hbm>> -> memref<1x640x64xf32, #tpu.memory_space<hbm>>
      %dma_start3A_101 = tpu.memref_squeeze %dma_start3A_100 : memref<1x640x64xf32, #tpu.memory_space<hbm>> -> memref<640x64xf32, #tpu.memory_space<hbm>>
      %dma_start3A_102 = arith.constant 0 : i32
      %dma_start3A_103 = tpu.memref_slice %arg10[%mul3A_2, %dma_start3A_102] : memref<10240x64xf32, #tpu.memory_space<vmem_shared>> -> memref<640x64xf32, #tpu.memory_space<vmem_shared>>
      tpu.enqueue_dma source(%dma_start3A_103 : memref<640x64xf32, #tpu.memory_space<vmem_shared>>) target(%dma_start3A_101 : memref<640x64xf32, #tpu.memory_space<hbm>>) target_semaphore(%run_scoped3A : memref<!tpu.dma_semaphore, #tpu.memory_space<semaphore_mem>>)
      %dma_wait3A_104 = arith.constant 0 : i32
      %dma_wait3A_105 = tpu.memref_slice %arg6[%arg0, %mul3A_2, %dma_wait3A_104] : memref<2x10240x64xf32, #tpu.memory_space<hbm>> -> memref<1x640x64xf32, #tpu.memory_space<hbm>>
      %dma_wait3A_106 = tpu.memref_squeeze %dma_wait3A_105 : memref<1x640x64xf32, #tpu.memory_space<hbm>> -> memref<640x64xf32, #tpu.memory_space<hbm>>
      %dma_wait3A_107 = arith.constant 0 : i32
      %dma_wait3A_108 = tpu.memref_slice %arg10[%mul3A_2, %dma_wait3A_107] : memref<10240x64xf32, #tpu.memory_space<vmem_shared>> -> memref<640x64xf32, #tpu.memory_space<vmem_shared>>
      tpu.wait_dma2 semaphore(%run_scoped3A : memref<!tpu.dma_semaphore, #tpu.memory_space<semaphore_mem>>) src(%dma_wait3A_108 : memref<640x64xf32, #tpu.memory_space<vmem_shared>>) dst(%dma_wait3A_106 : memref<640x64xf32, #tpu.memory_space<hbm>>)
      tpu.yield
    }) : () -> ()
    return
  }
}

module attributes {stable_mosaic.version = 14 : i64} {
  func.func @_tc_xw_body(%arg0: memref<5120x256xf32, #tpu.memory_space<vmem>>, %arg1: memref<256x128xf32, #tpu.memory_space<vmem>>, %arg2: memref<5120x128xf32, #tpu.memory_space<vmem>>) attributes {dimension_semantics = [], scalar_prefetch = 0 : i64, scratch_operands = 0 : i64, tpu.core_type = #tpu.core_type<tc>} {
    %get3A = arith.constant 0 : index
    %get3A_0 = arith.constant 0 : index
    %get3A_1 = vector.load %arg0[%get3A, %get3A_0] : memref<5120x256xf32, #tpu.memory_space<vmem>>, vector<5120x256xf32>
    %get3A_2 = arith.constant 0 : index
    %get3A_3 = arith.constant 0 : index
    %get3A_4 = vector.load %arg1[%get3A_2, %get3A_3] : memref<256x128xf32, #tpu.memory_space<vmem>>, vector<256x128xf32>
    %dot_general3A = arith.constant dense<0.000000e+00> : vector<5120x128xf32>
    %dot_general3A_5 = tpu.matmul %get3A_1, %get3A_4, %dot_general3A {dimension_numbers = #tpu.dot_dimension_numbers<[1], [0], [0], [1], [0, 0, 1, 1], [], []>, transpose_lhs_hint = false} : vector<5120x256xf32>, vector<256x128xf32>, vector<5120x128xf32> -> vector<5120x128xf32>
    %swap3A = arith.constant 0 : index
    %swap3A_6 = arith.constant 0 : index
    %swap3A_7 = vector.load %arg2[%swap3A, %swap3A_6] : memref<5120x128xf32, #tpu.memory_space<vmem>>, vector<5120x128xf32>
    tpu.vector_store %arg2[%swap3A, %swap3A_6], %dot_general3A_5 {strides = array<i32>} : memref<5120x128xf32, #tpu.memory_space<vmem>>, vector<5120x128xf32>,
    return
  }
}

module attributes {stable_mosaic.version = 14 : i64} {
  func.func @_tc_scale_body(%arg0: memref<64x5120xf32, #tpu.memory_space<vmem>>, %arg1: memref<64x128xf32, #tpu.memory_space<vmem>>, %arg2: memref<5120x128xf32, #tpu.memory_space<vmem>>, %arg3: memref<5120x128xf32, #tpu.memory_space<vmem>>, %arg4: memref<5120x128xf32, #tpu.memory_space<vmem>>) attributes {dimension_semantics = [], scalar_prefetch = 0 : i64, scratch_operands = 0 : i64, tpu.core_type = #tpu.core_type<tc>} {
    %get3A = arith.constant 0 : index
    %get3A_0 = arith.constant 0 : index
    %get3A_1 = vector.load %arg0[%get3A, %get3A_0] : memref<64x5120xf32, #tpu.memory_space<vmem>>, vector<64x5120xf32>
    %get3A_2 = arith.constant 0 : index
    %get3A_3 = arith.constant 0 : index
    %get3A_4 = vector.load %arg1[%get3A_2, %get3A_3] : memref<64x128xf32, #tpu.memory_space<vmem>>, vector<64x128xf32>
    %dot_general3A = arith.constant dense<0.000000e+00> : vector<5120x128xf32>
    %dot_general3A_5 = tpu.matmul %get3A_1, %get3A_4, %dot_general3A {dimension_numbers = #tpu.dot_dimension_numbers<[0], [0], [1], [1], [0, 1, 1, 1], [], []>, transpose_lhs_hint = false} : vector<64x5120xf32>, vector<64x128xf32>, vector<5120x128xf32> -> vector<5120x128xf32>
    %add3A = arith.constant 1.000000e+00 : f32
    %add3A_6 = vector.broadcast %add3A : f32 to vector<5120x128xf32>
    %add3A_7 = arith.addf %dot_general3A_5, %add3A_6 : vector<5120x128xf32>
    %rsqrt3A = math.rsqrt %add3A_7 : vector<5120x128xf32>
    %get3A_8 = arith.constant 0 : index
    %get3A_9 = arith.constant 0 : index
    %get3A_10 = vector.load %arg2[%get3A_8, %get3A_9] : memref<5120x128xf32, #tpu.memory_space<vmem>>, vector<5120x128xf32>
    %mul3A = arith.mulf %get3A_10, %rsqrt3A : vector<5120x128xf32>
    %swap3A = arith.constant 0 : index
    %swap3A_11 = arith.constant 0 : index
    %swap3A_12 = vector.load %arg3[%swap3A, %swap3A_11] : memref<5120x128xf32, #tpu.memory_space<vmem>>, vector<5120x128xf32>
    tpu.vector_store %arg3[%swap3A, %swap3A_11], %mul3A {strides = array<i32>} : memref<5120x128xf32, #tpu.memory_space<vmem>>, vector<5120x128xf32>,
    %swap3A_13 = arith.constant 0 : index
    %swap3A_14 = arith.constant 0 : index
    %swap3A_15 = vector.load %arg4[%swap3A_13, %swap3A_14] : memref<5120x128xf32, #tpu.memory_space<vmem>>, vector<5120x128xf32>
    tpu.vector_store %arg4[%swap3A_13, %swap3A_14], %rsqrt3A {strides = array<i32>} : memref<5120x128xf32, #tpu.memory_space<vmem>>, vector<5120x128xf32>,
    return
  }
}

module attributes {stable_mosaic.version = 14 : i64} {
  func.func @_tc_mid_body(%arg0: memref<2x5120x128xf32, #tpu.memory_space<vmem>>, %arg1: memref<5120x128xf32, #tpu.memory_space<vmem>>, %arg2: memref<5120x128xf32, #tpu.memory_space<vmem>>, %arg3: memref<1x128xf32, #tpu.memory_space<vmem>>, %arg4: memref<128x128xf32, #tpu.memory_space<vmem>>, %arg5: memref<5120x128xf32, #tpu.memory_space<vmem>>) attributes {dimension_semantics = [], scalar_prefetch = 0 : i64, scratch_operands = 0 : i64, tpu.core_type = #tpu.core_type<tc>} {
    %get3A = arith.constant 0 : index
    %get3A_0 = arith.constant 0 : index
    %get3A_1 = arith.constant 0 : index
    %get3A_2 = vector.load %arg0[%get3A, %get3A_0, %get3A_1] : memref<2x5120x128xf32, #tpu.memory_space<vmem>>, vector<2x5120x128xf32>
    %get3A_3 = arith.constant 0 : index
    %get3A_4 = arith.constant 0 : index
    %get3A_5 = vector.load %arg2[%get3A_3, %get3A_4] : memref<5120x128xf32, #tpu.memory_space<vmem>>, vector<5120x128xf32>
    %slice3A = vector.extract_strided_slice %get3A_2 {offsets = [0, 0, 0], sizes = [1, 5120, 128], strides = [1, 1, 1]} : vector<2x5120x128xf32> to vector<1x5120x128xf32>
    %squeeze3A = vector.shape_cast %slice3A : vector<1x5120x128xf32> to vector<5120x128xf32>
    %slice3A_6 = vector.extract_strided_slice %get3A_2 {offsets = [1, 0, 0], sizes = [1, 5120, 128], strides = [1, 1, 1]} : vector<2x5120x128xf32> to vector<1x5120x128xf32>
    %squeeze3A_7 = vector.shape_cast %slice3A_6 : vector<1x5120x128xf32> to vector<5120x128xf32>
    %add3A = arith.addf %squeeze3A, %squeeze3A_7 : vector<5120x128xf32>
    %get3A_8 = arith.constant 0 : index
    %get3A_9 = arith.constant 0 : index
    %get3A_10 = vector.load %arg1[%get3A_8, %get3A_9] : memref<5120x128xf32, #tpu.memory_space<vmem>>, vector<5120x128xf32>
    %add3A_11 = arith.addf %add3A, %get3A_10 : vector<5120x128xf32>
    %mul3A = arith.mulf %add3A_11, %get3A_5 : vector<5120x128xf32>
    %get3A_12 = arith.constant 0 : index
    %get3A_13 = arith.constant 0 : index
    %get3A_14 = vector.load %arg3[%get3A_12, %get3A_13] : memref<1x128xf32, #tpu.memory_space<vmem>>, vector<1x128xf32>
    %add3A_15 = vector.broadcast %get3A_14 : vector<1x128xf32> to vector<5120x128xf32>
    %add3A_16 = arith.addf %mul3A, %add3A_15 : vector<5120x128xf32>
    %ge3A = arith.constant 0.000000e+00 : f32
    %ge3A_17 = vector.broadcast %ge3A : f32 to vector<5120x128xf32>
    %ge3A_18 = arith.cmpf oge, %add3A_16, %ge3A_17 : vector<5120x128xf32>
    %mul3A_19 = arith.constant 0.00999999977 : f32
    %mul3A_20 = vector.broadcast %mul3A_19 : f32 to vector<5120x128xf32>
    %mul3A_21 = arith.mulf %mul3A_20, %add3A_16 : vector<5120x128xf32>
    %select_n3A = arith.select %ge3A_18, %add3A_16, %mul3A_21 : vector<5120x128xi1>, vector<5120x128xf32>
    %get3A_22 = arith.constant 0 : index
    %get3A_23 = arith.constant 0 : index
    %get3A_24 = vector.load %arg4[%get3A_22, %get3A_23] : memref<128x128xf32, #tpu.memory_space<vmem>>, vector<128x128xf32>
    %dot_general3A = arith.constant dense<0.000000e+00> : vector<5120x128xf32>
    %dot_general3A_25 = tpu.matmul %select_n3A, %get3A_24, %dot_general3A {dimension_numbers = #tpu.dot_dimension_numbers<[1], [0], [0], [1], [0, 0, 1, 1], [], []>, transpose_lhs_hint = false} : vector<5120x128xf32>, vector<128x128xf32>, vector<5120x128xf32> -> vector<5120x128xf32>
    %mul3A_26 = arith.mulf %dot_general3A_25, %get3A_5 : vector<5120x128xf32>
    %swap3A = arith.constant 0 : index
    %swap3A_27 = arith.constant 0 : index
    %swap3A_28 = vector.load %arg5[%swap3A, %swap3A_27] : memref<5120x128xf32, #tpu.memory_space<vmem>>, vector<5120x128xf32>
    tpu.vector_store %arg5[%swap3A, %swap3A_27], %mul3A_26 {strides = array<i32>} : memref<5120x128xf32, #tpu.memory_space<vmem>>, vector<5120x128xf32>,
    return
  }
}

module attributes {stable_mosaic.version = 14 : i64} {
  func.func @_tc_last_body(%arg0: memref<2x5120x128xf32, #tpu.memory_space<vmem>>, %arg1: memref<5120x128xf32, #tpu.memory_space<vmem>>, %arg2: memref<5120x128xf32, #tpu.memory_space<vmem>>, %arg3: memref<1x128xf32, #tpu.memory_space<vmem>>, %arg4: memref<5120x128xf32, #tpu.memory_space<vmem>>) attributes {dimension_semantics = [], scalar_prefetch = 0 : i64, scratch_operands = 0 : i64, tpu.core_type = #tpu.core_type<tc>} {
    %get3A = arith.constant 0 : index
    %get3A_0 = arith.constant 0 : index
    %get3A_1 = arith.constant 0 : index
    %get3A_2 = vector.load %arg0[%get3A, %get3A_0, %get3A_1] : memref<2x5120x128xf32, #tpu.memory_space<vmem>>, vector<2x5120x128xf32>
    %slice3A = vector.extract_strided_slice %get3A_2 {offsets = [0, 0, 0], sizes = [1, 5120, 128], strides = [1, 1, 1]} : vector<2x5120x128xf32> to vector<1x5120x128xf32>
    %squeeze3A = vector.shape_cast %slice3A : vector<1x5120x128xf32> to vector<5120x128xf32>
    %slice3A_3 = vector.extract_strided_slice %get3A_2 {offsets = [1, 0, 0], sizes = [1, 5120, 128], strides = [1, 1, 1]} : vector<2x5120x128xf32> to vector<1x5120x128xf32>
    %squeeze3A_4 = vector.shape_cast %slice3A_3 : vector<1x5120x128xf32> to vector<5120x128xf32>
    %add3A = arith.addf %squeeze3A, %squeeze3A_4 : vector<5120x128xf32>
    %get3A_5 = arith.constant 0 : index
    %get3A_6 = arith.constant 0 : index
    %get3A_7 = vector.load %arg1[%get3A_5, %get3A_6] : memref<5120x128xf32, #tpu.memory_space<vmem>>, vector<5120x128xf32>
    %add3A_8 = arith.addf %add3A, %get3A_7 : vector<5120x128xf32>
    %get3A_9 = arith.constant 0 : index
    %get3A_10 = arith.constant 0 : index
    %get3A_11 = vector.load %arg2[%get3A_9, %get3A_10] : memref<5120x128xf32, #tpu.memory_space<vmem>>, vector<5120x128xf32>
    %mul3A = arith.mulf %add3A_8, %get3A_11 : vector<5120x128xf32>
    %get3A_12 = arith.constant 0 : index
    %get3A_13 = arith.constant 0 : index
    %get3A_14 = vector.load %arg3[%get3A_12, %get3A_13] : memref<1x128xf32, #tpu.memory_space<vmem>>, vector<1x128xf32>
    %add3A_15 = vector.broadcast %get3A_14 : vector<1x128xf32> to vector<5120x128xf32>
    %add3A_16 = arith.addf %mul3A, %add3A_15 : vector<5120x128xf32>
    %ge3A = arith.constant 0.000000e+00 : f32
    %ge3A_17 = vector.broadcast %ge3A : f32 to vector<5120x128xf32>
    %ge3A_18 = arith.cmpf oge, %add3A_16, %ge3A_17 : vector<5120x128xf32>
    %mul3A_19 = arith.constant 0.00999999977 : f32
    %mul3A_20 = vector.broadcast %mul3A_19 : f32 to vector<5120x128xf32>
    %mul3A_21 = arith.mulf %mul3A_20, %add3A_16 : vector<5120x128xf32>
    %select_n3A = arith.select %ge3A_18, %add3A_16, %mul3A_21 : vector<5120x128xi1>, vector<5120x128xf32>
    %swap3A = arith.constant 0 : index
    %swap3A_22 = arith.constant 0 : index
    %swap3A_23 = vector.load %arg4[%swap3A, %swap3A_22] : memref<5120x128xf32, #tpu.memory_space<vmem>>, vector<5120x128xf32>
    tpu.vector_store %arg4[%swap3A, %swap3A_22], %select_n3A {strides = array<i32>} : memref<5120x128xf32, #tpu.memory_space<vmem>>, vector<5120x128xf32>,
    return
  }
}

</mosaic_0001>

<sc_bundles>
// kernel: kernel.11.cloned.1.call-start
scs
__scs_entry_jumppad:
0x0: {  	(pc) =	sbr.rel $0x88, $3  }
0x1: {  	(tag) =	ssettag $0x0;
	lr =	simm.s32 $0x1  }
0x2: {  	[smem:$0x3F99] =	sst lr;
	_ =	strace $0xD0000000  }
0x3: {  	_ = 	snop  }
0x4: {  	_ = 	snop  }
0x5: {  	_ = 	snop  }
0x6: {  	_ = 	snop  }
0x7: {  	_ = 	snop  }
__scs_overlays_trampoline_lowered:
0x8: {  	[smem:$0x3FA8] =	sst s0  }
0x9: {  	[smem:$0x3FA9] =	sst s1  }
0xa: {  	[smem:$0x3FAA] =	sst s2  }
0xb: {  	[smem:$0x3FAB] =	sst s3  }
0xc: {  	[smem:$0x3FAC] =	sst s4  }
0xd: {  	[smem:$0x3FAD] =	sst s5  }
0xe: {  	[smem:$0x3FAE] =	sst s6  }
0xf: {  	[smem:$0x3FAF] =	sst s7  }
0x10: {  	[smem:$0x3FB0] =	sst s8  }
0x11: {  	[smem:$0x3FB1] =	sst s9;
	s0 =	simm.s32 @!p0 $0x0  }
0x12: {  	s1 =	sld [smem:$0x3F97];
	s0 =	simm.s32 @p0 $0x1  }
0x13: {  	[smem:$0x3FB2] =	sst s0;
	s0 =	simm.s32 @!p1 $0x0  }
0x14: {  	s2 =	sld [smem:$0x3F96];
	s0 =	simm.s32 @p1 $0x1  }
0x15: {  	[smem:$0x3FB3] =	sst s0;
	s0 =	simm.s32 @!p2 $0x0  }
0x16: {  	s3 =	sld [smem:$0x3FDB];
	s0 =	simm.s32 @p2 $0x1  }
0x17: {  	s4 =	simm.s32 $0x1BF5;
	[smem:$0x3FB5] =	sst s0  }
0x18: {  	s0 =	sld [smem:$0x3F98];
	_ =	swait.ge [sflag:s4], $0x0  }
0x19: {  	s7 =	sld [smem:$0x3F99]  }
0x1a: {  	s8 =	sadd.s32 $0xFFFFE003, lr  }
0x1b: {  	s9 =	sadd.s32 $0xFFFFFEF7, lr;
	s5 =	simm.s32 $0xFFFFFFFF;
	p2 =	slt.u32 s8, $0xFFFFF086  }
0x1c: {  	p1 =	slt.u32 s9, $0xF7A;
	s5 =	simm.s32 @!p2 $0x0  }
0x1d: {  	s5 =	simm.s32 @p1 $0x1;
	p0 =	seq.s32 s7, s2  }
0x1e: {  	s7 =	smul.u32 @!p0 $0xF7A, s2;
	p2 =	seq.s32 @!p0 s5, $0x0  }
0x1f: {  	s9 =	smul.u32 $0xF7A, s1;
	s8 =	simm.s32 @!p0 $0x1BF5;
	p2 =	por !p2, p0  }
0x20: {  	[sflag:s8] =	ssyncset.s32 @!p0 $0xFFFFF086;
	s6 =	sadd.s32 @!p0 s3, s7;
	s7 =	simm.s32 @!p0 $0x108  }
0x21: {  	s3 =	sadd.s32 s3, s9;
	s6 =	sadd.s32 @!p0 $0x88, s6;
	s7 =	simm.s32 @p2 $0x1082  }
0x22: {  	[simem:s7], [sflag:s8] =	dma.local @!p0 [hbm:s6], $0xF7A  }
0x23: {  	s9 =	sor.u32 $0xD0000000, s2;
	s6 =	simm.s32 $0x108;
	_ =	swait.ge @!p0 [sflag:s8], $0x0  }
0x24: {  	s3 =	sadd.s32 $0x88, s3;
	s6 =	simm.s32 @!p1 $0x1082;
	[sflag:s4] =	ssyncset.s32 $0xFFFFF086  }
0x25: {  	[simem:s6], [sflag:s4] =	dma.local [hbm:s3], $0xF7A  }
0x26: {  	[smem:$0x3F99] =	sst s1;
	(tag) =	ssettag s2;
	_ =	strace s9  }
0x27: {  	s1 =	sld [smem:$0x3FA9]  }
0x28: {  	s2 =	sld [smem:$0x3FAA]  }
0x29: {  	s4 =	sld [smem:$0x3FAC]  }
0x2a: {  	p0 =	seq.s32 s5, $0x0;
	s5 =	sld [smem:$0x3FAD]  }
0x2b: {  	s6 =	sld [smem:$0x3FAE]  }
0x2c: {  	s7 =	sld [smem:$0x3FAF]  }
0x2d: {  	s3 =	simm.s32 $0x108;
	s8 =	sld [smem:$0x3FB0]  }
0x2e: {  	s3 =	simm.s32 @!p0 $0x1082;
	s9 =	sld [smem:$0x3FB1]  }
0x2f: {  	lr =	sadd.s32 s0, s3;
	s0 =	sld [smem:$0x3FA8]  }
0x30: {  	s3 =	sld [smem:$0x3FAB]  }
0x31: {  	[smem:$0x3FB4] =	sst s10  }
0x32: {  	s10 =	sld [smem:$0x3FB2];
	_ =	sdelay $0x3  }
0x33: {  	p0 =	seq.s32 s10, $0x1;
	s10 =	sld [smem:$0x3FB4];
	_ =	sdelay $0x3  }
0x34: {  	[smem:$0x3FB4] =	sst s10  }
0x35: {  	s10 =	sld [smem:$0x3FB3];
	_ =	sdelay $0x3  }
0x36: {  	p1 =	seq.s32 s10, $0x1;
	s10 =	sld [smem:$0x3FB4];
	_ =	sdelay $0x3  }
0x37: {  	[smem:$0x3FB4] =	sst s10  }
0x38: {  	s10 =	sld [smem:$0x3FB5]  }
0x39: {  	_ = 	snop;
	(pc) =	sbr.ind lr, $3  }
0x3a: {  	_ = 	snop  }
0x3b: {  	_ = 	snop  }
0x3c: {  	p2 =	seq.s32 s10, $0x1;
	s10 =	sld [smem:$0x3FB4]  }
0x3d: {  	_ =	shalt  }
0x3e: {  	_ =	shalt  }
0x3f: {  	_ =	shalt  }
0x40: {  	_ =	shalt  }
0x41: {  	_ =	shalt  }
0x42: {  	_ =	shalt  }
0x43: {  	_ =	shalt  }
0x44: {  	_ =	shalt  }
0x45: {  	_ =	shalt  }
0x46: {  	_ =	shalt  }
0x47: {  	_ =	shalt  }
0x48: {  	_ =	shalt  }
0x49: {  	_ =	shalt  }
0x4a: {  	_ =	shalt  }
0x4b: {  	_ =	shalt  }
0x4c: {  	_ =	shalt  }
0x4d: {  	_ =	shalt  }
0x4e: {  	_ =	shalt  }
0x4f: {  	_ =	shalt  }
0x50: {  	_ =	shalt  }
0x51: {  	_ =	shalt  }
0x52: {  	_ =	shalt  }
0x53: {  	_ =	shalt  }
0x54: {  	_ =	shalt  }
0x55: {  	_ =	shalt  }
0x56: {  	_ =	shalt  }
0x57: {  	_ =	shalt  }
0x58: {  	_ =	shalt  }
0x59: {  	_ =	shalt  }
0x5a: {  	_ =	shalt  }
0x5b: {  	_ =	shalt  }
0x5c: {  	_ =	shalt  }
0x5d: {  	_ =	shalt  }
0x5e: {  	_ =	shalt  }
0x5f: {  	_ =	shalt  }
0x60: {  	_ =	shalt  }
0x61: {  	_ =	shalt  }
0x62: {  	_ =	shalt  }
0x63: {  	_ =	shalt  }
0x64: {  	_ =	shalt  }
0x65: {  	_ =	shalt  }
0x66: {  	_ =	shalt  }
0x67: {  	_ =	shalt  }
0x68: {  	_ =	shalt  }
0x69: {  	_ =	shalt  }
0x6a: {  	_ =	shalt  }
0x6b: {  	_ =	shalt  }
0x6c: {  	_ =	shalt  }
0x6d: {  	_ =	shalt  }
0x6e: {  	_ =	shalt  }
0x6f: {  	_ =	shalt  }
0x70: {  	_ =	shalt  }
0x71: {  	_ =	shalt  }
0x72: {  	_ =	shalt  }
0x73: {  	_ =	shalt  }
0x74: {  	_ =	shalt  }
0x75: {  	_ =	shalt  }
0x76: {  	_ =	shalt  }
0x77: {  	_ =	shalt  }
0x78: {  	_ =	shalt  }
0x79: {  	_ =	shalt  }
0x7a: {  	_ =	shalt  }
0x7b: {  	_ =	shalt  }
0x7c: {  	_ =	shalt  }
0x7d: {  	_ =	shalt  }
0x7e: {  	_ =	shalt  }
0x7f: {  	_ =	shalt  }
0x80: {  	_ =	shalt  }
0x81: {  	_ =	shalt  }
0x82: {  	_ =	shalt  }
0x83: {  	_ =	shalt  }
0x84: {  	_ =	shalt  }
0x85: {  	_ =	shalt  }
0x86: {  	_ =	shalt  }
0x87: {  	_ =	shalt  }
.Lfunc_end0:
.L_simem_size_0:
called_computation_lowered:
.L_overlay_start_0:
0x88: {  	s2 =	sld [smem:$0x3FD9]  }
0x89: {  	s3 =	sld [smem:$0x3FFE];
	_ =	sdelay $0x1  }
0x8a: {  	s1 =	srdreg.scid  }
0x8b: {  	s0 =	sand.u32 $0x1, s1  }
0x8c: {  	s17 =	sshll.u32 s0, $0xA;
	s2 =	sadd.s32 s3, s2  }
0x8d: {  	s2 =	sadd.s32 s2, s17  }
0x8e: {  	[smem:$0x3FC0] =	sst s2  }
0x8f: {  	_ = 	snop  }
0x90: {  	s2 =	sld [smem:$0x3FD0];
	(tm) =	ssettm $0x1  }
0x91: {  	s18 =	sld [smem:$0x3FFB];
	_ =	sdelay $0x3  }
0x92: {  	_ =	strace s18  }
0x93: {  	s3 =	sld [smem:$0x3FFC];
	_ =	sdelay $0x3  }
0x94: {  	_ =	strace s3  }
0x95: {  	s3 =	sld [smem:$0x3FFD];
	_ =	sdelay $0x3  }
0x96: {  	_ =	strace s3  }
0x97: {  	_ =	strace $0x8FFFFFFF  }
0x98: {  	s19 =	sld [smem:$0x3FDB];
	_ =	sdelay $0x1  }
0x99: {  	s4 =	simm.s32 $_scs_section_size  }
0x9a: {  	s5 =	simm.s32 $_size__tile_overlayer_lowered;
	s6 =	simm.s32 $_tile_overlayer_lowered  }
0x9b: {  	s22 =	simm.s32 $0x1BFF;
	s21 =	sshll.u32 s6, $0x1;
	s3 =	sadd.s32 s4, s19  }
0x9c: {  	s7 =	simm.s32 $0x0;
	s20 =	sshll.u32 s5, $0x1;
	s5 =	sadd.s32 s21, s3  }
0x9d: {  	[timem:s7], [sflag:s22] =	dma.local [hbm:s5], s20  }
0x9e: {  	_ =	swait.ge [sflag:s22], s20  }
0x9f: {  	s4 =	ssub.s32 $0x0, s20;
	[sflag:s22] =	ssyncset.done $0x0  }
0xa0: {  	[sflag:s22] =	ssyncadd.s32 s4;
	_ =	sdelay $0x1  }
0xa1: {  	s23 =	simm.s32 $0x1B8B  }
0xa2: {  	_ =	swait.ge [sflag:s23], $0x1  }
0xa3: {  	[sflag:s23] =	ssyncset.done $0x0  }
0xa4: {  	s25 =	simm.s32 $0x1B8E;
	s24 =	sld [smem:$0x3FFE];
	[sflag:s23] =	ssyncadd.s32 $0xFFFFFFFF  }
0xa5: {  	s26 =	simm.s32 $execute0_lowered;
	[smem:$0x3FD2] =	sst s25  }
0xa6: {  	s5 =	sshll.u32 s26, $0x1;
	_ =	strace $0x80000046;
	[dreg:$0x1] =	wrdreg $0xFFFFFFFF  }
0xa7: {  	s28 =	simm.s32 $_size_execute0_lowered;
	s3 =	sadd.s32 s3, s5;
	[dreg:$0x0] =	wrdreg $0x0  }
0xa8: {  	s5 =	sshll.u32 s28, $0x1;
	[dreg:$0x2] =	wrdreg s3  }
0xa9: {  	[dreg:$0x3] =	wrdreg s5  }
0xaa: {  	[dreg:$0x4] =	wrdreg $0xC0  }
0xab: {  	_ =	task [dreg:s7], $0x5FFFF  }
0xac: {  	[dreg:$0x1] =	wrdreg $0xFFFFFFFF  }
0xad: {  	[dreg:$0x0] =	wrdreg $0x60  }
0xae: {  	[dreg:$0x2] =	wrdreg s2  }
0xaf: {  	[dreg:$0x3] =	wrdreg s24  }
0xb0: {  	[dreg:$0x4] =	wrdreg $0x9  }
0xb1: {  	_ =	task.clear_ibuf [dreg:s7], $0x5FFFF;
	_ =	strace $0x90000046  }
0xb2: {  	s29 =	simm.s32 $0x9;
	_ =	strace $0x80000048  }
0xb3: {  	_ =	swait.ge [sflag:s29], $0x1  }
0xb4: {  	[sflag:s29] =	ssyncadd.s32 $0xFFFFFFFF  }
0xb5: {  	_ =	strace $0x90000048  }
0xb6: {  	_ =	sfence  }
0xb7: {  	s30 =	sld [smem:$0x0];
	_ =	sdelay $0x2  }
0xb8: {  	s31 =	sshll.u32 s1, $0xD;
	s1 =	sshrl.u32 s1, $0x2  }
0xb9: {  	s3 =	sand.u32 $0x4000, s31;
	s1 =	sadd.s32 s1, s30  }
0xba: {  	s0 =	sor.u32 s3, s0;
	s1 =	sshll.u32 s1, $0x11  }
0xbb: {  	s0 =	sor.u32 s1, s0  }
0xbc: {  	s0 =	sadd.s32 $0x8F2B, s0  }
0xbd: {  	[sflag:s0] =	ssyncadd.remote.s32 $0x1  }
0xbe: {  	_ =	sfence.sel $0xFFFF  }
0xbf: {  	[dreg:$0x0] =	wrdreg $0xFFFFFFFF;
	(pc) =	sbr.abs _section_cstart, $3  }
0xc0: {  	[dreg:$0x1] =	wrdreg $0xFFFFFFFF  }
0xc1: {  	_ =	task.clear_ibuf [dreg:s7], $0x2FFFF;
	_ =	strace $0x9FFFFFFF  }
0xc2: {  	(tm) =	ssettm $0x7FFFFFFF  }
0xc3: {  	_ =	shalt  }
tec
execute0_lowered:
.L_overlay_start_1:
0x0: {  	(tag) =	ssettag $0x1  }
0x1: {  	s3 =	rddreg [dreg:$0x0];
	s1 =	srdreg.scid  }
0x2: {  	s0 =	stileid.u32;
	s4 =	rddreg [dreg:$0x1]  }
0x3: {  	s8 =	simm.s32 $0x0;
	s5 =	sand.u32 $0x1, s1;
	s2 =	sshll.u32 s0, $0x1  }
0x4: {  	s6 =	sor.u32 s5, s2;
	s2 =	simm.s32 $0x0;
	s5 =	ssub.s32 $0x2, s5  }
0x5: {  	s6 =	smul.u32 $0x500, s6;
	[smem:$0x7FF] =	sst s2;
	s7 =	sshrl.u32 s5, $0x1  }
0x6: {  	s1 =	rddreg [dreg:$0x2];
	_ =	strace $0x80000047;
	s5 =	ssub.s32 s5, s7  }
0x7: {  	s7 =	simm.s32 $0x2800;
	s4 =	sadd.s32 s6, s4;
	s3 =	sadd.s32 s3, s6  }
0x8: {  	v0 =	vimm.f32 $0.0e+00;
	v1 =	vimm.s32 $0x0;
	v2 =	vimm.f32 $1.000000000e+00;
	s5 =	smax.u32 s5, $0x1;
	s6 =	simm.s32 $0x1;
	s4 =	sadd.s32 $0x3400, s4  }
.LBB2_1:
0x9: {  	[tilespmem:s2], [sflag:$0x1] =	stream.linear.gather [hbm4b:s3+s2], $0x2800, $0x38;
	[tilespmem:$0x5000] =	vst v63  }
0xa: {  	_ =	swait.ge [sflag:s6], $0x2800  }
0xb: {  	[sflag:s6] =	ssyncset.done $0x0  }
0xc: {  	s9 =	simm.s32 $0x0;
	[sflag:s6] =	ssyncadd.s32 $0xFFFFD800  }
.LBB2_2:
0xd: {  	p0 =	sne.s32 s9, $0x9FC0  }
.Ltmp0:
0xe: {  	_ = 	snop;
	(pc) =	sbr.rel @p0 .LBB2_2-.Ltmp0, $3  }
0xf: {  	_ =	sdelay $0x1  }
0x10: {  	s10 =	sshra.s32 s9, $0x2  }
0x11: {  	s9 =	sadd.s32 $0x40, s9;
	[tilespmem:s10+$0x2800] =	vst v0  }
0x12: {  	s9 =	simm.s32 $0x0  }
0x13: {  	s10 =	sand.u32 $0xFE00, s9  }
0x14: {  	s9 =	sand.u32 $0x70, s9;
	s10 =	sshrl.u32 s10, $0x2  }
0x15: {  	s9 =	sor.u32 s9, s10  }
0x16: {  	v3 =	vld [tilespmem:s9+$0x0];
	_ =	sdelay $0x4  }
0x17: {  	v4 =	vand.u32 $0x1, v3  }
0x18: {  	vm0 =	veq.s32 v4, $0x1  }
0x19: {  	v3 =	vshra.s32 v3, $0x1;
	v4 =	vsel vm0, $0x1400, v1  }
0x1a: {  	v3 =	vadd.s32 v3, v4;
	_ =	sdelay $0x1  }
0x1b: {  	s31 =	simm.s32 $0x40  }
0x1c: {  	s11 =	sand.u32 $0xFE00, s31;
	s10 =	simm.s32 $0x80;
	s9 =	simm.s32 $0x10  }
.LBB2_4:
0x1d: {  	p0 =	sne.s32 s10, $0x9FC0;
	s12 =	sand.u32 $0x70, s9;
	s11 =	sshrl.u32 s11, $0x2  }
0x1e: {  	s11 =	sor.u32 s12, s11;
	[tilespmem:v3+s7+$0x0] =	vst.idx.add.f32.msk $0xffff, v2  }
0x1f: {  	v3 =	vld [tilespmem:s11+$0x0];
	_ =	sdelay $0x4  }
0x20: {  	v4 =	vand.u32 $0x1, v3  }
0x21: {  	vm0 =	veq.s32 v4, $0x1  }
.Ltmp1:
0x22: {  	v3 =	vshra.s32 v3, $0x1;
	v4 =	vsel vm0, $0x1400, v1;
	(pc) =	sbr.rel @p0 .LBB2_4-.Ltmp1, $2  }
0x23: {  	v3 =	vadd.s32 v3, v4;
	_ =	sdelay $0x2  }
0x24: {  	s9 =	sadd.s32 $0x10, s9;
	s11 =	sand.u32 $0xFE00, s10;
	s10 =	sadd.s32 $0x40, s10  }
0x25: {  	_ =	sdelay $0x2  }
0x26: {  	s9 =	sand.u32 $0x70, s9;
	s10 =	sshrl.u32 s11, $0x2  }
0x27: {  	[tilespmem:v3+s7+$0x0] =	vst.idx.add.f32.msk $0xffff, v2;
	s9 =	sor.u32 s9, s10  }
0x28: {  	v3 =	vld [tilespmem:s9+$0x0];
	_ =	sdelay $0x4  }
0x29: {  	v4 =	vand.u32 $0x1, v3  }
0x2a: {  	vm0 =	veq.s32 v4, $0x1  }
0x2b: {  	v3 =	vshra.s32 v3, $0x1;
	v4 =	vsel vm0, $0x1400, v1  }
0x2c: {  	v3 =	vadd.s32 v3, v4;
	_ =	sdelay $0x2  }
0x2d: {  	s8 =	sadd.s32 $0x1, s8  }
0x2e: {  	p0 =	sne.s32 s8, s5  }
.Ltmp2:
0x2f: {  	[tilespmem:v3+s7+$0x0] =	vst.idx.add.f32.msk $0xffff, v2;
	(pc) =	sbr.rel @p0 .LBB2_1-.Ltmp2, $4  }
0x30: {  	[hbm4b:s4+s2] =	stream.linear.scatter [tilespmem:s7], [sflag:$0x1], $0x2800, $0x38;
	[tilespmem:$0x5000] =	vst v63  }
0x31: {  	_ =	swait.ge [sflag:s6], $0x2800  }
0x32: {  	[sflag:s6] =	ssyncset.done $0x0  }
0x33: {  	[sflag:s6] =	ssyncadd.s32 $0xFFFFD800  }
0x34: {  	_ =	sfence.sel $0x180000  }
0x35: {  	[bflag:$0x0] =	sbarrier.arrive $0xFFFF  }
0x36: {  	p0 =	sne.s32 s0, $0x0;
	_ =	strace $0x90000047  }
0x37: {  	s0 =	sadd.s32 @!p0 $0x100000, s1;
	[bflag:$0x2] =	sbarrier.arrive $0xFFFF  }
0x38: {  	[sflag:s0] =	ssyncadd.tile.s32 @!p0 $0x1;
	_ =	shalt  }
.Lfunc_end2:
_tile_overlayer_lowered:
.L_overlay_start_2:
0x39: {  	(tag) =	ssettag $0x2  }
0x3a: {  	s0 =	rddreg [dreg:$0x0];
	s2 =	stileid.u32  }
0x3b: {  	s1 =	rddreg [dreg:$0x1];
	p0 =	sne.s32 s2, $0x0  }
0x3c: {  	s3 =	rddreg [dreg:$0x2];
	[bflag:$0x3] =	sbarrier.arrive $0xFFFF;
	s2 =	simm.s32 @!p0 $0x1C01  }
0x3d: {  	[timem:s3], [sflag:s2] =	dma.local @!p0 [hbm:s0], s1  }
0x3e: {  	s0 =	simm.s32 @!p0 $0x1  }
0x3f: {  	_ =	swait.ge @!p0 [sflag:s0], s1  }
0x40: {  	s1 =	ssub.s32 @!p0 $0x0, s1;
	[sflag:s0] =	ssyncset.done @!p0 $0x0  }
0x41: {  	[sflag:s0] =	ssyncadd.s32 @!p0 s1  }
0x42: {  	[bflag:$0x3] =	sbarrier.arrive $0xFFFF  }
0x43: {  	_ =	shalt  }

// kernel: kernel.14.cloned.1.call-start
scs
__scs_entry_jumppad:
0x0: {  	(pc) =	sbr.rel $0x88, $3  }
0x1: {  	(tag) =	ssettag $0x0;
	lr =	simm.s32 $0x1  }
0x2: {  	[smem:$0x3F99] =	sst lr;
	_ =	strace $0xD0000000  }
0x3: {  	_ = 	snop  }
0x4: {  	_ = 	snop  }
0x5: {  	_ = 	snop  }
0x6: {  	_ = 	snop  }
0x7: {  	_ = 	snop  }
__scs_overlays_trampoline_lowered:
0x8: {  	[smem:$0x3FA8] =	sst s0  }
0x9: {  	[smem:$0x3FA9] =	sst s1  }
0xa: {  	[smem:$0x3FAA] =	sst s2  }
0xb: {  	[smem:$0x3FAB] =	sst s3  }
0xc: {  	[smem:$0x3FAC] =	sst s4  }
0xd: {  	[smem:$0x3FAD] =	sst s5  }
0xe: {  	[smem:$0x3FAE] =	sst s6  }
0xf: {  	[smem:$0x3FAF] =	sst s7  }
0x10: {  	[smem:$0x3FB0] =	sst s8  }
0x11: {  	[smem:$0x3FB1] =	sst s9;
	s0 =	simm.s32 @!p0 $0x0  }
0x12: {  	s1 =	sld [smem:$0x3F97];
	s0 =	simm.s32 @p0 $0x1  }
0x13: {  	[smem:$0x3FB2] =	sst s0;
	s0 =	simm.s32 @!p1 $0x0  }
0x14: {  	s2 =	sld [smem:$0x3F96];
	s0 =	simm.s32 @p1 $0x1  }
0x15: {  	[smem:$0x3FB3] =	sst s0;
	s0 =	simm.s32 @!p2 $0x0  }
0x16: {  	s3 =	sld [smem:$0x3FDB];
	s0 =	simm.s32 @p2 $0x1  }
0x17: {  	s4 =	simm.s32 $0x1BF5;
	[smem:$0x3FB5] =	sst s0  }
0x18: {  	s0 =	sld [smem:$0x3F98];
	_ =	swait.ge [sflag:s4], $0x0  }
0x19: {  	s7 =	sld [smem:$0x3F99]  }
0x1a: {  	s8 =	sadd.s32 $0xFFFFE003, lr  }
0x1b: {  	s9 =	sadd.s32 $0xFFFFFEF7, lr;
	s5 =	simm.s32 $0xFFFFFFFF;
	p2 =	slt.u32 s8, $0xFFFFF086  }
0x1c: {  	p1 =	slt.u32 s9, $0xF7A;
	s5 =	simm.s32 @!p2 $0x0  }
0x1d: {  	s5 =	simm.s32 @p1 $0x1;
	p0 =	seq.s32 s7, s2  }
0x1e: {  	s7 =	smul.u32 @!p0 $0xF7A, s2;
	p2 =	seq.s32 @!p0 s5, $0x0  }
0x1f: {  	s9 =	smul.u32 $0xF7A, s1;
	s8 =	simm.s32 @!p0 $0x1BF5;
	p2 =	por !p2, p0  }
0x20: {  	[sflag:s8] =	ssyncset.s32 @!p0 $0xFFFFF086;
	s6 =	sadd.s32 @!p0 s3, s7;
	s7 =	simm.s32 @!p0 $0x108  }
0x21: {  	s3 =	sadd.s32 s3, s9;
	s6 =	sadd.s32 @!p0 $0x88, s6;
	s7 =	simm.s32 @p2 $0x1082  }
0x22: {  	[simem:s7], [sflag:s8] =	dma.local @!p0 [hbm:s6], $0xF7A  }
0x23: {  	s9 =	sor.u32 $0xD0000000, s2;
	s6 =	simm.s32 $0x108;
	_ =	swait.ge @!p0 [sflag:s8], $0x0  }
0x24: {  	s3 =	sadd.s32 $0x88, s3;
	s6 =	simm.s32 @!p1 $0x1082;
	[sflag:s4] =	ssyncset.s32 $0xFFFFF086  }
0x25: {  	[simem:s6], [sflag:s4] =	dma.local [hbm:s3], $0xF7A  }
0x26: {  	[smem:$0x3F99] =	sst s1;
	(tag) =	ssettag s2;
	_ =	strace s9  }
0x27: {  	s1 =	sld [smem:$0x3FA9]  }
0x28: {  	s2 =	sld [smem:$0x3FAA]  }
0x29: {  	s4 =	sld [smem:$0x3FAC]  }
0x2a: {  	p0 =	seq.s32 s5, $0x0;
	s5 =	sld [smem:$0x3FAD]  }
0x2b: {  	s6 =	sld [smem:$0x3FAE]  }
0x2c: {  	s7 =	sld [smem:$0x3FAF]  }
0x2d: {  	s3 =	simm.s32 $0x108;
	s8 =	sld [smem:$0x3FB0]  }
0x2e: {  	s3 =	simm.s32 @!p0 $0x1082;
	s9 =	sld [smem:$0x3FB1]  }
0x2f: {  	lr =	sadd.s32 s0, s3;
	s0 =	sld [smem:$0x3FA8]  }
0x30: {  	s3 =	sld [smem:$0x3FAB]  }
0x31: {  	[smem:$0x3FB4] =	sst s10  }
0x32: {  	s10 =	sld [smem:$0x3FB2];
	_ =	sdelay $0x3  }
0x33: {  	p0 =	seq.s32 s10, $0x1;
	s10 =	sld [smem:$0x3FB4];
	_ =	sdelay $0x3  }
0x34: {  	[smem:$0x3FB4] =	sst s10  }
0x35: {  	s10 =	sld [smem:$0x3FB3];
	_ =	sdelay $0x3  }
0x36: {  	p1 =	seq.s32 s10, $0x1;
	s10 =	sld [smem:$0x3FB4];
	_ =	sdelay $0x3  }
0x37: {  	[smem:$0x3FB4] =	sst s10  }
0x38: {  	s10 =	sld [smem:$0x3FB5]  }
0x39: {  	_ = 	snop;
	(pc) =	sbr.ind lr, $3  }
0x3a: {  	_ = 	snop  }
0x3b: {  	_ = 	snop  }
0x3c: {  	p2 =	seq.s32 s10, $0x1;
	s10 =	sld [smem:$0x3FB4]  }
0x3d: {  	_ =	shalt  }
0x3e: {  	_ =	shalt  }
0x3f: {  	_ =	shalt  }
0x40: {  	_ =	shalt  }
0x41: {  	_ =	shalt  }
0x42: {  	_ =	shalt  }
0x43: {  	_ =	shalt  }
0x44: {  	_ =	shalt  }
0x45: {  	_ =	shalt  }
0x46: {  	_ =	shalt  }
0x47: {  	_ =	shalt  }
0x48: {  	_ =	shalt  }
0x49: {  	_ =	shalt  }
0x4a: {  	_ =	shalt  }
0x4b: {  	_ =	shalt  }
0x4c: {  	_ =	shalt  }
0x4d: {  	_ =	shalt  }
0x4e: {  	_ =	shalt  }
0x4f: {  	_ =	shalt  }
0x50: {  	_ =	shalt  }
0x51: {  	_ =	shalt  }
0x52: {  	_ =	shalt  }
0x53: {  	_ =	shalt  }
0x54: {  	_ =	shalt  }
0x55: {  	_ =	shalt  }
0x56: {  	_ =	shalt  }
0x57: {  	_ =	shalt  }
0x58: {  	_ =	shalt  }
0x59: {  	_ =	shalt  }
0x5a: {  	_ =	shalt  }
0x5b: {  	_ =	shalt  }
0x5c: {  	_ =	shalt  }
0x5d: {  	_ =	shalt  }
0x5e: {  	_ =	shalt  }
0x5f: {  	_ =	shalt  }
0x60: {  	_ =	shalt  }
0x61: {  	_ =	shalt  }
0x62: {  	_ =	shalt  }
0x63: {  	_ =	shalt  }
0x64: {  	_ =	shalt  }
0x65: {  	_ =	shalt  }
0x66: {  	_ =	shalt  }
0x67: {  	_ =	shalt  }
0x68: {  	_ =	shalt  }
0x69: {  	_ =	shalt  }
0x6a: {  	_ =	shalt  }
0x6b: {  	_ =	shalt  }
0x6c: {  	_ =	shalt  }
0x6d: {  	_ =	shalt  }
0x6e: {  	_ =	shalt  }
0x6f: {  	_ =	shalt  }
0x70: {  	_ =	shalt  }
0x71: {  	_ =	shalt  }
0x72: {  	_ =	shalt  }
0x73: {  	_ =	shalt  }
0x74: {  	_ =	shalt  }
0x75: {  	_ =	shalt  }
0x76: {  	_ =	shalt  }
0x77: {  	_ =	shalt  }
0x78: {  	_ =	shalt  }
0x79: {  	_ =	shalt  }
0x7a: {  	_ =	shalt  }
0x7b: {  	_ =	shalt  }
0x7c: {  	_ =	shalt  }
0x7d: {  	_ =	shalt  }
0x7e: {  	_ =	shalt  }
0x7f: {  	_ =	shalt  }
0x80: {  	_ =	shalt  }
0x81: {  	_ =	shalt  }
0x82: {  	_ =	shalt  }
0x83: {  	_ =	shalt  }
0x84: {  	_ =	shalt  }
0x85: {  	_ =	shalt  }
0x86: {  	_ =	shalt  }
0x87: {  	_ =	shalt  }
.Lfunc_end0:
.L_simem_size_0:
called_computation.1_lowered:
.L_overlay_start_0:
0x88: {  	s2 =	sld [smem:$0x3FD9]  }
0x89: {  	s3 =	sld [smem:$0x3FFE];
	_ =	sdelay $0x1  }
0x8a: {  	s1 =	srdreg.scid  }
0x8b: {  	s0 =	sand.u32 $0x1, s1  }
0x8c: {  	s17 =	sshll.u32 s0, $0xA;
	s2 =	sadd.s32 s3, s2  }
0x8d: {  	s2 =	sadd.s32 s2, s17  }
0x8e: {  	[smem:$0x3FC0] =	sst s2  }
0x8f: {  	_ = 	snop  }
0x90: {  	s2 =	sld [smem:$0x3FD0];
	(tm) =	ssettm $0x1  }
0x91: {  	s18 =	sld [smem:$0x3FFB];
	_ =	sdelay $0x3  }
0x92: {  	_ =	strace s18  }
0x93: {  	s3 =	sld [smem:$0x3FFC];
	_ =	sdelay $0x3  }
0x94: {  	_ =	strace s3  }
0x95: {  	s3 =	sld [smem:$0x3FFD];
	_ =	sdelay $0x3  }
0x96: {  	_ =	strace s3  }
0x97: {  	_ =	strace $0x8FFFFFFF  }
0x98: {  	s19 =	sld [smem:$0x3FDB];
	_ =	sdelay $0x1  }
0x99: {  	s4 =	simm.s32 $_scs_section_size  }
0x9a: {  	s5 =	simm.s32 $_size__tile_overlayer_lowered;
	s6 =	simm.s32 $_tile_overlayer_lowered  }
0x9b: {  	s22 =	simm.s32 $0x1BFF;
	s21 =	sshll.u32 s6, $0x1;
	s3 =	sadd.s32 s4, s19  }
0x9c: {  	s7 =	simm.s32 $0x0;
	s20 =	sshll.u32 s5, $0x1;
	s5 =	sadd.s32 s21, s3  }
0x9d: {  	[timem:s7], [sflag:s22] =	dma.local [hbm:s5], s20  }
0x9e: {  	_ =	swait.ge [sflag:s22], s20  }
0x9f: {  	s4 =	ssub.s32 $0x0, s20;
	[sflag:s22] =	ssyncset.done $0x0  }
0xa0: {  	[sflag:s22] =	ssyncadd.s32 s4;
	_ =	sdelay $0x1  }
0xa1: {  	s23 =	simm.s32 $0x1B8B  }
0xa2: {  	_ =	swait.ge [sflag:s23], $0x1  }
0xa3: {  	[sflag:s23] =	ssyncset.done $0x0  }
0xa4: {  	s25 =	simm.s32 $0x1B8E;
	s24 =	sld [smem:$0x3FFE];
	[sflag:s23] =	ssyncadd.s32 $0xFFFFFFFF  }
0xa5: {  	s26 =	simm.s32 $execute0_lowered;
	[smem:$0x3FD2] =	sst s25  }
0xa6: {  	s5 =	sshll.u32 s26, $0x1;
	_ =	strace $0x80000049;
	[dreg:$0x1] =	wrdreg $0xFFFFFFFF  }
0xa7: {  	s28 =	simm.s32 $_size_execute0_lowered;
	s3 =	sadd.s32 s3, s5;
	[dreg:$0x0] =	wrdreg $0x0  }
0xa8: {  	s5 =	sshll.u32 s28, $0x1;
	[dreg:$0x2] =	wrdreg s3  }
0xa9: {  	[dreg:$0x3] =	wrdreg s5  }
0xaa: {  	[dreg:$0x4] =	wrdreg $0xC0  }
0xab: {  	_ =	task [dreg:s7], $0x5FFFF  }
0xac: {  	[dreg:$0x1] =	wrdreg $0xFFFFFFFF  }
0xad: {  	[dreg:$0x0] =	wrdreg $0x60  }
0xae: {  	[dreg:$0x2] =	wrdreg s24  }
0xaf: {  	[dreg:$0x3] =	wrdreg s2  }
0xb0: {  	[dreg:$0x4] =	wrdreg $0xD0000  }
0xb1: {  	[dreg:$0x5] =	wrdreg $0x9  }
0xb2: {  	_ =	task.clear_ibuf [dreg:s7], $0x6FFFF;
	_ =	strace $0x90000049  }
0xb3: {  	s29 =	simm.s32 $0x9;
	_ =	strace $0x8000004B  }
0xb4: {  	_ =	swait.ge [sflag:s29], $0x1  }
0xb5: {  	[sflag:s29] =	ssyncadd.s32 $0xFFFFFFFF  }
0xb6: {  	_ =	strace $0x9000004B  }
0xb7: {  	_ =	sfence  }
0xb8: {  	s30 =	sld [smem:$0x0];
	_ =	sdelay $0x2  }
0xb9: {  	s31 =	sshll.u32 s1, $0xD;
	s1 =	sshrl.u32 s1, $0x2  }
0xba: {  	s3 =	sand.u32 $0x4000, s31;
	s1 =	sadd.s32 s1, s30  }
0xbb: {  	s0 =	sor.u32 s3, s0;
	s1 =	sshll.u32 s1, $0x11  }
0xbc: {  	s0 =	sor.u32 s1, s0  }
0xbd: {  	s0 =	sadd.s32 $0x8F2B, s0  }
0xbe: {  	[sflag:s0] =	ssyncadd.remote.s32 $0x1  }
0xbf: {  	_ =	sfence.sel $0xFFFF  }
0xc0: {  	[dreg:$0x0] =	wrdreg $0xFFFFFFFF;
	(pc) =	sbr.abs _section_cstart, $3  }
0xc1: {  	[dreg:$0x1] =	wrdreg $0xFFFFFFFF  }
0xc2: {  	_ =	task.clear_ibuf [dreg:s7], $0x2FFFF;
	_ =	strace $0x9FFFFFFF  }
0xc3: {  	(tm) =	ssettm $0x7FFFFFFF  }
tec
execute0_lowered:
.L_overlay_start_1:
0x0: {  	(tag) =	ssettag $0x1  }
0x1: {  	s0 =	srdreg.scid;
	s1 =	rddreg [dreg:$0x0]  }
0x2: {  	s12 =	stileid.u32;
	s6 =	rddreg [dreg:$0x1];
	s15 =	simm.s32 $0x80  }
0x3: {  	s16 =	simm.s32 $0x5000;
	s17 =	simm.s32 $0x7000;
	s19 =	simm.s32 $0x9000  }
0x4: {  	s20 =	simm.s32 $0x1;
	s22 =	simm.s32 $0xB000;
	s23 =	simm.s32 $0x2  }
0x5: {  	s24 =	simm.s32 $0x6;
	s26 =	simm.s32 $0x3;
	s29 =	simm.s32 $0x7  }
0x6: {  	s31 =	simm.s32 $0x4;
	s21 =	simm.s32 $0x5;
	s28 =	simm.s32 $0x9  }
0x7: {  	s0 =	sand.u32 $0x1, s0;
	s2 =	sshll.u32 s12, $0x1;
	s8 =	smul.u32 $0xA000, s12  }
0x8: {  	s4 =	sadd.s32 $0x17400, s1;
	s12 =	sshll.u32 s12, $0x6;
	s3 =	sor.u32 s0, s2  }
0x9: {  	s2 =	rddreg [dreg:$0x2];
	s5 =	smul.u32 $0xA0000, s0;
	s0 =	ssub.s32 $0x2, s0  }
0xa: {  	s13 =	sor.u32 $0x1C01, s12;
	s7 =	smul.u32 $0x500, s3;
	s3 =	simm.s32 $0x0  }
0xb: {  	s10 =	sshrl.u32 s8, $0x3;
	s11 =	sshrl.u32 s0, $0x1;
	s14 =	sadd.s32 s8, s2  }
0xc: {  	[smem:$0x7FF] =	sst s3;
	s5 =	sadd.s32 s8, s5;
	s10 =	sadd.s32 s10, s1  }
0xd: {  	s0 =	ssub.s32 s0, s11;
	s11 =	simm.s32 $0x2800;
	s14 =	sshrl.u32 s14, $0x3  }
0xe: {  	_ =	strace $0x8000004A;
	s9 =	sadd.s32 s7, s1;
	s5 =	sshrl.u32 s5, $0x3  }
0xf: {  	s6 =	sadd.s32 s6, s7;
	s7 =	sadd.s32 $0x2B400, s10;
	s10 =	simm.s32 $0xA  }
0x10: {  	s1 =	sadd.s32 s5, s1;
	s5 =	sadd.s32 $0xD400, s9;
	s9 =	smax.u32 s0, $0x1  }
0x11: {  	s0 =	simm.s32 $0x8;
	s8 =	sadd.s32 $0x3F400, s1;
	s1 =	simm.s32 $0x0  }
.LBB2_1:
0x12: {  	[tilespmem:s3], [sflag:$0xA] =	stream.linear.gather [hbm4b:s5+s3], $0x2800, $0x38;
	[tilespmem:$0x17000] =	vst v63  }
0x13: {  	_ =	swait.ge [sflag:s10], $0x2800  }
0x14: {  	[sflag:s10] =	ssyncset.done $0x0  }
0x15: {  	[sflag:s10] =	ssyncadd.s32 $0xFFFFD800  }
0x16: {  	[tilespmem:s11], [sflag:$0xA] =	stream.linear.gather [hbm4b:s6+s3], $0x2800, $0x38;
	[tilespmem:$0x17000] =	vst v63  }
0x17: {  	_ =	swait.ge [sflag:s10], $0x2800  }
0x18: {  	[sflag:s10] =	ssyncset.done $0x0  }
0x19: {  	[sflag:s10] =	ssyncadd.s32 $0xFFFFD800  }
0x1a: {  	[spmem:s14], [sflag:s13] =	dma.local [hbm:s7], $0x1400  }
0x1b: {  	[tilespmem:s16], [sflag:$0x2] =	stream.indirect.gather [hbm4b:s4+s15], $0x40, s3, s15, $0xb8;
	[tilespmem:$0x17000] =	vst v63  }
0x1c: {  	_ = 	snop  }
0x1d: {  	[tilespmem:s17], [sflag:$0x3] =	stream.indirect.gather [hbm4b:s4+s15], $0x40, s15, s15, $0xb8;
	[tilespmem:$0x17000] =	vst v63  }
0x1e: {  	s18 =	simm.s32 $0x100  }
0x1f: {  	[tilespmem:s19], [sflag:$0x4] =	stream.indirect.gather [hbm4b:s4+s15], $0x40, s18, s15, $0xb8;
	[tilespmem:$0x17000] =	vst v63  }
0x20: {  	_ =	swait.ge [sflag:s20], $0x1400  }
0x21: {  	[sflag:s20] =	ssyncset.done $0x0  }
0x22: {  	[sflag:s20] =	ssyncadd.s32 $0xFFFFEC00  }
0x23: {  	s25 =	simm.s32 $0x180;
	[bflag:$0x0] =	sbarrier.arrive $0xFFFF  }
0x24: {  	[tilespmem:s22], [sflag:$0x5] =	stream.indirect.gather [hbm4b:s4+s15], $0x40, s25, s15, $0xb8;
	[tilespmem:$0x17000] =	vst v63  }
0x25: {  	_ =	swait.ge [sflag:s23], $0x2000  }
0x26: {  	[sflag:s23] =	ssyncset.done $0x0  }
0x27: {  	[sflag:s23] =	ssyncadd.s32 $0xFFFFE000  }
0x28: {  	[spmem:s2] =	stream.indirect.scatter.add.f32 [tilespmem:s16], [sflag:$0x6], $0x40, s11, s15, $0xb8;
	[tilespmem:$0x17000] =	vst v63  }
0x29: {  	_ =	swait.ge [sflag:s24], $0x2000  }
0x2a: {  	[sflag:s24] =	ssyncset.done $0x0  }
0x2b: {  	s30 =	simm.s32 $0x200;
	[sflag:s24] =	ssyncadd.s32 $0xFFFFE000  }
0x2c: {  	[tilespmem:s16], [sflag:$0x2] =	stream.indirect.gather [hbm4b:s4+s15], $0x40, s30, s15, $0xb8;
	[tilespmem:$0x17000] =	vst v63  }
0x2d: {  	_ =	swait.ge [sflag:s26], $0x2000  }
0x2e: {  	[sflag:s26] =	ssyncset.done $0x0  }
0x2f: {  	s25 =	simm.s32 $0x2880;
	[sflag:s26] =	ssyncadd.s32 $0xFFFFE000  }
0x30: {  	[spmem:s2] =	stream.indirect.scatter.add.f32 [tilespmem:s17], [sflag:$0x7], $0x40, s25, s15, $0xb8;
	[tilespmem:$0x17000] =	vst v63  }
0x31: {  	_ =	swait.ge [sflag:s29], $0x2000  }
0x32: {  	[sflag:s29] =	ssyncset.done $0x0  }
0x33: {  	s30 =	simm.s32 $0x280;
	[sflag:s29] =	ssyncadd.s32 $0xFFFFE000  }
0x34: {  	[tilespmem:s17], [sflag:$0x3] =	stream.indirect.gather [hbm4b:s4+s15], $0x40, s30, s15, $0xb8;
	[tilespmem:$0x17000] =	vst v63  }
0x35: {  	_ =	swait.ge [sflag:s31], $0x2000  }
0x36: {  	[sflag:s31] =	ssyncset.done $0x0  }
0x37: {  	s25 =	simm.s32 $0x2900;
	[sflag:s31] =	ssyncadd.s32 $0xFFFFE000  }
0x38: {  	[spmem:s2] =	stream.indirect.scatter.add.f32 [tilespmem:s19], [sflag:$0x8], $0x40, s25, s15, $0xb8;
	[tilespmem:$0x17000] =	vst v63  }
0x39: {  	_ =	swait.ge [sflag:s0], $0x2000  }
0x3a: {  	[sflag:s0] =	ssyncset.done $0x0  }
0x3b: {  	s30 =	simm.s32 $0x300;
	[sflag:s0] =	ssyncadd.s32 $0xFFFFE000  }
0x3c: {  	[tilespmem:s19], [sflag:$0x4] =	stream.indirect.gather [hbm4b:s4+s15], $0x40, s30, s15, $0xb8;
	[tilespmem:$0x17000] =	vst v63  }
0x3d: {  	_ =	swait.ge [sflag:s21], $0x2000  }
0x3e: {  	[sflag:s21] =	ssyncset.done $0x0  }
0x3f: {  	s25 =	simm.s32 $0x2980;
	[sflag:s21] =	ssyncadd.s32 $0xFFFFE000  }
0x40: {  	[spmem:s2] =	stream.indirect.scatter.add.f32 [tilespmem:s22], [sflag:$0x9], $0x40, s25, s15, $0xb8;
	[tilespmem:$0x17000] =	vst v63  }
0x41: {  	_ =	swait.ge [sflag:s28], $0x2000  }
0x42: {  	[sflag:s28] =	ssyncset.done $0x0  }
0x43: {  	s30 =	simm.s32 $0x380;
	[sflag:s28] =	ssyncadd.s32 $0xFFFFE000  }
0x44: {  	[tilespmem:s22], [sflag:$0x5] =	stream.indirect.gather [hbm4b:s4+s15], $0x40, s30, s15, $0xb8;
	[tilespmem:$0x17000] =	vst v63  }
0x45: {  	_ =	swait.ge [sflag:s23], $0x2000  }
0x46: {  	[sflag:s23] =	ssyncset.done $0x0  }
0x47: {  	s25 =	simm.s32 $0x2A00;
	[sflag:s23] =	ssyncadd.s32 $0xFFFFE000  }
0x48: {  	[spmem:s2] =	stream.indirect.scatter.add.f32 [tilespmem:s16], [sflag:$0x6], $0x40, s25, s15, $0xb8;
	[tilespmem:$0x17000] =	vst v63  }
0x49: {  	_ =	swait.ge [sflag:s24], $0x2000  }
0x4a: {  	[sflag:s24] =	ssyncset.done $0x0  }
0x4b: {  	s30 =	simm.s32 $0x400;
	[sflag:s24] =	ssyncadd.s32 $0xFFFFE000  }
0x4c: {  	[tilespmem:s16], [sflag:$0x2] =	stream.indirect.gather [hbm4b:s4+s15], $0x40, s30, s15, $0xb8;
	[tilespmem:$0x17000] =	vst v63  }
0x4d: {  	_ =	swait.ge [sflag:s26], $0x2000  }
0x4e: {  	[sflag:s26] =	ssyncset.done $0x0  }
0x4f: {  	s25 =	simm.s32 $0x2A80;
	[sflag:s26] =	ssyncadd.s32 $0xFFFFE000  }
0x50: {  	[spmem:s2] =	stream.indirect.scatter.add.f32 [tilespmem:s17], [sflag:$0x7], $0x40, s25, s15, $0xb8;
	[tilespmem:$0x17000] =	vst v63  }
0x51: {  	_ =	swait.ge [sflag:s29], $0x2000  }
0x52: {  	[sflag:s29] =	ssyncset.done $0x0  }
0x53: {  	s30 =	simm.s32 $0x480;
	[sflag:s29] =	ssyncadd.s32 $0xFFFFE000  }
0x54: {  	[tilespmem:s17], [sflag:$0x3] =	stream.indirect.gather [hbm4b:s4+s15], $0x40, s30, s15, $0xb8;
	[tilespmem:$0x17000] =	vst v63  }
0x55: {  	_ =	swait.ge [sflag:s31], $0x2000  }
0x56: {  	[sflag:s31] =	ssyncset.done $0x0  }
0x57: {  	s25 =	simm.s32 $0x2B00;
	[sflag:s31] =	ssyncadd.s32 $0xFFFFE000  }
0x58: {  	[spmem:s2] =	stream.indirect.scatter.add.f32 [tilespmem:s19], [sflag:$0x8], $0x40, s25, s15, $0xb8;
	[tilespmem:$0x17000] =	vst v63  }
0x59: {  	_ =	swait.ge [sflag:s0], $0x2000  }
0x5a: {  	[sflag:s0] =	ssyncset.done $0x0  }
0x5b: {  	s30 =	simm.s32 $0x500;
	[sflag:s0] =	ssyncadd.s32 $0xFFFFE000  }
0x5c: {  	[tilespmem:s19], [sflag:$0x4] =	stream.indirect.gather [hbm4b:s4+s15], $0x40, s30, s15, $0xb8;
	[tilespmem:$0x17000] =	vst v63  }
0x5d: {  	_ =	swait.ge [sflag:s21], $0x2000  }
0x5e: {  	[sflag:s21] =	ssyncset.done $0x0  }
0x5f: {  	s18 =	simm.s32 $0x800;
	s25 =	simm.s32 $0x2B80;
	[sflag:s21] =	ssyncadd.s32 $0xFFFFE000  }
.LBB2_2:
0x60: {  	[spmem:s2] =	stream.indirect.scatter.add.f32 [tilespmem:s22], [sflag:$0x9], $0x40, s25, s15, $0xb8;
	[tilespmem:$0x17000] =	vst v63  }
0x61: {  	s25 =	smov.u32 s18  }
0x62: {  	p0 =	sne.s32 s18, $0x8800;
	s18 =	sadd.s32 $0x800, s18;
	_ =	swait.ge [sflag:s28], $0x2000  }
0x63: {  	s25 =	sshra.s32 s25, $0x2;
	[sflag:s28] =	ssyncset.done $0x0  }
0x64: {  	s30 =	sadd.s32 $0x380, s25;
	[sflag:s28] =	ssyncadd.s32 $0xFFFFE000  }
0x65: {  	[tilespmem:s22], [sflag:$0x5] =	stream.indirect.gather [hbm4b:s4+s15], $0x40, s30, s15, $0xb8;
	[tilespmem:$0x17000] =	vst v63  }
0x66: {  	_ =	swait.ge [sflag:s23], $0x2000  }
0x67: {  	[sflag:s23] =	ssyncset.done $0x0  }
0x68: {  	s30 =	sadd.s32 $0x2A00, s25;
	[sflag:s23] =	ssyncadd.s32 $0xFFFFE000  }
0x69: {  	[spmem:s2] =	stream.indirect.scatter.add.f32 [tilespmem:s16], [sflag:$0x6], $0x40, s30, s15, $0xb8;
	[tilespmem:$0x17000] =	vst v63  }
0x6a: {  	_ =	swait.ge [sflag:s24], $0x2000  }
0x6b: {  	[sflag:s24] =	ssyncset.done $0x0  }
0x6c: {  	s30 =	sadd.s32 $0x400, s25;
	[sflag:s24] =	ssyncadd.s32 $0xFFFFE000  }
0x6d: {  	[tilespmem:s16], [sflag:$0x2] =	stream.indirect.gather [hbm4b:s4+s15], $0x40, s30, s15, $0xb8;
	[tilespmem:$0x17000] =	vst v63  }
0x6e: {  	_ =	swait.ge [sflag:s26], $0x2000  }
0x6f: {  	[sflag:s26] =	ssyncset.done $0x0  }
0x70: {  	s30 =	sadd.s32 $0x2A80, s25;
	[sflag:s26] =	ssyncadd.s32 $0xFFFFE000  }
0x71: {  	[spmem:s2] =	stream.indirect.scatter.add.f32 [tilespmem:s17], [sflag:$0x7], $0x40, s30, s15, $0xb8;
	[tilespmem:$0x17000] =	vst v63  }
0x72: {  	_ =	swait.ge [sflag:s29], $0x2000  }
0x73: {  	[sflag:s29] =	ssyncset.done $0x0  }
0x74: {  	s30 =	sadd.s32 $0x480, s25;
	[sflag:s29] =	ssyncadd.s32 $0xFFFFE000  }
0x75: {  	[tilespmem:s17], [sflag:$0x3] =	stream.indirect.gather [hbm4b:s4+s15], $0x40, s30, s15, $0xb8;
	[tilespmem:$0x17000] =	vst v63  }
0x76: {  	_ =	swait.ge [sflag:s31], $0x2000  }
0x77: {  	[sflag:s31] =	ssyncset.done $0x0  }
0x78: {  	s30 =	sadd.s32 $0x2B00, s25;
	[sflag:s31] =	ssyncadd.s32 $0xFFFFE000  }
0x79: {  	[spmem:s2] =	stream.indirect.scatter.add.f32 [tilespmem:s19], [sflag:$0x8], $0x40, s30, s15, $0xb8;
	[tilespmem:$0x17000] =	vst v63  }
0x7a: {  	_ =	swait.ge [sflag:s0], $0x2000  }
0x7b: {  	[sflag:s0] =	ssyncset.done $0x0  }
.Ltmp0:
0x7c: {  	s30 =	sadd.s32 $0x500, s25;
	[sflag:s0] =	ssyncadd.s32 $0xFFFFE000;
	(pc) =	sbr.rel @p0 .LBB2_2-.Ltmp0, $4  }
0x7d: {  	[tilespmem:s19], [sflag:$0x4] =	stream.indirect.gather [hbm4b:s4+s15], $0x40, s30, s15, $0xb8;
	[tilespmem:$0x17000] =	vst v63  }
0x7e: {  	_ =	swait.ge [sflag:s21], $0x2000  }
0x7f: {  	[sflag:s21] =	ssyncset.done $0x0  }
0x80: {  	s25 =	sadd.s32 $0x2B80, s25;
	[sflag:s21] =	ssyncadd.s32 $0xFFFFE000  }
0x81: {  	[spmem:s2] =	stream.indirect.scatter.add.f32 [tilespmem:s22], [sflag:$0x9], $0x40, s25, s15, $0xb8;
	[tilespmem:$0x17000] =	vst v63  }
0x82: {  	_ =	swait.ge [sflag:s28], $0x2000  }
0x83: {  	[sflag:s28] =	ssyncset.done $0x0  }
0x84: {  	s18 =	simm.s32 $0x2780;
	[sflag:s28] =	ssyncadd.s32 $0xFFFFE000  }
0x85: {  	[tilespmem:s22], [sflag:$0x5] =	stream.indirect.gather [hbm4b:s4+s15], $0x40, s18, s15, $0xb8;
	[tilespmem:$0x17000] =	vst v63  }
0x86: {  	_ =	swait.ge [sflag:s23], $0x2000  }
0x87: {  	[sflag:s23] =	ssyncset.done $0x0  }
0x88: {  	s30 =	simm.s32 $0x4E00;
	[sflag:s23] =	ssyncadd.s32 $0xFFFFE000  }
0x89: {  	[spmem:s2] =	stream.indirect.scatter.add.f32 [tilespmem:s16], [sflag:$0x6], $0x40, s30, s15, $0xb8;
	[tilespmem:$0x17000] =	vst v63  }
0x8a: {  	_ =	swait.ge [sflag:s26], $0x2000  }
0x8b: {  	[sflag:s26] =	ssyncset.done $0x0  }
0x8c: {  	s25 =	simm.s32 $0x4E80;
	[sflag:s26] =	ssyncadd.s32 $0xFFFFE000  }
0x8d: {  	[spmem:s2] =	stream.indirect.scatter.add.f32 [tilespmem:s17], [sflag:$0x7], $0x40, s25, s15, $0xb8;
	[tilespmem:$0x17000] =	vst v63  }
0x8e: {  	_ =	swait.ge [sflag:s31], $0x2000  }
0x8f: {  	[sflag:s31] =	ssyncset.done $0x0  }
0x90: {  	s30 =	simm.s32 $0x4F00;
	[sflag:s31] =	ssyncadd.s32 $0xFFFFE000  }
0x91: {  	[spmem:s2] =	stream.indirect.scatter.add.f32 [tilespmem:s19], [sflag:$0x8], $0x40, s30, s15, $0xb8;
	[tilespmem:$0x17000] =	vst v63  }
0x92: {  	_ =	swait.ge [sflag:s21], $0x2000  }
0x93: {  	[sflag:s21] =	ssyncset.done $0x0  }
0x94: {  	s25 =	simm.s32 $0x4F80;
	[sflag:s21] =	ssyncadd.s32 $0xFFFFE000  }
0x95: {  	[spmem:s2] =	stream.indirect.scatter.add.f32 [tilespmem:s22], [sflag:$0x9], $0x40, s25, s15, $0xb8;
	[tilespmem:$0x17000] =	vst v63  }
0x96: {  	_ =	swait.ge [sflag:s24], $0x2000  }
0x97: {  	[sflag:s24] =	ssyncset.done $0x0  }
0x98: {  	[sflag:s24] =	ssyncadd.s32 $0xFFFFE000  }
0x99: {  	_ =	swait.ge [sflag:s29], $0x2000  }
0x9a: {  	[sflag:s29] =	ssyncset.done $0x0  }
0x9b: {  	[sflag:s29] =	ssyncadd.s32 $0xFFFFE000  }
0x9c: {  	_ =	swait.ge [sflag:s0], $0x2000  }
0x9d: {  	[sflag:s0] =	ssyncset.done $0x0  }
0x9e: {  	[sflag:s0] =	ssyncadd.s32 $0xFFFFE000  }
0x9f: {  	_ =	swait.ge [sflag:s28], $0x2000  }
0xa0: {  	s1 =	sadd.s32 $0x1, s1;
	[sflag:s28] =	ssyncset.done $0x0  }
0xa1: {  	p0 =	sne.s32 s1, s9;
	[sflag:s28] =	ssyncadd.s32 $0xFFFFE000  }
.Ltmp1:
0xa2: {  	s30 =	sor.u32 $0x1C0A, s12;
	[bflag:$0x0] =	sbarrier.arrive $0xFFFF;
	(pc) =	sbr.rel @p0 .LBB2_1-.Ltmp1, $4  }
0xa3: {  	[hbm:s8], [sflag:s30] =	dma.local [spmem:s14], $0x1400  }
0xa4: {  	_ =	swait.ge [sflag:s10], $0x1400  }
0xa5: {  	[sflag:s10] =	ssyncset.done $0x0  }
0xa6: {  	[sflag:s10] =	ssyncadd.s32 $0xFFFFEC00  }
0xa7: {  	_ =	sfence.sel $0x180000  }
0xa8: {  	[bflag:$0x0] =	sbarrier.arrive $0xFFFF  }
0xa9: {  	_ =	strace $0x9000004A  }
0xaa: {  	s0 =	stileid.u32;
	[bflag:$0x2] =	sbarrier.arrive $0xFFFF  }
0xab: {  	p0 =	sne.s32 s0, $0x0;
	s0 =	rddreg [dreg:$0x3]  }
0xac: {  	s0 =	sadd.s32 @!p0 $0x100000, s0  }
0xad: {  	[sflag:s0] =	ssyncadd.tile.s32 @!p0 $0x1;
	_ =	shalt  }
.Lfunc_end2:
_tile_overlayer_lowered:
.L_overlay_start_2:
0xae: {  	(tag) =	ssettag $0x2  }
0xaf: {  	s0 =	rddreg [dreg:$0x0];
	s2 =	stileid.u32  }
0xb0: {  	s1 =	rddreg [dreg:$0x1];
	p0 =	sne.s32 s2, $0x0  }
0xb1: {  	s3 =	rddreg [dreg:$0x2];
	[bflag:$0x3] =	sbarrier.arrive $0xFFFF;
	s2 =	simm.s32 @!p0 $0x1C0A  }
0xb2: {  	[timem:s3], [sflag:s2] =	dma.local @!p0 [hbm:s0], s1  }
0xb3: {  	s0 =	simm.s32 @!p0 $0xA  }
0xb4: {  	_ =	swait.ge @!p0 [sflag:s0], s1  }
0xb5: {  	s1 =	ssub.s32 @!p0 $0x0, s1;
	[sflag:s0] =	ssyncset.done @!p0 $0x0  }
0xb6: {  	[sflag:s0] =	ssyncadd.s32 @!p0 s1  }
0xb7: {  	[bflag:$0x3] =	sbarrier.arrive $0xFFFF  }
0xb8: {  	_ =	shalt  }

// kernel: kernel.17.cloned.1.call-start
scs
__scs_entry_jumppad:
0x0: {  	(pc) =	sbr.rel $0x88, $3  }
0x1: {  	(tag) =	ssettag $0x0;
	lr =	simm.s32 $0x1  }
0x2: {  	[smem:$0x3F99] =	sst lr;
	_ =	strace $0xD0000000  }
0x3: {  	_ = 	snop  }
0x4: {  	_ = 	snop  }
0x5: {  	_ = 	snop  }
0x6: {  	_ = 	snop  }
0x7: {  	_ = 	snop  }
__scs_overlays_trampoline_lowered:
0x8: {  	[smem:$0x3FA8] =	sst s0  }
0x9: {  	[smem:$0x3FA9] =	sst s1  }
0xa: {  	[smem:$0x3FAA] =	sst s2  }
0xb: {  	[smem:$0x3FAB] =	sst s3  }
0xc: {  	[smem:$0x3FAC] =	sst s4  }
0xd: {  	[smem:$0x3FAD] =	sst s5  }
0xe: {  	[smem:$0x3FAE] =	sst s6  }
0xf: {  	[smem:$0x3FAF] =	sst s7  }
0x10: {  	[smem:$0x3FB0] =	sst s8  }
0x11: {  	[smem:$0x3FB1] =	sst s9;
	s0 =	simm.s32 @!p0 $0x0  }
0x12: {  	s1 =	sld [smem:$0x3F97];
	s0 =	simm.s32 @p0 $0x1  }
0x13: {  	[smem:$0x3FB2] =	sst s0;
	s0 =	simm.s32 @!p1 $0x0  }
0x14: {  	s2 =	sld [smem:$0x3F96];
	s0 =	simm.s32 @p1 $0x1  }
0x15: {  	[smem:$0x3FB3] =	sst s0;
	s0 =	simm.s32 @!p2 $0x0  }
0x16: {  	s3 =	sld [smem:$0x3FDB];
	s0 =	simm.s32 @p2 $0x1  }
0x17: {  	s4 =	simm.s32 $0x1BF5;
	[smem:$0x3FB5] =	sst s0  }
0x18: {  	s0 =	sld [smem:$0x3F98];
	_ =	swait.ge [sflag:s4], $0x0  }
0x19: {  	s7 =	sld [smem:$0x3F99]  }
0x1a: {  	s8 =	sadd.s32 $0xFFFFE003, lr  }
0x1b: {  	s9 =	sadd.s32 $0xFFFFFEF7, lr;
	s5 =	simm.s32 $0xFFFFFFFF;
	p2 =	slt.u32 s8, $0xFFFFF086  }
0x1c: {  	p1 =	slt.u32 s9, $0xF7A;
	s5 =	simm.s32 @!p2 $0x0  }
0x1d: {  	s5 =	simm.s32 @p1 $0x1;
	p0 =	seq.s32 s7, s2  }
0x1e: {  	s7 =	smul.u32 @!p0 $0xF7A, s2;
	p2 =	seq.s32 @!p0 s5, $0x0  }
0x1f: {  	s9 =	smul.u32 $0xF7A, s1;
	s8 =	simm.s32 @!p0 $0x1BF5;
	p2 =	por !p2, p0  }
0x20: {  	[sflag:s8] =	ssyncset.s32 @!p0 $0xFFFFF086;
	s6 =	sadd.s32 @!p0 s3, s7;
	s7 =	simm.s32 @!p0 $0x108  }
0x21: {  	s3 =	sadd.s32 s3, s9;
	s6 =	sadd.s32 @!p0 $0x88, s6;
	s7 =	simm.s32 @p2 $0x1082  }
0x22: {  	[simem:s7], [sflag:s8] =	dma.local @!p0 [hbm:s6], $0xF7A  }
0x23: {  	s9 =	sor.u32 $0xD0000000, s2;
	s6 =	simm.s32 $0x108;
	_ =	swait.ge @!p0 [sflag:s8], $0x0  }
0x24: {  	s3 =	sadd.s32 $0x88, s3;
	s6 =	simm.s32 @!p1 $0x1082;
	[sflag:s4] =	ssyncset.s32 $0xFFFFF086  }
0x25: {  	[simem:s6], [sflag:s4] =	dma.local [hbm:s3], $0xF7A  }
0x26: {  	[smem:$0x3F99] =	sst s1;
	(tag) =	ssettag s2;
	_ =	strace s9  }
0x27: {  	s1 =	sld [smem:$0x3FA9]  }
0x28: {  	s2 =	sld [smem:$0x3FAA]  }
0x29: {  	s4 =	sld [smem:$0x3FAC]  }
0x2a: {  	p0 =	seq.s32 s5, $0x0;
	s5 =	sld [smem:$0x3FAD]  }
0x2b: {  	s6 =	sld [smem:$0x3FAE]  }
0x2c: {  	s7 =	sld [smem:$0x3FAF]  }
0x2d: {  	s3 =	simm.s32 $0x108;
	s8 =	sld [smem:$0x3FB0]  }
0x2e: {  	s3 =	simm.s32 @!p0 $0x1082;
	s9 =	sld [smem:$0x3FB1]  }
0x2f: {  	lr =	sadd.s32 s0, s3;
	s0 =	sld [smem:$0x3FA8]  }
0x30: {  	s3 =	sld [smem:$0x3FAB]  }
0x31: {  	[smem:$0x3FB4] =	sst s10  }
0x32: {  	s10 =	sld [smem:$0x3FB2];
	_ =	sdelay $0x3  }
0x33: {  	p0 =	seq.s32 s10, $0x1;
	s10 =	sld [smem:$0x3FB4];
	_ =	sdelay $0x3  }
0x34: {  	[smem:$0x3FB4] =	sst s10  }
0x35: {  	s10 =	sld [smem:$0x3FB3];
	_ =	sdelay $0x3  }
0x36: {  	p1 =	seq.s32 s10, $0x1;
	s10 =	sld [smem:$0x3FB4];
	_ =	sdelay $0x3  }
0x37: {  	[smem:$0x3FB4] =	sst s10  }
0x38: {  	s10 =	sld [smem:$0x3FB5]  }
0x39: {  	_ = 	snop;
	(pc) =	sbr.ind lr, $3  }
0x3a: {  	_ = 	snop  }
0x3b: {  	_ = 	snop  }
0x3c: {  	p2 =	seq.s32 s10, $0x1;
	s10 =	sld [smem:$0x3FB4]  }
0x3d: {  	_ =	shalt  }
0x3e: {  	_ =	shalt  }
0x3f: {  	_ =	shalt  }
0x40: {  	_ =	shalt  }
0x41: {  	_ =	shalt  }
0x42: {  	_ =	shalt  }
0x43: {  	_ =	shalt  }
0x44: {  	_ =	shalt  }
0x45: {  	_ =	shalt  }
0x46: {  	_ =	shalt  }
0x47: {  	_ =	shalt  }
0x48: {  	_ =	shalt  }
0x49: {  	_ =	shalt  }
0x4a: {  	_ =	shalt  }
0x4b: {  	_ =	shalt  }
0x4c: {  	_ =	shalt  }
0x4d: {  	_ =	shalt  }
0x4e: {  	_ =	shalt  }
0x4f: {  	_ =	shalt  }
0x50: {  	_ =	shalt  }
0x51: {  	_ =	shalt  }
0x52: {  	_ =	shalt  }
0x53: {  	_ =	shalt  }
0x54: {  	_ =	shalt  }
0x55: {  	_ =	shalt  }
0x56: {  	_ =	shalt  }
0x57: {  	_ =	shalt  }
0x58: {  	_ =	shalt  }
0x59: {  	_ =	shalt  }
0x5a: {  	_ =	shalt  }
0x5b: {  	_ =	shalt  }
0x5c: {  	_ =	shalt  }
0x5d: {  	_ =	shalt  }
0x5e: {  	_ =	shalt  }
0x5f: {  	_ =	shalt  }
0x60: {  	_ =	shalt  }
0x61: {  	_ =	shalt  }
0x62: {  	_ =	shalt  }
0x63: {  	_ =	shalt  }
0x64: {  	_ =	shalt  }
0x65: {  	_ =	shalt  }
0x66: {  	_ =	shalt  }
0x67: {  	_ =	shalt  }
0x68: {  	_ =	shalt  }
0x69: {  	_ =	shalt  }
0x6a: {  	_ =	shalt  }
0x6b: {  	_ =	shalt  }
0x6c: {  	_ =	shalt  }
0x6d: {  	_ =	shalt  }
0x6e: {  	_ =	shalt  }
0x6f: {  	_ =	shalt  }
0x70: {  	_ =	shalt  }
0x71: {  	_ =	shalt  }
0x72: {  	_ =	shalt  }
0x73: {  	_ =	shalt  }
0x74: {  	_ =	shalt  }
0x75: {  	_ =	shalt  }
0x76: {  	_ =	shalt  }
0x77: {  	_ =	shalt  }
0x78: {  	_ =	shalt  }
0x79: {  	_ =	shalt  }
0x7a: {  	_ =	shalt  }
0x7b: {  	_ =	shalt  }
0x7c: {  	_ =	shalt  }
0x7d: {  	_ =	shalt  }
0x7e: {  	_ =	shalt  }
0x7f: {  	_ =	shalt  }
0x80: {  	_ =	shalt  }
0x81: {  	_ =	shalt  }
0x82: {  	_ =	shalt  }
0x83: {  	_ =	shalt  }
0x84: {  	_ =	shalt  }
0x85: {  	_ =	shalt  }
0x86: {  	_ =	shalt  }
0x87: {  	_ =	shalt  }
.Lfunc_end0:
.L_simem_size_0:
called_computation.2_lowered:
.L_overlay_start_0:
0x88: {  	s2 =	sld [smem:$0x3FD9]  }
0x89: {  	s3 =	sld [smem:$0x3FFE];
	_ =	sdelay $0x1  }
0x8a: {  	s1 =	srdreg.scid  }
0x8b: {  	s0 =	sand.u32 $0x1, s1  }
0x8c: {  	s17 =	sshll.u32 s0, $0xA;
	s2 =	sadd.s32 s3, s2  }
0x8d: {  	s2 =	sadd.s32 s2, s17  }
0x8e: {  	[smem:$0x3FC0] =	sst s2  }
0x8f: {  	_ = 	snop  }
0x90: {  	s2 =	sld [smem:$0x3FD0];
	(tm) =	ssettm $0x1  }
0x91: {  	s18 =	sld [smem:$0x3FFB];
	_ =	sdelay $0x3  }
0x92: {  	_ =	strace s18  }
0x93: {  	s3 =	sld [smem:$0x3FFC];
	_ =	sdelay $0x3  }
0x94: {  	_ =	strace s3  }
0x95: {  	s3 =	sld [smem:$0x3FFD];
	_ =	sdelay $0x3  }
0x96: {  	_ =	strace s3  }
0x97: {  	_ =	strace $0x8FFFFFFF  }
0x98: {  	s19 =	sld [smem:$0x3FDB];
	_ =	sdelay $0x1  }
0x99: {  	s4 =	simm.s32 $_scs_section_size  }
0x9a: {  	s5 =	simm.s32 $_size__tile_overlayer_lowered;
	s6 =	simm.s32 $_tile_overlayer_lowered  }
0x9b: {  	s22 =	simm.s32 $0x1BFF;
	s21 =	sshll.u32 s6, $0x1;
	s3 =	sadd.s32 s4, s19  }
0x9c: {  	s7 =	simm.s32 $0x0;
	s20 =	sshll.u32 s5, $0x1;
	s5 =	sadd.s32 s21, s3  }
0x9d: {  	[timem:s7], [sflag:s22] =	dma.local [hbm:s5], s20  }
0x9e: {  	_ =	swait.ge [sflag:s22], s20  }
0x9f: {  	s4 =	ssub.s32 $0x0, s20;
	[sflag:s22] =	ssyncset.done $0x0  }
0xa0: {  	[sflag:s22] =	ssyncadd.s32 s4;
	_ =	sdelay $0x1  }
0xa1: {  	s23 =	simm.s32 $0x1B8B  }
0xa2: {  	_ =	swait.ge [sflag:s23], $0x1  }
0xa3: {  	[sflag:s23] =	ssyncset.done $0x0  }
0xa4: {  	s25 =	simm.s32 $0x1B8E;
	s24 =	sld [smem:$0x3FFE];
	[sflag:s23] =	ssyncadd.s32 $0xFFFFFFFF  }
0xa5: {  	s26 =	simm.s32 $execute0_lowered;
	[smem:$0x3FD2] =	sst s25  }
0xa6: {  	s5 =	sshll.u32 s26, $0x1;
	_ =	strace $0x8000004C;
	[dreg:$0x1] =	wrdreg $0xFFFFFFFF  }
0xa7: {  	s28 =	simm.s32 $_size_execute0_lowered;
	s3 =	sadd.s32 s3, s5;
	[dreg:$0x0] =	wrdreg $0x0  }
0xa8: {  	s5 =	sshll.u32 s28, $0x1;
	[dreg:$0x2] =	wrdreg s3  }
0xa9: {  	[dreg:$0x3] =	wrdreg s5  }
0xaa: {  	[dreg:$0x4] =	wrdreg $0xC0  }
0xab: {  	_ =	task [dreg:s7], $0x5FFFF  }
0xac: {  	[dreg:$0x1] =	wrdreg $0xFFFFFFFF  }
0xad: {  	[dreg:$0x0] =	wrdreg $0x60  }
0xae: {  	[dreg:$0x2] =	wrdreg s24  }
0xaf: {  	[dreg:$0x3] =	wrdreg s2  }
0xb0: {  	[dreg:$0x4] =	wrdreg $0xD0000  }
0xb1: {  	[dreg:$0x5] =	wrdreg $0x9  }
0xb2: {  	_ =	task.clear_ibuf [dreg:s7], $0x6FFFF;
	_ =	strace $0x9000004C  }
0xb3: {  	s29 =	simm.s32 $0x9;
	_ =	strace $0x8000004E  }
0xb4: {  	_ =	swait.ge [sflag:s29], $0x1  }
0xb5: {  	[sflag:s29] =	ssyncadd.s32 $0xFFFFFFFF  }
0xb6: {  	_ =	strace $0x9000004E  }
0xb7: {  	_ =	sfence  }
0xb8: {  	s30 =	sld [smem:$0x0];
	_ =	sdelay $0x2  }
0xb9: {  	s31 =	sshll.u32 s1, $0xD;
	s1 =	sshrl.u32 s1, $0x2  }
0xba: {  	s3 =	sand.u32 $0x4000, s31;
	s1 =	sadd.s32 s1, s30  }
0xbb: {  	s0 =	sor.u32 s3, s0;
	s1 =	sshll.u32 s1, $0x11  }
0xbc: {  	s0 =	sor.u32 s1, s0  }
0xbd: {  	s0 =	sadd.s32 $0x8F2B, s0  }
0xbe: {  	[sflag:s0] =	ssyncadd.remote.s32 $0x1  }
0xbf: {  	_ =	sfence.sel $0xFFFF  }
0xc0: {  	[dreg:$0x0] =	wrdreg $0xFFFFFFFF;
	(pc) =	sbr.abs _section_cstart, $3  }
0xc1: {  	[dreg:$0x1] =	wrdreg $0xFFFFFFFF  }
0xc2: {  	_ =	task.clear_ibuf [dreg:s7], $0x2FFFF;
	_ =	strace $0x9FFFFFFF  }
0xc3: {  	(tm) =	ssettm $0x7FFFFFFF  }
tec
execute0_lowered:
.L_overlay_start_1:
0x0: {  	(tag) =	ssettag $0x1  }
0x1: {  	s0 =	srdreg.scid;
	s1 =	rddreg [dreg:$0x0]  }
0x2: {  	s12 =	stileid.u32;
	s6 =	rddreg [dreg:$0x1];
	s15 =	simm.s32 $0x80  }
0x3: {  	s16 =	simm.s32 $0x5000;
	s17 =	simm.s32 $0x7000;
	s19 =	simm.s32 $0x9000  }
0x4: {  	s20 =	simm.s32 $0x1;
	s22 =	simm.s32 $0xB000;
	s23 =	simm.s32 $0x2  }
0x5: {  	s24 =	simm.s32 $0x6;
	s26 =	simm.s32 $0x3;
	s29 =	simm.s32 $0x7  }
0x6: {  	s31 =	simm.s32 $0x4;
	s21 =	simm.s32 $0x5;
	s28 =	simm.s32 $0x9  }
0x7: {  	s0 =	sand.u32 $0x1, s0;
	s2 =	sshll.u32 s12, $0x1;
	s8 =	smul.u32 $0xA000, s12  }
0x8: {  	s4 =	sadd.s32 $0x17400, s1;
	s12 =	sshll.u32 s12, $0x6;
	s3 =	sor.u32 s0, s2  }
0x9: {  	s2 =	rddreg [dreg:$0x2];
	s5 =	smul.u32 $0xA0000, s0;
	s0 =	ssub.s32 $0x2, s0  }
0xa: {  	s13 =	sor.u32 $0x1C01, s12;
	s7 =	smul.u32 $0x500, s3;
	s3 =	simm.s32 $0x0  }
0xb: {  	s10 =	sshrl.u32 s8, $0x3;
	s11 =	sshrl.u32 s0, $0x1;
	s14 =	sadd.s32 s8, s2  }
0xc: {  	[smem:$0x7FF] =	sst s3;
	s5 =	sadd.s32 s8, s5;
	s10 =	sadd.s32 s10, s1  }
0xd: {  	s0 =	ssub.s32 s0, s11;
	s11 =	simm.s32 $0x2800;
	s14 =	sshrl.u32 s14, $0x3  }
0xe: {  	_ =	strace $0x8000004D;
	s9 =	sadd.s32 s7, s1;
	s5 =	sshrl.u32 s5, $0x3  }
0xf: {  	s6 =	sadd.s32 s6, s7;
	s7 =	sadd.s32 $0x2B400, s10;
	s10 =	simm.s32 $0xA  }
0x10: {  	s1 =	sadd.s32 s5, s1;
	s5 =	sadd.s32 $0xD400, s9;
	s9 =	smax.u32 s0, $0x1  }
0x11: {  	s0 =	simm.s32 $0x8;
	s8 =	sadd.s32 $0x3F400, s1;
	s1 =	simm.s32 $0x0  }
.LBB2_1:
0x12: {  	[tilespmem:s3], [sflag:$0xA] =	stream.linear.gather [hbm4b:s5+s3], $0x2800, $0x38;
	[tilespmem:$0x17000] =	vst v63  }
0x13: {  	_ =	swait.ge [sflag:s10], $0x2800  }
0x14: {  	[sflag:s10] =	ssyncset.done $0x0  }
0x15: {  	[sflag:s10] =	ssyncadd.s32 $0xFFFFD800  }
0x16: {  	[tilespmem:s11], [sflag:$0xA] =	stream.linear.gather [hbm4b:s6+s3], $0x2800, $0x38;
	[tilespmem:$0x17000] =	vst v63  }
0x17: {  	_ =	swait.ge [sflag:s10], $0x2800  }
0x18: {  	[sflag:s10] =	ssyncset.done $0x0  }
0x19: {  	[sflag:s10] =	ssyncadd.s32 $0xFFFFD800  }
0x1a: {  	[spmem:s14], [sflag:s13] =	dma.local [hbm:s7], $0x1400  }
0x1b: {  	[tilespmem:s16], [sflag:$0x2] =	stream.indirect.gather [hbm4b:s4+s15], $0x40, s3, s15, $0xb8;
	[tilespmem:$0x17000] =	vst v63  }
0x1c: {  	_ = 	snop  }
0x1d: {  	[tilespmem:s17], [sflag:$0x3] =	stream.indirect.gather [hbm4b:s4+s15], $0x40, s15, s15, $0xb8;
	[tilespmem:$0x17000] =	vst v63  }
0x1e: {  	s18 =	simm.s32 $0x100  }
0x1f: {  	[tilespmem:s19], [sflag:$0x4] =	stream.indirect.gather [hbm4b:s4+s15], $0x40, s18, s15, $0xb8;
	[tilespmem:$0x17000] =	vst v63  }
0x20: {  	_ =	swait.ge [sflag:s20], $0x1400  }
0x21: {  	[sflag:s20] =	ssyncset.done $0x0  }
0x22: {  	[sflag:s20] =	ssyncadd.s32 $0xFFFFEC00  }
0x23: {  	s25 =	simm.s32 $0x180;
	[bflag:$0x0] =	sbarrier.arrive $0xFFFF  }
0x24: {  	[tilespmem:s22], [sflag:$0x5] =	stream.indirect.gather [hbm4b:s4+s15], $0x40, s25, s15, $0xb8;
	[tilespmem:$0x17000] =	vst v63  }
0x25: {  	_ =	swait.ge [sflag:s23], $0x2000  }
0x26: {  	[sflag:s23] =	ssyncset.done $0x0  }
0x27: {  	[sflag:s23] =	ssyncadd.s32 $0xFFFFE000  }
0x28: {  	[spmem:s2] =	stream.indirect.scatter.add.f32 [tilespmem:s16], [sflag:$0x6], $0x40, s11, s15, $0xb8;
	[tilespmem:$0x17000] =	vst v63  }
0x29: {  	_ =	swait.ge [sflag:s24], $0x2000  }
0x2a: {  	[sflag:s24] =	ssyncset.done $0x0  }
0x2b: {  	s30 =	simm.s32 $0x200;
	[sflag:s24] =	ssyncadd.s32 $0xFFFFE000  }
0x2c: {  	[tilespmem:s16], [sflag:$0x2] =	stream.indirect.gather [hbm4b:s4+s15], $0x40, s30, s15, $0xb8;
	[tilespmem:$0x17000] =	vst v63  }
0x2d: {  	_ =	swait.ge [sflag:s26], $0x2000  }
0x2e: {  	[sflag:s26] =	ssyncset.done $0x0  }
0x2f: {  	s25 =	simm.s32 $0x2880;
	[sflag:s26] =	ssyncadd.s32 $0xFFFFE000  }
0x30: {  	[spmem:s2] =	stream.indirect.scatter.add.f32 [tilespmem:s17], [sflag:$0x7], $0x40, s25, s15, $0xb8;
	[tilespmem:$0x17000] =	vst v63  }
0x31: {  	_ =	swait.ge [sflag:s29], $0x2000  }
0x32: {  	[sflag:s29] =	ssyncset.done $0x0  }
0x33: {  	s30 =	simm.s32 $0x280;
	[sflag:s29] =	ssyncadd.s32 $0xFFFFE000  }
0x34: {  	[tilespmem:s17], [sflag:$0x3] =	stream.indirect.gather [hbm4b:s4+s15], $0x40, s30, s15, $0xb8;
	[tilespmem:$0x17000] =	vst v63  }
0x35: {  	_ =	swait.ge [sflag:s31], $0x2000  }
0x36: {  	[sflag:s31] =	ssyncset.done $0x0  }
0x37: {  	s25 =	simm.s32 $0x2900;
	[sflag:s31] =	ssyncadd.s32 $0xFFFFE000  }
0x38: {  	[spmem:s2] =	stream.indirect.scatter.add.f32 [tilespmem:s19], [sflag:$0x8], $0x40, s25, s15, $0xb8;
	[tilespmem:$0x17000] =	vst v63  }
0x39: {  	_ =	swait.ge [sflag:s0], $0x2000  }
0x3a: {  	[sflag:s0] =	ssyncset.done $0x0  }
0x3b: {  	s30 =	simm.s32 $0x300;
	[sflag:s0] =	ssyncadd.s32 $0xFFFFE000  }
0x3c: {  	[tilespmem:s19], [sflag:$0x4] =	stream.indirect.gather [hbm4b:s4+s15], $0x40, s30, s15, $0xb8;
	[tilespmem:$0x17000] =	vst v63  }
0x3d: {  	_ =	swait.ge [sflag:s21], $0x2000  }
0x3e: {  	[sflag:s21] =	ssyncset.done $0x0  }
0x3f: {  	s25 =	simm.s32 $0x2980;
	[sflag:s21] =	ssyncadd.s32 $0xFFFFE000  }
0x40: {  	[spmem:s2] =	stream.indirect.scatter.add.f32 [tilespmem:s22], [sflag:$0x9], $0x40, s25, s15, $0xb8;
	[tilespmem:$0x17000] =	vst v63  }
0x41: {  	_ =	swait.ge [sflag:s28], $0x2000  }
0x42: {  	[sflag:s28] =	ssyncset.done $0x0  }
0x43: {  	s30 =	simm.s32 $0x380;
	[sflag:s28] =	ssyncadd.s32 $0xFFFFE000  }
0x44: {  	[tilespmem:s22], [sflag:$0x5] =	stream.indirect.gather [hbm4b:s4+s15], $0x40, s30, s15, $0xb8;
	[tilespmem:$0x17000] =	vst v63  }
0x45: {  	_ =	swait.ge [sflag:s23], $0x2000  }
0x46: {  	[sflag:s23] =	ssyncset.done $0x0  }
0x47: {  	s25 =	simm.s32 $0x2A00;
	[sflag:s23] =	ssyncadd.s32 $0xFFFFE000  }
0x48: {  	[spmem:s2] =	stream.indirect.scatter.add.f32 [tilespmem:s16], [sflag:$0x6], $0x40, s25, s15, $0xb8;
	[tilespmem:$0x17000] =	vst v63  }
0x49: {  	_ =	swait.ge [sflag:s24], $0x2000  }
0x4a: {  	[sflag:s24] =	ssyncset.done $0x0  }
0x4b: {  	s30 =	simm.s32 $0x400;
	[sflag:s24] =	ssyncadd.s32 $0xFFFFE000  }
0x4c: {  	[tilespmem:s16], [sflag:$0x2] =	stream.indirect.gather [hbm4b:s4+s15], $0x40, s30, s15, $0xb8;
	[tilespmem:$0x17000] =	vst v63  }
0x4d: {  	_ =	swait.ge [sflag:s26], $0x2000  }
0x4e: {  	[sflag:s26] =	ssyncset.done $0x0  }
0x4f: {  	s25 =	simm.s32 $0x2A80;
	[sflag:s26] =	ssyncadd.s32 $0xFFFFE000  }
0x50: {  	[spmem:s2] =	stream.indirect.scatter.add.f32 [tilespmem:s17], [sflag:$0x7], $0x40, s25, s15, $0xb8;
	[tilespmem:$0x17000] =	vst v63  }
0x51: {  	_ =	swait.ge [sflag:s29], $0x2000  }
0x52: {  	[sflag:s29] =	ssyncset.done $0x0  }
0x53: {  	s30 =	simm.s32 $0x480;
	[sflag:s29] =	ssyncadd.s32 $0xFFFFE000  }
0x54: {  	[tilespmem:s17], [sflag:$0x3] =	stream.indirect.gather [hbm4b:s4+s15], $0x40, s30, s15, $0xb8;
	[tilespmem:$0x17000] =	vst v63  }
0x55: {  	_ =	swait.ge [sflag:s31], $0x2000  }
0x56: {  	[sflag:s31] =	ssyncset.done $0x0  }
0x57: {  	s25 =	simm.s32 $0x2B00;
	[sflag:s31] =	ssyncadd.s32 $0xFFFFE000  }
0x58: {  	[spmem:s2] =	stream.indirect.scatter.add.f32 [tilespmem:s19], [sflag:$0x8], $0x40, s25, s15, $0xb8;
	[tilespmem:$0x17000] =	vst v63  }
0x59: {  	_ =	swait.ge [sflag:s0], $0x2000  }
0x5a: {  	[sflag:s0] =	ssyncset.done $0x0  }
0x5b: {  	s30 =	simm.s32 $0x500;
	[sflag:s0] =	ssyncadd.s32 $0xFFFFE000  }
0x5c: {  	[tilespmem:s19], [sflag:$0x4] =	stream.indirect.gather [hbm4b:s4+s15], $0x40, s30, s15, $0xb8;
	[tilespmem:$0x17000] =	vst v63  }
0x5d: {  	_ =	swait.ge [sflag:s21], $0x2000  }
0x5e: {  	[sflag:s21] =	ssyncset.done $0x0  }
0x5f: {  	s18 =	simm.s32 $0x800;
	s25 =	simm.s32 $0x2B80;
	[sflag:s21] =	ssyncadd.s32 $0xFFFFE000  }
.LBB2_2:
0x60: {  	[spmem:s2] =	stream.indirect.scatter.add.f32 [tilespmem:s22], [sflag:$0x9], $0x40, s25, s15, $0xb8;
	[tilespmem:$0x17000] =	vst v63  }
0x61: {  	s25 =	smov.u32 s18  }
0x62: {  	p0 =	sne.s32 s18, $0x8800;
	s18 =	sadd.s32 $0x800, s18;
	_ =	swait.ge [sflag:s28], $0x2000  }
0x63: {  	s25 =	sshra.s32 s25, $0x2;
	[sflag:s28] =	ssyncset.done $0x0  }
0x64: {  	s30 =	sadd.s32 $0x380, s25;
	[sflag:s28] =	ssyncadd.s32 $0xFFFFE000  }
0x65: {  	[tilespmem:s22], [sflag:$0x5] =	stream.indirect.gather [hbm4b:s4+s15], $0x40, s30, s15, $0xb8;
	[tilespmem:$0x17000] =	vst v63  }
0x66: {  	_ =	swait.ge [sflag:s23], $0x2000  }
0x67: {  	[sflag:s23] =	ssyncset.done $0x0  }
0x68: {  	s30 =	sadd.s32 $0x2A00, s25;
	[sflag:s23] =	ssyncadd.s32 $0xFFFFE000  }
0x69: {  	[spmem:s2] =	stream.indirect.scatter.add.f32 [tilespmem:s16], [sflag:$0x6], $0x40, s30, s15, $0xb8;
	[tilespmem:$0x17000] =	vst v63  }
0x6a: {  	_ =	swait.ge [sflag:s24], $0x2000  }
0x6b: {  	[sflag:s24] =	ssyncset.done $0x0  }
0x6c: {  	s30 =	sadd.s32 $0x400, s25;
	[sflag:s24] =	ssyncadd.s32 $0xFFFFE000  }
0x6d: {  	[tilespmem:s16], [sflag:$0x2] =	stream.indirect.gather [hbm4b:s4+s15], $0x40, s30, s15, $0xb8;
	[tilespmem:$0x17000] =	vst v63  }
0x6e: {  	_ =	swait.ge [sflag:s26], $0x2000  }
0x6f: {  	[sflag:s26] =	ssyncset.done $0x0  }
0x70: {  	s30 =	sadd.s32 $0x2A80, s25;
	[sflag:s26] =	ssyncadd.s32 $0xFFFFE000  }
0x71: {  	[spmem:s2] =	stream.indirect.scatter.add.f32 [tilespmem:s17], [sflag:$0x7], $0x40, s30, s15, $0xb8;
	[tilespmem:$0x17000] =	vst v63  }
0x72: {  	_ =	swait.ge [sflag:s29], $0x2000  }
0x73: {  	[sflag:s29] =	ssyncset.done $0x0  }
0x74: {  	s30 =	sadd.s32 $0x480, s25;
	[sflag:s29] =	ssyncadd.s32 $0xFFFFE000  }
0x75: {  	[tilespmem:s17], [sflag:$0x3] =	stream.indirect.gather [hbm4b:s4+s15], $0x40, s30, s15, $0xb8;
	[tilespmem:$0x17000] =	vst v63  }
0x76: {  	_ =	swait.ge [sflag:s31], $0x2000  }
0x77: {  	[sflag:s31] =	ssyncset.done $0x0  }
0x78: {  	s30 =	sadd.s32 $0x2B00, s25;
	[sflag:s31] =	ssyncadd.s32 $0xFFFFE000  }
0x79: {  	[spmem:s2] =	stream.indirect.scatter.add.f32 [tilespmem:s19], [sflag:$0x8], $0x40, s30, s15, $0xb8;
	[tilespmem:$0x17000] =	vst v63  }
0x7a: {  	_ =	swait.ge [sflag:s0], $0x2000  }
0x7b: {  	[sflag:s0] =	ssyncset.done $0x0  }
.Ltmp0:
0x7c: {  	s30 =	sadd.s32 $0x500, s25;
	[sflag:s0] =	ssyncadd.s32 $0xFFFFE000;
	(pc) =	sbr.rel @p0 .LBB2_2-.Ltmp0, $4  }
0x7d: {  	[tilespmem:s19], [sflag:$0x4] =	stream.indirect.gather [hbm4b:s4+s15], $0x40, s30, s15, $0xb8;
	[tilespmem:$0x17000] =	vst v63  }
0x7e: {  	_ =	swait.ge [sflag:s21], $0x2000  }
0x7f: {  	[sflag:s21] =	ssyncset.done $0x0  }
0x80: {  	s25 =	sadd.s32 $0x2B80, s25;
	[sflag:s21] =	ssyncadd.s32 $0xFFFFE000  }
0x81: {  	[spmem:s2] =	stream.indirect.scatter.add.f32 [tilespmem:s22], [sflag:$0x9], $0x40, s25, s15, $0xb8;
	[tilespmem:$0x17000] =	vst v63  }
0x82: {  	_ =	swait.ge [sflag:s28], $0x2000  }
0x83: {  	[sflag:s28] =	ssyncset.done $0x0  }
0x84: {  	s18 =	simm.s32 $0x2780;
	[sflag:s28] =	ssyncadd.s32 $0xFFFFE000  }
0x85: {  	[tilespmem:s22], [sflag:$0x5] =	stream.indirect.gather [hbm4b:s4+s15], $0x40, s18, s15, $0xb8;
	[tilespmem:$0x17000] =	vst v63  }
0x86: {  	_ =	swait.ge [sflag:s23], $0x2000  }
0x87: {  	[sflag:s23] =	ssyncset.done $0x0  }
0x88: {  	s30 =	simm.s32 $0x4E00;
	[sflag:s23] =	ssyncadd.s32 $0xFFFFE000  }
0x89: {  	[spmem:s2] =	stream.indirect.scatter.add.f32 [tilespmem:s16], [sflag:$0x6], $0x40, s30, s15, $0xb8;
	[tilespmem:$0x17000] =	vst v63  }
0x8a: {  	_ =	swait.ge [sflag:s26], $0x2000  }
0x8b: {  	[sflag:s26] =	ssyncset.done $0x0  }
0x8c: {  	s25 =	simm.s32 $0x4E80;
	[sflag:s26] =	ssyncadd.s32 $0xFFFFE000  }
0x8d: {  	[spmem:s2] =	stream.indirect.scatter.add.f32 [tilespmem:s17], [sflag:$0x7], $0x40, s25, s15, $0xb8;
	[tilespmem:$0x17000] =	vst v63  }
0x8e: {  	_ =	swait.ge [sflag:s31], $0x2000  }
0x8f: {  	[sflag:s31] =	ssyncset.done $0x0  }
0x90: {  	s30 =	simm.s32 $0x4F00;
	[sflag:s31] =	ssyncadd.s32 $0xFFFFE000  }
0x91: {  	[spmem:s2] =	stream.indirect.scatter.add.f32 [tilespmem:s19], [sflag:$0x8], $0x40, s30, s15, $0xb8;
	[tilespmem:$0x17000] =	vst v63  }
0x92: {  	_ =	swait.ge [sflag:s21], $0x2000  }
0x93: {  	[sflag:s21] =	ssyncset.done $0x0  }
0x94: {  	s25 =	simm.s32 $0x4F80;
	[sflag:s21] =	ssyncadd.s32 $0xFFFFE000  }
0x95: {  	[spmem:s2] =	stream.indirect.scatter.add.f32 [tilespmem:s22], [sflag:$0x9], $0x40, s25, s15, $0xb8;
	[tilespmem:$0x17000] =	vst v63  }
0x96: {  	_ =	swait.ge [sflag:s24], $0x2000  }
0x97: {  	[sflag:s24] =	ssyncset.done $0x0  }
0x98: {  	[sflag:s24] =	ssyncadd.s32 $0xFFFFE000  }
0x99: {  	_ =	swait.ge [sflag:s29], $0x2000  }
0x9a: {  	[sflag:s29] =	ssyncset.done $0x0  }
0x9b: {  	[sflag:s29] =	ssyncadd.s32 $0xFFFFE000  }
0x9c: {  	_ =	swait.ge [sflag:s0], $0x2000  }
0x9d: {  	[sflag:s0] =	ssyncset.done $0x0  }
0x9e: {  	[sflag:s0] =	ssyncadd.s32 $0xFFFFE000  }
0x9f: {  	_ =	swait.ge [sflag:s28], $0x2000  }
0xa0: {  	s1 =	sadd.s32 $0x1, s1;
	[sflag:s28] =	ssyncset.done $0x0  }
0xa1: {  	p0 =	sne.s32 s1, s9;
	[sflag:s28] =	ssyncadd.s32 $0xFFFFE000  }
.Ltmp1:
0xa2: {  	s30 =	sor.u32 $0x1C0A, s12;
	[bflag:$0x0] =	sbarrier.arrive $0xFFFF;
	(pc) =	sbr.rel @p0 .LBB2_1-.Ltmp1, $4  }
0xa3: {  	[hbm:s8], [sflag:s30] =	dma.local [spmem:s14], $0x1400  }
0xa4: {  	_ =	swait.ge [sflag:s10], $0x1400  }
0xa5: {  	[sflag:s10] =	ssyncset.done $0x0  }
0xa6: {  	[sflag:s10] =	ssyncadd.s32 $0xFFFFEC00  }
0xa7: {  	_ =	sfence.sel $0x180000  }
0xa8: {  	[bflag:$0x0] =	sbarrier.arrive $0xFFFF  }
0xa9: {  	_ =	strace $0x9000004D  }
0xaa: {  	s0 =	stileid.u32;
	[bflag:$0x2] =	sbarrier.arrive $0xFFFF  }
0xab: {  	p0 =	sne.s32 s0, $0x0;
	s0 =	rddreg [dreg:$0x3]  }
0xac: {  	s0 =	sadd.s32 @!p0 $0x100000, s0  }
0xad: {  	[sflag:s0] =	ssyncadd.tile.s32 @!p0 $0x1;
	_ =	shalt  }
.Lfunc_end2:
_tile_overlayer_lowered:
.L_overlay_start_2:
0xae: {  	(tag) =	ssettag $0x2  }
0xaf: {  	s0 =	rddreg [dreg:$0x0];
	s2 =	stileid.u32  }
0xb0: {  	s1 =	rddreg [dreg:$0x1];
	p0 =	sne.s32 s2, $0x0  }
0xb1: {  	s3 =	rddreg [dreg:$0x2];
	[bflag:$0x3] =	sbarrier.arrive $0xFFFF;
	s2 =	simm.s32 @!p0 $0x1C0A  }
0xb2: {  	[timem:s3], [sflag:s2] =	dma.local @!p0 [hbm:s0], s1  }
0xb3: {  	s0 =	simm.s32 @!p0 $0xA  }
0xb4: {  	_ =	swait.ge @!p0 [sflag:s0], s1  }
0xb5: {  	s1 =	ssub.s32 @!p0 $0x0, s1;
	[sflag:s0] =	ssyncset.done @!p0 $0x0  }
0xb6: {  	[sflag:s0] =	ssyncadd.s32 @!p0 s1  }
0xb7: {  	[bflag:$0x3] =	sbarrier.arrive $0xFFFF  }
0xb8: {  	_ =	shalt  }

// kernel: kernel.20.cloned.1.call-start
scs
__scs_entry_jumppad:
0x0: {  	(pc) =	sbr.rel $0x88, $3  }
0x1: {  	(tag) =	ssettag $0x0;
	lr =	simm.s32 $0x1  }
0x2: {  	[smem:$0x3F99] =	sst lr;
	_ =	strace $0xD0000000  }
0x3: {  	_ = 	snop  }
0x4: {  	_ = 	snop  }
0x5: {  	_ = 	snop  }
0x6: {  	_ = 	snop  }
0x7: {  	_ = 	snop  }
__scs_overlays_trampoline_lowered:
0x8: {  	[smem:$0x3FA8] =	sst s0  }
0x9: {  	[smem:$0x3FA9] =	sst s1  }
0xa: {  	[smem:$0x3FAA] =	sst s2  }
0xb: {  	[smem:$0x3FAB] =	sst s3  }
0xc: {  	[smem:$0x3FAC] =	sst s4  }
0xd: {  	[smem:$0x3FAD] =	sst s5  }
0xe: {  	[smem:$0x3FAE] =	sst s6  }
0xf: {  	[smem:$0x3FAF] =	sst s7  }
0x10: {  	[smem:$0x3FB0] =	sst s8  }
0x11: {  	[smem:$0x3FB1] =	sst s9;
	s0 =	simm.s32 @!p0 $0x0  }
0x12: {  	s1 =	sld [smem:$0x3F97];
	s0 =	simm.s32 @p0 $0x1  }
0x13: {  	[smem:$0x3FB2] =	sst s0;
	s0 =	simm.s32 @!p1 $0x0  }
0x14: {  	s2 =	sld [smem:$0x3F96];
	s0 =	simm.s32 @p1 $0x1  }
0x15: {  	[smem:$0x3FB3] =	sst s0;
	s0 =	simm.s32 @!p2 $0x0  }
0x16: {  	s3 =	sld [smem:$0x3FDB];
	s0 =	simm.s32 @p2 $0x1  }
0x17: {  	s4 =	simm.s32 $0x1BF5;
	[smem:$0x3FB5] =	sst s0  }
0x18: {  	s0 =	sld [smem:$0x3F98];
	_ =	swait.ge [sflag:s4], $0x0  }
0x19: {  	s7 =	sld [smem:$0x3F99]  }
0x1a: {  	s8 =	sadd.s32 $0xFFFFE003, lr  }
0x1b: {  	s9 =	sadd.s32 $0xFFFFFEF7, lr;
	s5 =	simm.s32 $0xFFFFFFFF;
	p2 =	slt.u32 s8, $0xFFFFF086  }
0x1c: {  	p1 =	slt.u32 s9, $0xF7A;
	s5 =	simm.s32 @!p2 $0x0  }
0x1d: {  	s5 =	simm.s32 @p1 $0x1;
	p0 =	seq.s32 s7, s2  }
0x1e: {  	s7 =	smul.u32 @!p0 $0xF7A, s2;
	p2 =	seq.s32 @!p0 s5, $0x0  }
0x1f: {  	s9 =	smul.u32 $0xF7A, s1;
	s8 =	simm.s32 @!p0 $0x1BF5;
	p2 =	por !p2, p0  }
0x20: {  	[sflag:s8] =	ssyncset.s32 @!p0 $0xFFFFF086;
	s6 =	sadd.s32 @!p0 s3, s7;
	s7 =	simm.s32 @!p0 $0x108  }
0x21: {  	s3 =	sadd.s32 s3, s9;
	s6 =	sadd.s32 @!p0 $0x88, s6;
	s7 =	simm.s32 @p2 $0x1082  }
0x22: {  	[simem:s7], [sflag:s8] =	dma.local @!p0 [hbm:s6], $0xF7A  }
0x23: {  	s9 =	sor.u32 $0xD0000000, s2;
	s6 =	simm.s32 $0x108;
	_ =	swait.ge @!p0 [sflag:s8], $0x0  }
0x24: {  	s3 =	sadd.s32 $0x88, s3;
	s6 =	simm.s32 @!p1 $0x1082;
	[sflag:s4] =	ssyncset.s32 $0xFFFFF086  }
0x25: {  	[simem:s6], [sflag:s4] =	dma.local [hbm:s3], $0xF7A  }
0x26: {  	[smem:$0x3F99] =	sst s1;
	(tag) =	ssettag s2;
	_ =	strace s9  }
0x27: {  	s1 =	sld [smem:$0x3FA9]  }
0x28: {  	s2 =	sld [smem:$0x3FAA]  }
0x29: {  	s4 =	sld [smem:$0x3FAC]  }
0x2a: {  	p0 =	seq.s32 s5, $0x0;
	s5 =	sld [smem:$0x3FAD]  }
0x2b: {  	s6 =	sld [smem:$0x3FAE]  }
0x2c: {  	s7 =	sld [smem:$0x3FAF]  }
0x2d: {  	s3 =	simm.s32 $0x108;
	s8 =	sld [smem:$0x3FB0]  }
0x2e: {  	s3 =	simm.s32 @!p0 $0x1082;
	s9 =	sld [smem:$0x3FB1]  }
0x2f: {  	lr =	sadd.s32 s0, s3;
	s0 =	sld [smem:$0x3FA8]  }
0x30: {  	s3 =	sld [smem:$0x3FAB]  }
0x31: {  	[smem:$0x3FB4] =	sst s10  }
0x32: {  	s10 =	sld [smem:$0x3FB2];
	_ =	sdelay $0x3  }
0x33: {  	p0 =	seq.s32 s10, $0x1;
	s10 =	sld [smem:$0x3FB4];
	_ =	sdelay $0x3  }
0x34: {  	[smem:$0x3FB4] =	sst s10  }
0x35: {  	s10 =	sld [smem:$0x3FB3];
	_ =	sdelay $0x3  }
0x36: {  	p1 =	seq.s32 s10, $0x1;
	s10 =	sld [smem:$0x3FB4];
	_ =	sdelay $0x3  }
0x37: {  	[smem:$0x3FB4] =	sst s10  }
0x38: {  	s10 =	sld [smem:$0x3FB5]  }
0x39: {  	_ = 	snop;
	(pc) =	sbr.ind lr, $3  }
0x3a: {  	_ = 	snop  }
0x3b: {  	_ = 	snop  }
0x3c: {  	p2 =	seq.s32 s10, $0x1;
	s10 =	sld [smem:$0x3FB4]  }
0x3d: {  	_ =	shalt  }
0x3e: {  	_ =	shalt  }
0x3f: {  	_ =	shalt  }
0x40: {  	_ =	shalt  }
0x41: {  	_ =	shalt  }
0x42: {  	_ =	shalt  }
0x43: {  	_ =	shalt  }
0x44: {  	_ =	shalt  }
0x45: {  	_ =	shalt  }
0x46: {  	_ =	shalt  }
0x47: {  	_ =	shalt  }
0x48: {  	_ =	shalt  }
0x49: {  	_ =	shalt  }
0x4a: {  	_ =	shalt  }
0x4b: {  	_ =	shalt  }
0x4c: {  	_ =	shalt  }
0x4d: {  	_ =	shalt  }
0x4e: {  	_ =	shalt  }
0x4f: {  	_ =	shalt  }
0x50: {  	_ =	shalt  }
0x51: {  	_ =	shalt  }
0x52: {  	_ =	shalt  }
0x53: {  	_ =	shalt  }
0x54: {  	_ =	shalt  }
0x55: {  	_ =	shalt  }
0x56: {  	_ =	shalt  }
0x57: {  	_ =	shalt  }
0x58: {  	_ =	shalt  }
0x59: {  	_ =	shalt  }
0x5a: {  	_ =	shalt  }
0x5b: {  	_ =	shalt  }
0x5c: {  	_ =	shalt  }
0x5d: {  	_ =	shalt  }
0x5e: {  	_ =	shalt  }
0x5f: {  	_ =	shalt  }
0x60: {  	_ =	shalt  }
0x61: {  	_ =	shalt  }
0x62: {  	_ =	shalt  }
0x63: {  	_ =	shalt  }
0x64: {  	_ =	shalt  }
0x65: {  	_ =	shalt  }
0x66: {  	_ =	shalt  }
0x67: {  	_ =	shalt  }
0x68: {  	_ =	shalt  }
0x69: {  	_ =	shalt  }
0x6a: {  	_ =	shalt  }
0x6b: {  	_ =	shalt  }
0x6c: {  	_ =	shalt  }
0x6d: {  	_ =	shalt  }
0x6e: {  	_ =	shalt  }
0x6f: {  	_ =	shalt  }
0x70: {  	_ =	shalt  }
0x71: {  	_ =	shalt  }
0x72: {  	_ =	shalt  }
0x73: {  	_ =	shalt  }
0x74: {  	_ =	shalt  }
0x75: {  	_ =	shalt  }
0x76: {  	_ =	shalt  }
0x77: {  	_ =	shalt  }
0x78: {  	_ =	shalt  }
0x79: {  	_ =	shalt  }
0x7a: {  	_ =	shalt  }
0x7b: {  	_ =	shalt  }
0x7c: {  	_ =	shalt  }
0x7d: {  	_ =	shalt  }
0x7e: {  	_ =	shalt  }
0x7f: {  	_ =	shalt  }
0x80: {  	_ =	shalt  }
0x81: {  	_ =	shalt  }
0x82: {  	_ =	shalt  }
0x83: {  	_ =	shalt  }
0x84: {  	_ =	shalt  }
0x85: {  	_ =	shalt  }
0x86: {  	_ =	shalt  }
0x87: {  	_ =	shalt  }
.Lfunc_end0:
.L_simem_size_0:
called_computation.3_lowered:
.L_overlay_start_0:
0x88: {  	s2 =	sld [smem:$0x3FD9]  }
0x89: {  	s3 =	sld [smem:$0x3FFE];
	_ =	sdelay $0x1  }
0x8a: {  	s1 =	srdreg.scid  }
0x8b: {  	s0 =	sand.u32 $0x1, s1  }
0x8c: {  	s17 =	sshll.u32 s0, $0xA;
	s2 =	sadd.s32 s3, s2  }
0x8d: {  	s2 =	sadd.s32 s2, s17  }
0x8e: {  	[smem:$0x3FC0] =	sst s2  }
0x8f: {  	_ = 	snop  }
0x90: {  	s2 =	sld [smem:$0x3FD0];
	(tm) =	ssettm $0x1  }
0x91: {  	s18 =	sld [smem:$0x3FFB];
	_ =	sdelay $0x3  }
0x92: {  	_ =	strace s18  }
0x93: {  	s3 =	sld [smem:$0x3FFC];
	_ =	sdelay $0x3  }
0x94: {  	_ =	strace s3  }
0x95: {  	s3 =	sld [smem:$0x3FFD];
	_ =	sdelay $0x3  }
0x96: {  	_ =	strace s3  }
0x97: {  	_ =	strace $0x8FFFFFFF  }
0x98: {  	s19 =	sld [smem:$0x3FDB];
	_ =	sdelay $0x1  }
0x99: {  	s4 =	simm.s32 $_scs_section_size  }
0x9a: {  	s5 =	simm.s32 $_size__tile_overlayer_lowered;
	s6 =	simm.s32 $_tile_overlayer_lowered  }
0x9b: {  	s22 =	simm.s32 $0x1BFF;
	s21 =	sshll.u32 s6, $0x1;
	s3 =	sadd.s32 s4, s19  }
0x9c: {  	s7 =	simm.s32 $0x0;
	s20 =	sshll.u32 s5, $0x1;
	s5 =	sadd.s32 s21, s3  }
0x9d: {  	[timem:s7], [sflag:s22] =	dma.local [hbm:s5], s20  }
0x9e: {  	_ =	swait.ge [sflag:s22], s20  }
0x9f: {  	s4 =	ssub.s32 $0x0, s20;
	[sflag:s22] =	ssyncset.done $0x0  }
0xa0: {  	[sflag:s22] =	ssyncadd.s32 s4;
	_ =	sdelay $0x1  }
0xa1: {  	s23 =	simm.s32 $0x1B8B  }
0xa2: {  	_ =	swait.ge [sflag:s23], $0x1  }
0xa3: {  	[sflag:s23] =	ssyncset.done $0x0  }
0xa4: {  	s25 =	simm.s32 $0x1B8E;
	s24 =	sld [smem:$0x3FFE];
	[sflag:s23] =	ssyncadd.s32 $0xFFFFFFFF  }
0xa5: {  	s26 =	simm.s32 $execute0_lowered;
	[smem:$0x3FD2] =	sst s25  }
0xa6: {  	s5 =	sshll.u32 s26, $0x1;
	_ =	strace $0x8000004F;
	[dreg:$0x1] =	wrdreg $0xFFFFFFFF  }
0xa7: {  	s28 =	simm.s32 $_size_execute0_lowered;
	s3 =	sadd.s32 s3, s5;
	[dreg:$0x0] =	wrdreg $0x0  }
0xa8: {  	s5 =	sshll.u32 s28, $0x1;
	[dreg:$0x2] =	wrdreg s3  }
0xa9: {  	[dreg:$0x3] =	wrdreg s5  }
0xaa: {  	[dreg:$0x4] =	wrdreg $0xC0  }
0xab: {  	_ =	task [dreg:s7], $0x5FFFF  }
0xac: {  	[dreg:$0x1] =	wrdreg $0xFFFFFFFF  }
0xad: {  	[dreg:$0x0] =	wrdreg $0x60  }
0xae: {  	[dreg:$0x2] =	wrdreg s24  }
0xaf: {  	[dreg:$0x3] =	wrdreg s2  }
0xb0: {  	[dreg:$0x4] =	wrdreg $0xD0000  }
0xb1: {  	[dreg:$0x5] =	wrdreg $0x9  }
0xb2: {  	_ =	task.clear_ibuf [dreg:s7], $0x6FFFF;
	_ =	strace $0x9000004F  }
0xb3: {  	s29 =	simm.s32 $0x9;
	_ =	strace $0x80000051  }
0xb4: {  	_ =	swait.ge [sflag:s29], $0x1  }
0xb5: {  	[sflag:s29] =	ssyncadd.s32 $0xFFFFFFFF  }
0xb6: {  	_ =	strace $0x90000051  }
0xb7: {  	_ =	sfence  }
0xb8: {  	s30 =	sld [smem:$0x0];
	_ =	sdelay $0x2  }
0xb9: {  	s31 =	sshll.u32 s1, $0xD;
	s1 =	sshrl.u32 s1, $0x2  }
0xba: {  	s3 =	sand.u32 $0x4000, s31;
	s1 =	sadd.s32 s1, s30  }
0xbb: {  	s0 =	sor.u32 s3, s0;
	s1 =	sshll.u32 s1, $0x11  }
0xbc: {  	s0 =	sor.u32 s1, s0  }
0xbd: {  	s0 =	sadd.s32 $0x8F2B, s0  }
0xbe: {  	[sflag:s0] =	ssyncadd.remote.s32 $0x1  }
0xbf: {  	_ =	sfence.sel $0xFFFF  }
0xc0: {  	[dreg:$0x0] =	wrdreg $0xFFFFFFFF;
	(pc) =	sbr.abs _section_cstart, $3  }
0xc1: {  	[dreg:$0x1] =	wrdreg $0xFFFFFFFF  }
0xc2: {  	_ =	task.clear_ibuf [dreg:s7], $0x2FFFF;
	_ =	strace $0x9FFFFFFF  }
0xc3: {  	(tm) =	ssettm $0x7FFFFFFF  }
tec
execute0_lowered:
.L_overlay_start_1:
0x0: {  	(tag) =	ssettag $0x1  }
0x1: {  	s0 =	srdreg.scid;
	s1 =	rddreg [dreg:$0x0]  }
0x2: {  	s12 =	stileid.u32;
	s6 =	rddreg [dreg:$0x1];
	s15 =	simm.s32 $0x80  }
0x3: {  	s16 =	simm.s32 $0x5000;
	s17 =	simm.s32 $0x7000;
	s19 =	simm.s32 $0x9000  }
0x4: {  	s20 =	simm.s32 $0x1;
	s22 =	simm.s32 $0xB000;
	s23 =	simm.s32 $0x2  }
0x5: {  	s24 =	simm.s32 $0x6;
	s26 =	simm.s32 $0x3;
	s29 =	simm.s32 $0x7  }
0x6: {  	s31 =	simm.s32 $0x4;
	s21 =	simm.s32 $0x5;
	s28 =	simm.s32 $0x9  }
0x7: {  	s0 =	sand.u32 $0x1, s0;
	s2 =	sshll.u32 s12, $0x1;
	s8 =	smul.u32 $0xA000, s12  }
0x8: {  	s4 =	sadd.s32 $0x17400, s1;
	s12 =	sshll.u32 s12, $0x6;
	s3 =	sor.u32 s0, s2  }
0x9: {  	s2 =	rddreg [dreg:$0x2];
	s5 =	smul.u32 $0xA0000, s0;
	s0 =	ssub.s32 $0x2, s0  }
0xa: {  	s13 =	sor.u32 $0x1C01, s12;
	s7 =	smul.u32 $0x500, s3;
	s3 =	simm.s32 $0x0  }
0xb: {  	s10 =	sshrl.u32 s8, $0x3;
	s11 =	sshrl.u32 s0, $0x1;
	s14 =	sadd.s32 s8, s2  }
0xc: {  	[smem:$0x7FF] =	sst s3;
	s5 =	sadd.s32 s8, s5;
	s10 =	sadd.s32 s10, s1  }
0xd: {  	s0 =	ssub.s32 s0, s11;
	s11 =	simm.s32 $0x2800;
	s14 =	sshrl.u32 s14, $0x3  }
0xe: {  	_ =	strace $0x80000050;
	s9 =	sadd.s32 s7, s1;
	s5 =	sshrl.u32 s5, $0x3  }
0xf: {  	s6 =	sadd.s32 s6, s7;
	s7 =	sadd.s32 $0x2B400, s10;
	s10 =	simm.s32 $0xA  }
0x10: {  	s1 =	sadd.s32 s5, s1;
	s5 =	sadd.s32 $0xD400, s9;
	s9 =	smax.u32 s0, $0x1  }
0x11: {  	s0 =	simm.s32 $0x8;
	s8 =	sadd.s32 $0x3F400, s1;
	s1 =	simm.s32 $0x0  }
.LBB2_1:
0x12: {  	[tilespmem:s3], [sflag:$0xA] =	stream.linear.gather [hbm4b:s5+s3], $0x2800, $0x38;
	[tilespmem:$0x17000] =	vst v63  }
0x13: {  	_ =	swait.ge [sflag:s10], $0x2800  }
0x14: {  	[sflag:s10] =	ssyncset.done $0x0  }
0x15: {  	[sflag:s10] =	ssyncadd.s32 $0xFFFFD800  }
0x16: {  	[tilespmem:s11], [sflag:$0xA] =	stream.linear.gather [hbm4b:s6+s3], $0x2800, $0x38;
	[tilespmem:$0x17000] =	vst v63  }
0x17: {  	_ =	swait.ge [sflag:s10], $0x2800  }
0x18: {  	[sflag:s10] =	ssyncset.done $0x0  }
0x19: {  	[sflag:s10] =	ssyncadd.s32 $0xFFFFD800  }
0x1a: {  	[spmem:s14], [sflag:s13] =	dma.local [hbm:s7], $0x1400  }
0x1b: {  	[tilespmem:s16], [sflag:$0x2] =	stream.indirect.gather [hbm4b:s4+s15], $0x40, s3, s15, $0xb8;
	[tilespmem:$0x17000] =	vst v63  }
0x1c: {  	_ = 	snop  }
0x1d: {  	[tilespmem:s17], [sflag:$0x3] =	stream.indirect.gather [hbm4b:s4+s15], $0x40, s15, s15, $0xb8;
	[tilespmem:$0x17000] =	vst v63  }
0x1e: {  	s18 =	simm.s32 $0x100  }
0x1f: {  	[tilespmem:s19], [sflag:$0x4] =	stream.indirect.gather [hbm4b:s4+s15], $0x40, s18, s15, $0xb8;
	[tilespmem:$0x17000] =	vst v63  }
0x20: {  	_ =	swait.ge [sflag:s20], $0x1400  }
0x21: {  	[sflag:s20] =	ssyncset.done $0x0  }
0x22: {  	[sflag:s20] =	ssyncadd.s32 $0xFFFFEC00  }
0x23: {  	s25 =	simm.s32 $0x180;
	[bflag:$0x0] =	sbarrier.arrive $0xFFFF  }
0x24: {  	[tilespmem:s22], [sflag:$0x5] =	stream.indirect.gather [hbm4b:s4+s15], $0x40, s25, s15, $0xb8;
	[tilespmem:$0x17000] =	vst v63  }
0x25: {  	_ =	swait.ge [sflag:s23], $0x2000  }
0x26: {  	[sflag:s23] =	ssyncset.done $0x0  }
0x27: {  	[sflag:s23] =	ssyncadd.s32 $0xFFFFE000  }
0x28: {  	[spmem:s2] =	stream.indirect.scatter.add.f32 [tilespmem:s16], [sflag:$0x6], $0x40, s11, s15, $0xb8;
	[tilespmem:$0x17000] =	vst v63  }
0x29: {  	_ =	swait.ge [sflag:s24], $0x2000  }
0x2a: {  	[sflag:s24] =	ssyncset.done $0x0  }
0x2b: {  	s30 =	simm.s32 $0x200;
	[sflag:s24] =	ssyncadd.s32 $0xFFFFE000  }
0x2c: {  	[tilespmem:s16], [sflag:$0x2] =	stream.indirect.gather [hbm4b:s4+s15], $0x40, s30, s15, $0xb8;
	[tilespmem:$0x17000] =	vst v63  }
0x2d: {  	_ =	swait.ge [sflag:s26], $0x2000  }
0x2e: {  	[sflag:s26] =	ssyncset.done $0x0  }
0x2f: {  	s25 =	simm.s32 $0x2880;
	[sflag:s26] =	ssyncadd.s32 $0xFFFFE000  }
0x30: {  	[spmem:s2] =	stream.indirect.scatter.add.f32 [tilespmem:s17], [sflag:$0x7], $0x40, s25, s15, $0xb8;
	[tilespmem:$0x17000] =	vst v63  }
0x31: {  	_ =	swait.ge [sflag:s29], $0x2000  }
0x32: {  	[sflag:s29] =	ssyncset.done $0x0  }
0x33: {  	s30 =	simm.s32 $0x280;
	[sflag:s29] =	ssyncadd.s32 $0xFFFFE000  }
0x34: {  	[tilespmem:s17], [sflag:$0x3] =	stream.indirect.gather [hbm4b:s4+s15], $0x40, s30, s15, $0xb8;
	[tilespmem:$0x17000] =	vst v63  }
0x35: {  	_ =	swait.ge [sflag:s31], $0x2000  }
0x36: {  	[sflag:s31] =	ssyncset.done $0x0  }
0x37: {  	s25 =	simm.s32 $0x2900;
	[sflag:s31] =	ssyncadd.s32 $0xFFFFE000  }
0x38: {  	[spmem:s2] =	stream.indirect.scatter.add.f32 [tilespmem:s19], [sflag:$0x8], $0x40, s25, s15, $0xb8;
	[tilespmem:$0x17000] =	vst v63  }
0x39: {  	_ =	swait.ge [sflag:s0], $0x2000  }
0x3a: {  	[sflag:s0] =	ssyncset.done $0x0  }
0x3b: {  	s30 =	simm.s32 $0x300;
	[sflag:s0] =	ssyncadd.s32 $0xFFFFE000  }
0x3c: {  	[tilespmem:s19], [sflag:$0x4] =	stream.indirect.gather [hbm4b:s4+s15], $0x40, s30, s15, $0xb8;
	[tilespmem:$0x17000] =	vst v63  }
0x3d: {  	_ =	swait.ge [sflag:s21], $0x2000  }
0x3e: {  	[sflag:s21] =	ssyncset.done $0x0  }
0x3f: {  	s25 =	simm.s32 $0x2980;
	[sflag:s21] =	ssyncadd.s32 $0xFFFFE000  }
0x40: {  	[spmem:s2] =	stream.indirect.scatter.add.f32 [tilespmem:s22], [sflag:$0x9], $0x40, s25, s15, $0xb8;
	[tilespmem:$0x17000] =	vst v63  }
0x41: {  	_ =	swait.ge [sflag:s28], $0x2000  }
0x42: {  	[sflag:s28] =	ssyncset.done $0x0  }
0x43: {  	s30 =	simm.s32 $0x380;
	[sflag:s28] =	ssyncadd.s32 $0xFFFFE000  }
0x44: {  	[tilespmem:s22], [sflag:$0x5] =	stream.indirect.gather [hbm4b:s4+s15], $0x40, s30, s15, $0xb8;
	[tilespmem:$0x17000] =	vst v63  }
0x45: {  	_ =	swait.ge [sflag:s23], $0x2000  }
0x46: {  	[sflag:s23] =	ssyncset.done $0x0  }
0x47: {  	s25 =	simm.s32 $0x2A00;
	[sflag:s23] =	ssyncadd.s32 $0xFFFFE000  }
0x48: {  	[spmem:s2] =	stream.indirect.scatter.add.f32 [tilespmem:s16], [sflag:$0x6], $0x40, s25, s15, $0xb8;
	[tilespmem:$0x17000] =	vst v63  }
0x49: {  	_ =	swait.ge [sflag:s24], $0x2000  }
0x4a: {  	[sflag:s24] =	ssyncset.done $0x0  }
0x4b: {  	s30 =	simm.s32 $0x400;
	[sflag:s24] =	ssyncadd.s32 $0xFFFFE000  }
0x4c: {  	[tilespmem:s16], [sflag:$0x2] =	stream.indirect.gather [hbm4b:s4+s15], $0x40, s30, s15, $0xb8;
	[tilespmem:$0x17000] =	vst v63  }
0x4d: {  	_ =	swait.ge [sflag:s26], $0x2000  }
0x4e: {  	[sflag:s26] =	ssyncset.done $0x0  }
0x4f: {  	s25 =	simm.s32 $0x2A80;
	[sflag:s26] =	ssyncadd.s32 $0xFFFFE000  }
0x50: {  	[spmem:s2] =	stream.indirect.scatter.add.f32 [tilespmem:s17], [sflag:$0x7], $0x40, s25, s15, $0xb8;
	[tilespmem:$0x17000] =	vst v63  }
0x51: {  	_ =	swait.ge [sflag:s29], $0x2000  }
0x52: {  	[sflag:s29] =	ssyncset.done $0x0  }
0x53: {  	s30 =	simm.s32 $0x480;
	[sflag:s29] =	ssyncadd.s32 $0xFFFFE000  }
0x54: {  	[tilespmem:s17], [sflag:$0x3] =	stream.indirect.gather [hbm4b:s4+s15], $0x40, s30, s15, $0xb8;
	[tilespmem:$0x17000] =	vst v63  }
0x55: {  	_ =	swait.ge [sflag:s31], $0x2000  }
0x56: {  	[sflag:s31] =	ssyncset.done $0x0  }
0x57: {  	s25 =	simm.s32 $0x2B00;
	[sflag:s31] =	ssyncadd.s32 $0xFFFFE000  }
0x58: {  	[spmem:s2] =	stream.indirect.scatter.add.f32 [tilespmem:s19], [sflag:$0x8], $0x40, s25, s15, $0xb8;
	[tilespmem:$0x17000] =	vst v63  }
0x59: {  	_ =	swait.ge [sflag:s0], $0x2000  }
0x5a: {  	[sflag:s0] =	ssyncset.done $0x0  }
0x5b: {  	s30 =	simm.s32 $0x500;
	[sflag:s0] =	ssyncadd.s32 $0xFFFFE000  }
0x5c: {  	[tilespmem:s19], [sflag:$0x4] =	stream.indirect.gather [hbm4b:s4+s15], $0x40, s30, s15, $0xb8;
	[tilespmem:$0x17000] =	vst v63  }
0x5d: {  	_ =	swait.ge [sflag:s21], $0x2000  }
0x5e: {  	[sflag:s21] =	ssyncset.done $0x0  }
0x5f: {  	s18 =	simm.s32 $0x800;
	s25 =	simm.s32 $0x2B80;
	[sflag:s21] =	ssyncadd.s32 $0xFFFFE000  }
.LBB2_2:
0x60: {  	[spmem:s2] =	stream.indirect.scatter.add.f32 [tilespmem:s22], [sflag:$0x9], $0x40, s25, s15, $0xb8;
	[tilespmem:$0x17000] =	vst v63  }
0x61: {  	s25 =	smov.u32 s18  }
0x62: {  	p0 =	sne.s32 s18, $0x8800;
	s18 =	sadd.s32 $0x800, s18;
	_ =	swait.ge [sflag:s28], $0x2000  }
0x63: {  	s25 =	sshra.s32 s25, $0x2;
	[sflag:s28] =	ssyncset.done $0x0  }
0x64: {  	s30 =	sadd.s32 $0x380, s25;
	[sflag:s28] =	ssyncadd.s32 $0xFFFFE000  }
0x65: {  	[tilespmem:s22], [sflag:$0x5] =	stream.indirect.gather [hbm4b:s4+s15], $0x40, s30, s15, $0xb8;
	[tilespmem:$0x17000] =	vst v63  }
0x66: {  	_ =	swait.ge [sflag:s23], $0x2000  }
0x67: {  	[sflag:s23] =	ssyncset.done $0x0  }
0x68: {  	s30 =	sadd.s32 $0x2A00, s25;
	[sflag:s23] =	ssyncadd.s32 $0xFFFFE000  }
0x69: {  	[spmem:s2] =	stream.indirect.scatter.add.f32 [tilespmem:s16], [sflag:$0x6], $0x40, s30, s15, $0xb8;
	[tilespmem:$0x17000] =	vst v63  }
0x6a: {  	_ =	swait.ge [sflag:s24], $0x2000  }
0x6b: {  	[sflag:s24] =	ssyncset.done $0x0  }
0x6c: {  	s30 =	sadd.s32 $0x400, s25;
	[sflag:s24] =	ssyncadd.s32 $0xFFFFE000  }
0x6d: {  	[tilespmem:s16], [sflag:$0x2] =	stream.indirect.gather [hbm4b:s4+s15], $0x40, s30, s15, $0xb8;
	[tilespmem:$0x17000] =	vst v63  }
0x6e: {  	_ =	swait.ge [sflag:s26], $0x2000  }
0x6f: {  	[sflag:s26] =	ssyncset.done $0x0  }
0x70: {  	s30 =	sadd.s32 $0x2A80, s25;
	[sflag:s26] =	ssyncadd.s32 $0xFFFFE000  }
0x71: {  	[spmem:s2] =	stream.indirect.scatter.add.f32 [tilespmem:s17], [sflag:$0x7], $0x40, s30, s15, $0xb8;
	[tilespmem:$0x17000] =	vst v63  }
0x72: {  	_ =	swait.ge [sflag:s29], $0x2000  }
0x73: {  	[sflag:s29] =	ssyncset.done $0x0  }
0x74: {  	s30 =	sadd.s32 $0x480, s25;
	[sflag:s29] =	ssyncadd.s32 $0xFFFFE000  }
0x75: {  	[tilespmem:s17], [sflag:$0x3] =	stream.indirect.gather [hbm4b:s4+s15], $0x40, s30, s15, $0xb8;
	[tilespmem:$0x17000] =	vst v63  }
0x76: {  	_ =	swait.ge [sflag:s31], $0x2000  }
0x77: {  	[sflag:s31] =	ssyncset.done $0x0  }
0x78: {  	s30 =	sadd.s32 $0x2B00, s25;
	[sflag:s31] =	ssyncadd.s32 $0xFFFFE000  }
0x79: {  	[spmem:s2] =	stream.indirect.scatter.add.f32 [tilespmem:s19], [sflag:$0x8], $0x40, s30, s15, $0xb8;
	[tilespmem:$0x17000] =	vst v63  }
0x7a: {  	_ =	swait.ge [sflag:s0], $0x2000  }
0x7b: {  	[sflag:s0] =	ssyncset.done $0x0  }
.Ltmp0:
0x7c: {  	s30 =	sadd.s32 $0x500, s25;
	[sflag:s0] =	ssyncadd.s32 $0xFFFFE000;
	(pc) =	sbr.rel @p0 .LBB2_2-.Ltmp0, $4  }
0x7d: {  	[tilespmem:s19], [sflag:$0x4] =	stream.indirect.gather [hbm4b:s4+s15], $0x40, s30, s15, $0xb8;
	[tilespmem:$0x17000] =	vst v63  }
0x7e: {  	_ =	swait.ge [sflag:s21], $0x2000  }
0x7f: {  	[sflag:s21] =	ssyncset.done $0x0  }
0x80: {  	s25 =	sadd.s32 $0x2B80, s25;
	[sflag:s21] =	ssyncadd.s32 $0xFFFFE000  }
0x81: {  	[spmem:s2] =	stream.indirect.scatter.add.f32 [tilespmem:s22], [sflag:$0x9], $0x40, s25, s15, $0xb8;
	[tilespmem:$0x17000] =	vst v63  }
0x82: {  	_ =	swait.ge [sflag:s28], $0x2000  }
0x83: {  	[sflag:s28] =	ssyncset.done $0x0  }
0x84: {  	s18 =	simm.s32 $0x2780;
	[sflag:s28] =	ssyncadd.s32 $0xFFFFE000  }
0x85: {  	[tilespmem:s22], [sflag:$0x5] =	stream.indirect.gather [hbm4b:s4+s15], $0x40, s18, s15, $0xb8;
	[tilespmem:$0x17000] =	vst v63  }
0x86: {  	_ =	swait.ge [sflag:s23], $0x2000  }
0x87: {  	[sflag:s23] =	ssyncset.done $0x0  }
0x88: {  	s30 =	simm.s32 $0x4E00;
	[sflag:s23] =	ssyncadd.s32 $0xFFFFE000  }
0x89: {  	[spmem:s2] =	stream.indirect.scatter.add.f32 [tilespmem:s16], [sflag:$0x6], $0x40, s30, s15, $0xb8;
	[tilespmem:$0x17000] =	vst v63  }
0x8a: {  	_ =	swait.ge [sflag:s26], $0x2000  }
0x8b: {  	[sflag:s26] =	ssyncset.done $0x0  }
0x8c: {  	s25 =	simm.s32 $0x4E80;
	[sflag:s26] =	ssyncadd.s32 $0xFFFFE000  }
0x8d: {  	[spmem:s2] =	stream.indirect.scatter.add.f32 [tilespmem:s17], [sflag:$0x7], $0x40, s25, s15, $0xb8;
	[tilespmem:$0x17000] =	vst v63  }
0x8e: {  	_ =	swait.ge [sflag:s31], $0x2000  }
0x8f: {  	[sflag:s31] =	ssyncset.done $0x0  }
0x90: {  	s30 =	simm.s32 $0x4F00;
	[sflag:s31] =	ssyncadd.s32 $0xFFFFE000  }
0x91: {  	[spmem:s2] =	stream.indirect.scatter.add.f32 [tilespmem:s19], [sflag:$0x8], $0x40, s30, s15, $0xb8;
	[tilespmem:$0x17000] =	vst v63  }
0x92: {  	_ =	swait.ge [sflag:s21], $0x2000  }
0x93: {  	[sflag:s21] =	ssyncset.done $0x0  }
0x94: {  	s25 =	simm.s32 $0x4F80;
	[sflag:s21] =	ssyncadd.s32 $0xFFFFE000  }
0x95: {  	[spmem:s2] =	stream.indirect.scatter.add.f32 [tilespmem:s22], [sflag:$0x9], $0x40, s25, s15, $0xb8;
	[tilespmem:$0x17000] =	vst v63  }
0x96: {  	_ =	swait.ge [sflag:s24], $0x2000  }
0x97: {  	[sflag:s24] =	ssyncset.done $0x0  }
0x98: {  	[sflag:s24] =	ssyncadd.s32 $0xFFFFE000  }
0x99: {  	_ =	swait.ge [sflag:s29], $0x2000  }
0x9a: {  	[sflag:s29] =	ssyncset.done $0x0  }
0x9b: {  	[sflag:s29] =	ssyncadd.s32 $0xFFFFE000  }
0x9c: {  	_ =	swait.ge [sflag:s0], $0x2000  }
0x9d: {  	[sflag:s0] =	ssyncset.done $0x0  }
0x9e: {  	[sflag:s0] =	ssyncadd.s32 $0xFFFFE000  }
0x9f: {  	_ =	swait.ge [sflag:s28], $0x2000  }
0xa0: {  	s1 =	sadd.s32 $0x1, s1;
	[sflag:s28] =	ssyncset.done $0x0  }
0xa1: {  	p0 =	sne.s32 s1, s9;
	[sflag:s28] =	ssyncadd.s32 $0xFFFFE000  }
.Ltmp1:
0xa2: {  	s30 =	sor.u32 $0x1C0A, s12;
	[bflag:$0x0] =	sbarrier.arrive $0xFFFF;
	(pc) =	sbr.rel @p0 .LBB2_1-.Ltmp1, $4  }
0xa3: {  	[hbm:s8], [sflag:s30] =	dma.local [spmem:s14], $0x1400  }
0xa4: {  	_ =	swait.ge [sflag:s10], $0x1400  }
0xa5: {  	[sflag:s10] =	ssyncset.done $0x0  }
0xa6: {  	[sflag:s10] =	ssyncadd.s32 $0xFFFFEC00  }
0xa7: {  	_ =	sfence.sel $0x180000  }
0xa8: {  	[bflag:$0x0] =	sbarrier.arrive $0xFFFF  }
0xa9: {  	_ =	strace $0x90000050  }
0xaa: {  	s0 =	stileid.u32;
	[bflag:$0x2] =	sbarrier.arrive $0xFFFF  }
0xab: {  	p0 =	sne.s32 s0, $0x0;
	s0 =	rddreg [dreg:$0x3]  }
0xac: {  	s0 =	sadd.s32 @!p0 $0x100000, s0  }
0xad: {  	[sflag:s0] =	ssyncadd.tile.s32 @!p0 $0x1;
	_ =	shalt  }
.Lfunc_end2:
_tile_overlayer_lowered:
.L_overlay_start_2:
0xae: {  	(tag) =	ssettag $0x2  }
0xaf: {  	s0 =	rddreg [dreg:$0x0];
	s2 =	stileid.u32  }
0xb0: {  	s1 =	rddreg [dreg:$0x1];
	p0 =	sne.s32 s2, $0x0  }
0xb1: {  	s3 =	rddreg [dreg:$0x2];
	[bflag:$0x3] =	sbarrier.arrive $0xFFFF;
	s2 =	simm.s32 @!p0 $0x1C0A  }
0xb2: {  	[timem:s3], [sflag:s2] =	dma.local @!p0 [hbm:s0], s1  }
0xb3: {  	s0 =	simm.s32 @!p0 $0xA  }
0xb4: {  	_ =	swait.ge @!p0 [sflag:s0], s1  }
0xb5: {  	s1 =	ssub.s32 @!p0 $0x0, s1;
	[sflag:s0] =	ssyncset.done @!p0 $0x0  }
0xb6: {  	[sflag:s0] =	ssyncadd.s32 @!p0 s1  }
0xb7: {  	[bflag:$0x3] =	sbarrier.arrive $0xFFFF  }
0xb8: {  	_ =	shalt  }

</sc_bundles>
